<compile_context>
chip_gen: v7x
topology: tpu7x:2x2x1
jax: 0.10.2.dev20260603
libtpu: 0.0.44.dev20260713+nightly
codegen_flags: <defaults>
</compile_context>

<pallas_src>
import functools

import jax
import jax.numpy as jnp
from jax import lax
from jax.experimental import pallas as pl
from jax.experimental.pallas import tpu as pltpu
from jax.experimental.pallas import tpu_sc as plsc

D_M = 128
D_H = 128
ALPHA = 256
D_V = 64
H = 8
L = 256

_LANES = 16
_NW = 32
_ROWS_PER_W = D_M // _NW


def _sc_prep(x, t_i, gm_b):
    mesh = plsc.VectorSubcoreMesh(core_axis_name="c", subcore_axis_name="s")
    row = jax.ShapeDtypeStruct((D_M, ALPHA), jnp.float32)

    @functools.partial(
        pl.kernel,
        mesh=mesh,
        out_type=(row, row, row),
        compiler_params=pltpu.CompilerParams(needs_layout_passes=False),
        scratch_types=[
            pltpu.VMEM((L,), jnp.int32),
            pltpu.VMEM((L,), jnp.float32),
            pltpu.VMEM((ALPHA,), jnp.int32),
            pltpu.VMEM((ALPHA,), jnp.float32),
            pltpu.VMEM((ALPHA,), jnp.float32),
            pltpu.VMEM((ALPHA,), jnp.float32),
            pltpu.VMEM((ALPHA,), jnp.float32),
            pltpu.VMEM((_LANES,), jnp.float32),
        ],
    )
    def k(x_hbm, t_hbm, gm_hbm, reg_hbm, cnt_hbm, xs_hbm,
          t_v, x_v, lastg, disc, reg_v, cnt_v, xs_v, gm_v):
        wid = lax.axis_index("s") * 2 + lax.axis_index("c")
        lane = lax.broadcasted_iota(jnp.int32, (_LANES,), 0)
        neg1 = jnp.full((_LANES,), -1, jnp.int32)
        zero = jnp.zeros((_LANES,), jnp.float32)
        one = jnp.ones((_LANES,), jnp.float32)
        for f in range(_ROWS_PER_W):
            j = wid * _ROWS_PER_W + f
            pltpu.sync_copy(t_hbm.at[j], t_v)
            pltpu.sync_copy(x_hbm.at[j], x_v)
            pltpu.sync_copy(gm_hbm.at[j], gm_v)
            for c in range(ALPHA // _LANES):
                lastg[pl.ds(c * _LANES, _LANES)] = neg1
                cnt_v[pl.ds(c * _LANES, _LANES)] = zero
                xs_v[pl.ds(c * _LANES, _LANES)] = zero

            def scat_body(c, carry):
                tv = t_v[pl.ds(c * _LANES, _LANES)]
                xv = x_v[pl.ds(c * _LANES, _LANES)]
                plsc.store_scatter(lastg, [tv], tv, mask=lane >= 0)
                plsc.addupdate_scatter(cnt_v, [tv], one)
                plsc.addupdate_scatter(xs_v, [tv], xv)
                for p in range(_LANES):
                    plsc.store_scatter(disc, [tv], xv, mask=lane == p)
                return carry

            lax.fori_loop(0, L // _LANES, scat_body, 0)

            def ff_body(c, carry):
                v = lastg[pl.ds(c * _LANES, _LANES)]
                ff = jnp.maximum(plsc.cummax(v), carry)
                val = plsc.load_gather(disc, [jnp.maximum(ff, 0)])
                reg_v[pl.ds(c * _LANES, _LANES)] = jnp.where(
                    ff >= 0, val, gm_v[...])
                return jnp.max(ff)

            lax.fori_loop(0, ALPHA // _LANES, ff_body, jnp.int32(-1))
            pltpu.sync_copy(reg_v, reg_hbm.at[j])
            pltpu.sync_copy(cnt_v, cnt_hbm.at[j])
            pltpu.sync_copy(xs_v, xs_hbm.at[j])

    return k(x, t_i, gm_b)


_JBLK = 16
_NJ = D_M // _JBLK


def _g_body(w_ref, phi_ref, qw_ref, qb_ref, kw_ref, kb_ref, g_ref):
    f32 = jnp.float32
    dot = functools.partial(lax.dot_general, preferred_element_type=f32)
    tau_c = lax.broadcasted_iota(jnp.int32, (ALPHA, 1), 0).astype(f32)
    col0 = lax.broadcasted_iota(jnp.int32, (ALPHA, D_V), 1) == 0
    for hh in range(H):
        ang_g = tau_c * w_ref[hh] + phi_ref[hh]
        t2v_g = jnp.where(col0, ang_g, jnp.sin(ang_g))
        q = dot(t2v_g, qw_ref[hh], (((1,), (1,)), ((), ()))) + qb_ref[hh]
        kg = dot(t2v_g, kw_ref[hh], (((1,), (1,)), ((), ()))) + kb_ref[hh]
        g_ref[hh] = dot(q, kg, (((1,), (1,)), ((), ()))) * 0.125


def _tc_body(cnt_ref, jt_ref, g_in_ref,
             reg_ref, cw_ref, cb_ref, ow_ref, ob_ref, w1_ref, b1_ref,
             w2_ref, b2_ref, o_ref, hsum):
    i = pl.program_id(0)
    f32 = jnp.float32
    dot = functools.partial(lax.dot_general, preferred_element_type=f32)

    @pl.when(i == 0)
    def _():
        hsum[...] = jnp.zeros((H, ALPHA, 1), f32)

    gs = g_in_ref[...].reshape(H * ALPHA, ALPHA)
    nds = []
    for jj in range(_JBLK):
        crow = cnt_ref[pl.ds(jj, 1), :]
        sel = jnp.where(crow > 0.0, gs, -jnp.inf)
        m = jnp.max(sel, axis=1, keepdims=True)
        e = jnp.exp(sel - m)
        j2t = jt_ref[0, :, 2 * jj:2 * jj + 2]
        nds.append(dot(e, j2t, (((1,), (0,)), ((), ()))))
    nd = jnp.concatenate(nds, axis=1)
    ratio = nd / jnp.roll(nd, -1, axis=1)
    col = lax.broadcasted_iota(jnp.int32, (1, 2 * _JBLK), 1)
    acc = jnp.sum(jnp.where(col % 2 == 0, ratio, 0.0), axis=1, keepdims=True)
    hsum[...] += acc.reshape(H, ALPHA, 1)

    @pl.when(i == _NJ - 1)
    def _():
        hcols = jnp.concatenate([hsum[hh] for hh in range(H)], axis=1)
        hmean = hcols * (1.0 / D_M)
        e_attn = dot(hmean, ow_ref[...], (((1,), (1,)), ((), ()))) + ob_ref[...]
        e_imp = dot(reg_ref[...], cw_ref[...], (((0,), (1,)), ((), ()))) \
            + cb_ref[...]
        w1a = w1_ref[:, :D_H]
        w1b = w1_ref[:, D_H:]
        hmid = dot(e_imp, w1a, (((1,), (1,)), ((), ()))) \
            + dot(e_attn, w1b, (((1,), (1,)), ((), ()))) + b1_ref[...]
        hmid = jnp.maximum(hmid, 0.0)
        gate = jax.nn.sigmoid(
            dot(hmid, w2_ref[...], (((1,), (1,)), ((), ()))) + b2_ref[...])
        o_ref[...] = gate * e_imp + (1.0 - gate) * e_attn


def _g_tables(t2v_w, t2v_phi, wq_w, wq_b, wk_w, wk_b):
    return pl.pallas_call(
        _g_body,
        out_shape=jax.ShapeDtypeStruct((H, ALPHA, ALPHA), jnp.float32),
    )(t2v_w.reshape(H, 1, D_V), t2v_phi.reshape(H, 1, D_V),
      wq_w, wq_b.reshape(H, 1, D_V), wk_w, wk_b.reshape(H, 1, D_V))


def _tc_main(count, xsum, g_tab, regular,
             conv_w, conv_b, out_w, out_b, g_w1, g_b1, g_w2, g_b2):
    full = lambda shape: pl.BlockSpec(shape, lambda i: tuple(0 for _ in shape))
    grid_spec = pltpu.PrefetchScalarGridSpec(
        num_scalar_prefetch=0,
        grid=(_NJ,),
        in_specs=[
            pl.BlockSpec((_JBLK, ALPHA), lambda i: (i, 0)),
            pl.BlockSpec((1, ALPHA, 2 * _JBLK), lambda i: (i, 0, 0)),
            full((H, ALPHA, ALPHA)),
            full((D_M, ALPHA)),
            full((D_H, D_M)),
            full((1, D_H)),
            full((D_H, H)),
            full((1, D_H)),
            full((D_H, 2 * D_H)),
            full((1, D_H)),
            full((D_H, D_H)),
            full((1, D_H)),
        ],
        out_specs=pl.BlockSpec((ALPHA, D_H), lambda i: (0, 0)),
        scratch_shapes=[pltpu.VMEM((H, ALPHA, 1), jnp.float32)],
    )
    jt = jnp.stack([xsum, count], axis=2).reshape(
        _NJ, _JBLK, ALPHA, 2).transpose(0, 2, 1, 3).reshape(
        _NJ, ALPHA, 2 * _JBLK)
    return pl.pallas_call(
        _tc_body,
        grid_spec=grid_spec,
        out_shape=jax.ShapeDtypeStruct((ALPHA, D_H), jnp.float32),
        compiler_params=pltpu.CompilerParams(
            dimension_semantics=("arbitrary",)),
    )(count, jt, g_tab,
      regular, conv_w, conv_b.reshape(1, D_H), out_w, out_b.reshape(1, D_H),
      g_w1, g_b1.reshape(1, D_H), g_w2, g_b2.reshape(1, D_H))


def kernel(x_ts, t_ts, global_means, conv_w, conv_b, t2v_w, t2v_phi,
           wq_w, wq_b, wk_w, wk_b, out_w, out_b, g_w1, g_b1, g_w2, g_b2):
    t_i = t_ts.astype(jnp.int32)
    gm_b = jnp.broadcast_to(global_means[:, None], (D_M, _LANES))
    regular, count, xsum = _sc_prep(x_ts, t_i, gm_b)
    g_tab = _g_tables(t2v_w, t2v_phi, wq_w, wq_b, wk_w, wk_b)
    return _tc_main(count, xsum, g_tab, regular,
                    conv_w, conv_b, out_w, out_b, g_w1, g_b1, g_w2, g_b2)

# --- scband reference (transcript-rebuilt; emitter-appended) ---
"""Pipeline reference for scband-utdemodule-59708635349352 (READ-ONLY COPY).

The authoritative reference and input builder live on the scoring server;
editing this copy changes nothing except your own understanding.
"""

import jax, jax.numpy as jnp
import numpy as np
import math

D_M = 128
D_H = 128
ALPHA = 256
D_V = 64
H = 8
L = 256


def setup_inputs(seed: int = 0) -> dict:
    key = jax.random.key(seed)
    ks = jax.random.split(key, 18)
    x_ts = jax.random.normal(ks[0], (D_M, L), dtype=jnp.float32)
    t_ts = jax.random.randint(ks[1], (D_M, L), 0, ALPHA).astype(jnp.float32)
    global_means = jax.random.normal(ks[2], (D_M,), dtype=jnp.float32)
    conv_w = jax.random.normal(ks[3], (D_H, D_M), dtype=jnp.float32) / np.sqrt(D_M)
    conv_b = jax.random.normal(ks[4], (D_H,), dtype=jnp.float32) * 0.01
    t2v_w = jax.random.normal(ks[5], (H, D_V), dtype=jnp.float32)
    t2v_phi = jax.random.normal(ks[6], (H, D_V), dtype=jnp.float32)
    wq_w = jax.random.normal(ks[7], (H, D_V, D_V), dtype=jnp.float32) / np.sqrt(D_V)
    wq_b = jax.random.normal(ks[8], (H, D_V), dtype=jnp.float32) * 0.01
    wk_w = jax.random.normal(ks[9], (H, D_V, D_V), dtype=jnp.float32) / np.sqrt(D_V)
    wk_b = jax.random.normal(ks[10], (H, D_V), dtype=jnp.float32) * 0.01
    out_w = jax.random.normal(ks[11], (D_H, H), dtype=jnp.float32) / np.sqrt(H)
    out_b = jax.random.normal(ks[12], (D_H,), dtype=jnp.float32) * 0.01
    g_w1 = jax.random.normal(ks[13], (D_H, 2 * D_H), dtype=jnp.float32) / np.sqrt(2 * D_H)
    g_b1 = jax.random.normal(ks[14], (D_H,), dtype=jnp.float32) * 0.01
    g_w2 = jax.random.normal(ks[15], (D_H, D_H), dtype=jnp.float32) / np.sqrt(D_H)
    g_b2 = jax.random.normal(ks[16], (D_H,), dtype=jnp.float32) * 0.01
    return {"x_ts": x_ts, "t_ts": t_ts, "global_means": global_means,
            "conv_w": conv_w, "conv_b": conv_b, "t2v_w": t2v_w, "t2v_phi": t2v_phi,
            "wq_w": wq_w, "wq_b": wq_b, "wk_w": wk_w, "wk_b": wk_b,
            "out_w": out_w, "out_b": out_b, "g_w1": g_w1, "g_b1": g_b1,
            "g_w2": g_w2, "g_b2": g_b2}


def _t2v(tau, w, phi):
    tau = tau[..., None]
    lin = w[0] * tau + phi[0]
    sines = jnp.sin(w[1:] * tau + phi[1:])
    return jnp.concatenate([lin, sines], axis=-1)


def _forward(x_ts, t_ts, global_means, conv_w, conv_b, t2v_w, t2v_phi,
             wq_w, wq_b, wk_w, wk_b, out_w, out_b, g_w1, g_b1, g_w2, g_b2):
    valid = (~jnp.isnan(x_ts)) & (t_ts >= 0)
    grid = jnp.arange(ALPHA)

    def impute(obs, times, vmask, gmean):
        tint = times.astype(jnp.int32)
        # scatter-overwrite: last valid observation in loop order wins per grid slot
        match = (tint[None, :] == grid[:, None]) & vmask[None, :]
        has = jnp.any(match, axis=1)
        last_i = jnp.max(jnp.where(match, jnp.arange(L)[None, :], -1), axis=1)
        disc = obs[jnp.maximum(last_i, 0)]
        # forward fill: cumulative max of last-observed grid index, seeded by global mean
        idx = jnp.where(has, grid, -1)
        ff = jax.lax.associative_scan(jnp.maximum, idx)
        vals = jnp.where(ff >= 0, disc[jnp.maximum(ff, 0)], gmean)
        return vals

    regular = jax.vmap(impute)(x_ts, t_ts, valid, global_means)  # [D_M, ALPHA]
    # Conv1d with kernel_size=1 == linear over feature dim
    e_imp = (conv_w @ regular + conv_b[:, None]).T  # [ALPHA, D_H]

    alpha_pts = grid.astype(jnp.float32)

    def per_feature(times_j, obs_j, valid_j):
        def per_head(w, phi, qw, qb, kw, kb):
            q = _t2v(alpha_pts, w, phi) @ qw.T + qb  # [ALPHA, D_V]
            k = _t2v(times_j, w, phi) @ kw.T + kb    # [L, D_V]
            s = (q @ k.T) / math.sqrt(D_V)
            s = jnp.where(valid_j[None, :], s, -jnp.inf)
            a = jax.nn.softmax(s, axis=-1)
            return a @ jnp.where(valid_j, obs_j, 0.0)  # [ALPHA]
        heads = jax.vmap(per_head)(t2v_w, t2v_phi, wq_w, wq_b, wk_w, wk_b)  # [H, ALPHA]
        return heads.T @ out_w.T + out_b  # [ALPHA, D_H]

    e_attn = jnp.mean(jax.vmap(per_feature)(t_ts, x_ts, valid), axis=0)  # [ALPHA, D_H]

    concat = jnp.concatenate([e_imp, e_attn], axis=-1)  # [ALPHA, 2*D_H]
    hmid = jax.nn.relu(concat @ g_w1.T + g_b1)
    g = jax.nn.sigmoid(hmid @ g_w2.T + g_b2)
    return g * e_imp + (1.0 - g) * e_attn


def reference(x_ts, t_ts, global_means, conv_w, conv_b, t2v_w, t2v_phi,
              wq_w, wq_b, wk_w, wk_b, out_w, out_b, g_w1, g_b1, g_w2, g_b2):
    return _forward(x_ts, t_ts, global_means, conv_w, conv_b, t2v_w, t2v_phi,
                    wq_w, wq_b, wk_w, wk_b, out_w, out_b, g_w1, g_b1, g_w2, g_b2)

if __name__ == "__main__":
    import jax
    _d = setup_inputs()
    print(jax.jit(kernel)(*tuple(_d.values())))

</pallas_src>

<mosaic_0001>
#map = affine_map<(d0, d1) -> (0, 0)>
module attributes {stable_mosaic.version = 14 : i64} {
  func.func @k(%arg0: i32, %arg1: i32, %arg2: memref<128x256xf32, #tpu.memory_space<hbm>>, %arg3: memref<128x256xi32, #tpu.memory_space<hbm>>, %arg4: memref<128x16xf32, #tpu.memory_space<hbm>>, %arg5: memref<128x256xf32, #tpu.memory_space<hbm>>, %arg6: memref<128x256xf32, #tpu.memory_space<hbm>>, %arg7: memref<128x256xf32, #tpu.memory_space<hbm>>, %arg8: memref<256xi32, #tpu.memory_space<vmem>>, %arg9: memref<256xf32, #tpu.memory_space<vmem>>, %arg10: memref<256xi32, #tpu.memory_space<vmem>>, %arg11: memref<256xf32, #tpu.memory_space<vmem>>, %arg12: memref<256xf32, #tpu.memory_space<vmem>>, %arg13: memref<256xf32, #tpu.memory_space<vmem>>, %arg14: memref<256xf32, #tpu.memory_space<vmem>>, %arg15: memref<16xf32, #tpu.memory_space<vmem>>) attributes {dimension_semantics = [#tpu.dimension_semantics<core_parallel>, #tpu.dimension_semantics<subcore_parallel>], iteration_bounds = array<i64: 2, 16>, scalar_prefetch = 0 : i64, scratch_operands = 8 : i64, tpu.core_type = #tpu.core_type<sc_vector_subcore>, window_params = [{transform_indices = #map}, {transform_indices = #map}, {transform_indices = #map}, {transform_indices = #map}, {transform_indices = #map}, {transform_indices = #map}]} {
    %mul3A = arith.constant 2 : i32
    %mul3A_0 = arith.muli %arg1, %mul3A : i32
    %add3A = arith.addi %mul3A_0, %arg0 : i32
    %iota3A = tpu.iota {dimensions = array<i32: 0>} : vector<16xi32>
    %broadcast_in_dim3A = arith.constant -1 : i32
    %broadcast_in_dim3A_1 = vector.broadcast %broadcast_in_dim3A : i32 to vector<16xi32>
    %broadcast_in_dim3A_2 = arith.constant 0.000000e+00 : f32
    %broadcast_in_dim3A_3 = vector.broadcast %broadcast_in_dim3A_2 : f32 to vector<16xf32>
    %broadcast_in_dim3A_4 = arith.constant 1.000000e+00 : f32
    %broadcast_in_dim3A_5 = vector.broadcast %broadcast_in_dim3A_4 : f32 to vector<16xf32>
    %mul3A_6 = arith.constant 4 : i32
    %mul3A_7 = arith.muli %add3A, %mul3A_6 : i32
    %add3A_8 = arith.constant 0 : i32
    %add3A_9 = arith.addi %mul3A_7, %add3A_8 : i32
    "tpu.region"() ({
      %run_scoped3A = tpu.sem_alloc : memref<!tpu.dma_semaphore, #tpu.memory_space<semaphore_mem>>
      %dma_start3A = arith.constant 0 : i32
      %dma_start3A_456 = tpu.memref_slice %arg3[%add3A_9, %dma_start3A] : memref<128x256xi32, #tpu.memory_space<hbm>> -> memref<1x256xi32, #tpu.memory_space<hbm>>
      %dma_start3A_457 = tpu.memref_squeeze %dma_start3A_456 : memref<1x256xi32, #tpu.memory_space<hbm>> -> memref<256xi32, #tpu.memory_space<hbm>>
      %dma_start3A_458 = arith.constant 0 : i32
      %dma_start3A_459 = tpu.memref_slice %arg3[%add3A_9, %dma_start3A_458] : memref<128x256xi32, #tpu.memory_space<hbm>> -> memref<1x256xi32, #tpu.memory_space<hbm>>
      %dma_start3A_460 = tpu.memref_squeeze %dma_start3A_459 : memref<1x256xi32, #tpu.memory_space<hbm>> -> memref<256xi32, #tpu.memory_space<hbm>>
      tpu.enqueue_dma source(%dma_start3A_460 : memref<256xi32, #tpu.memory_space<hbm>>) target(%arg8 : memref<256xi32, #tpu.memory_space<vmem>>) target_semaphore(%run_scoped3A : memref<!tpu.dma_semaphore, #tpu.memory_space<semaphore_mem>>)
      %dma_wait3A = arith.constant 0 : i32
      %dma_wait3A_461 = tpu.memref_slice %arg3[%add3A_9, %dma_wait3A] : memref<128x256xi32, #tpu.memory_space<hbm>> -> memref<1x256xi32, #tpu.memory_space<hbm>>
      %dma_wait3A_462 = tpu.memref_squeeze %dma_wait3A_461 : memref<1x256xi32, #tpu.memory_space<hbm>> -> memref<256xi32, #tpu.memory_space<hbm>>
      %dma_wait3A_463 = arith.constant 0 : i32
      %dma_wait3A_464 = tpu.memref_slice %arg3[%add3A_9, %dma_wait3A_463] : memref<128x256xi32, #tpu.memory_space<hbm>> -> memref<1x256xi32, #tpu.memory_space<hbm>>
      %dma_wait3A_465 = tpu.memref_squeeze %dma_wait3A_464 : memref<1x256xi32, #tpu.memory_space<hbm>> -> memref<256xi32, #tpu.memory_space<hbm>>
      tpu.wait_dma2 semaphore(%run_scoped3A : memref<!tpu.dma_semaphore, #tpu.memory_space<semaphore_mem>>) src(%dma_wait3A_465 : memref<256xi32, #tpu.memory_space<hbm>>) dst(%arg8 : memref<256xi32, #tpu.memory_space<vmem>>)
      tpu.yield
    }) : () -> ()
    "tpu.region"() ({
      %run_scoped3A = tpu.sem_alloc : memref<!tpu.dma_semaphore, #tpu.memory_space<semaphore_mem>>
      %dma_start3A = arith.constant 0 : i32
      %dma_start3A_456 = tpu.memref_slice %arg2[%add3A_9, %dma_start3A] : memref<128x256xf32, #tpu.memory_space<hbm>> -> memref<1x256xf32, #tpu.memory_space<hbm>>
      %dma_start3A_457 = tpu.memref_squeeze %dma_start3A_456 : memref<1x256xf32, #tpu.memory_space<hbm>> -> memref<256xf32, #tpu.memory_space<hbm>>
      %dma_start3A_458 = arith.constant 0 : i32
      %dma_start3A_459 = tpu.memref_slice %arg2[%add3A_9, %dma_start3A_458] : memref<128x256xf32, #tpu.memory_space<hbm>> -> memref<1x256xf32, #tpu.memory_space<hbm>>
      %dma_start3A_460 = tpu.memref_squeeze %dma_start3A_459 : memref<1x256xf32, #tpu.memory_space<hbm>> -> memref<256xf32, #tpu.memory_space<hbm>>
      tpu.enqueue_dma source(%dma_start3A_460 : memref<256xf32, #tpu.memory_space<hbm>>) target(%arg9 : memref<256xf32, #tpu.memory_space<vmem>>) target_semaphore(%run_scoped3A : memref<!tpu.dma_semaphore, #tpu.memory_space<semaphore_mem>>)
      %dma_wait3A = arith.constant 0 : i32
      %dma_wait3A_461 = tpu.memref_slice %arg2[%add3A_9, %dma_wait3A] : memref<128x256xf32, #tpu.memory_space<hbm>> -> memref<1x256xf32, #tpu.memory_space<hbm>>
      %dma_wait3A_462 = tpu.memref_squeeze %dma_wait3A_461 : memref<1x256xf32, #tpu.memory_space<hbm>> -> memref<256xf32, #tpu.memory_space<hbm>>
      %dma_wait3A_463 = arith.constant 0 : i32
      %dma_wait3A_464 = tpu.memref_slice %arg2[%add3A_9, %dma_wait3A_463] : memref<128x256xf32, #tpu.memory_space<hbm>> -> memref<1x256xf32, #tpu.memory_space<hbm>>
      %dma_wait3A_465 = tpu.memref_squeeze %dma_wait3A_464 : memref<1x256xf32, #tpu.memory_space<hbm>> -> memref<256xf32, #tpu.memory_space<hbm>>
      tpu.wait_dma2 semaphore(%run_scoped3A : memref<!tpu.dma_semaphore, #tpu.memory_space<semaphore_mem>>) src(%dma_wait3A_465 : memref<256xf32, #tpu.memory_space<hbm>>) dst(%arg9 : memref<256xf32, #tpu.memory_space<vmem>>)
      tpu.yield
    }) : () -> ()
    "tpu.region"() ({
      %run_scoped3A = tpu.sem_alloc : memref<!tpu.dma_semaphore, #tpu.memory_space<semaphore_mem>>
      %dma_start3A = arith.constant 0 : i32
      %dma_start3A_456 = tpu.memref_slice %arg4[%add3A_9, %dma_start3A] : memref<128x16xf32, #tpu.memory_space<hbm>> -> memref<1x16xf32, #tpu.memory_space<hbm>>
      %dma_start3A_457 = tpu.memref_squeeze %dma_start3A_456 : memref<1x16xf32, #tpu.memory_space<hbm>> -> memref<16xf32, #tpu.memory_space<hbm>>
      %dma_start3A_458 = arith.constant 0 : i32
      %dma_start3A_459 = tpu.memref_slice %arg4[%add3A_9, %dma_start3A_458] : memref<128x16xf32, #tpu.memory_space<hbm>> -> memref<1x16xf32, #tpu.memory_space<hbm>>
      %dma_start3A_460 = tpu.memref_squeeze %dma_start3A_459 : memref<1x16xf32, #tpu.memory_space<hbm>> -> memref<16xf32, #tpu.memory_space<hbm>>
      tpu.enqueue_dma source(%dma_start3A_460 : memref<16xf32, #tpu.memory_space<hbm>>) target(%arg15 : memref<16xf32, #tpu.memory_space<vmem>>) target_semaphore(%run_scoped3A : memref<!tpu.dma_semaphore, #tpu.memory_space<semaphore_mem>>)
      %dma_wait3A = arith.constant 0 : i32
      %dma_wait3A_461 = tpu.memref_slice %arg4[%add3A_9, %dma_wait3A] : memref<128x16xf32, #tpu.memory_space<hbm>> -> memref<1x16xf32, #tpu.memory_space<hbm>>
      %dma_wait3A_462 = tpu.memref_squeeze %dma_wait3A_461 : memref<1x16xf32, #tpu.memory_space<hbm>> -> memref<16xf32, #tpu.memory_space<hbm>>
      %dma_wait3A_463 = arith.constant 0 : i32
      %dma_wait3A_464 = tpu.memref_slice %arg4[%add3A_9, %dma_wait3A_463] : memref<128x16xf32, #tpu.memory_space<hbm>> -> memref<1x16xf32, #tpu.memory_space<hbm>>
      %dma_wait3A_465 = tpu.memref_squeeze %dma_wait3A_464 : memref<1x16xf32, #tpu.memory_space<hbm>> -> memref<16xf32, #tpu.memory_space<hbm>>
      tpu.wait_dma2 semaphore(%run_scoped3A : memref<!tpu.dma_semaphore, #tpu.memory_space<semaphore_mem>>) src(%dma_wait3A_465 : memref<16xf32, #tpu.memory_space<hbm>>) dst(%arg15 : memref<16xf32, #tpu.memory_space<vmem>>)
      tpu.yield
    }) : () -> ()
    %swap3A = arith.constant 0 : index
    %swap3A_10 = tpu.vector_load %arg10[%swap3A] {strides = array<i32>} : memref<256xi32, #tpu.memory_space<vmem>>, vector<16xi32>,
    tpu.vector_store %arg10[%swap3A], %broadcast_in_dim3A_1 {strides = array<i32>} : memref<256xi32, #tpu.memory_space<vmem>>, vector<16xi32>,
    %swap3A_11 = arith.constant 0 : index
    %swap3A_12 = tpu.vector_load %arg13[%swap3A_11] {strides = array<i32>} : memref<256xf32, #tpu.memory_space<vmem>>, vector<16xf32>,
    tpu.vector_store %arg13[%swap3A_11], %broadcast_in_dim3A_3 {strides = array<i32>} : memref<256xf32, #tpu.memory_space<vmem>>, vector<16xf32>,
    %swap3A_13 = arith.constant 0 : index
    %swap3A_14 = tpu.vector_load %arg14[%swap3A_13] {strides = array<i32>} : memref<256xf32, #tpu.memory_space<vmem>>, vector<16xf32>,
    tpu.vector_store %arg14[%swap3A_13], %broadcast_in_dim3A_3 {strides = array<i32>} : memref<256xf32, #tpu.memory_space<vmem>>, vector<16xf32>,
    %swap3A_15 = arith.constant 16 : index
    %swap3A_16 = tpu.vector_load %arg10[%swap3A_15] {strides = array<i32>} : memref<256xi32, #tpu.memory_space<vmem>>, vector<16xi32>,
    tpu.vector_store %arg10[%swap3A_15], %broadcast_in_dim3A_1 {strides = array<i32>} : memref<256xi32, #tpu.memory_space<vmem>>, vector<16xi32>,
    %swap3A_17 = arith.constant 16 : index
    %swap3A_18 = tpu.vector_load %arg13[%swap3A_17] {strides = array<i32>} : memref<256xf32, #tpu.memory_space<vmem>>, vector<16xf32>,
    tpu.vector_store %arg13[%swap3A_17], %broadcast_in_dim3A_3 {strides = array<i32>} : memref<256xf32, #tpu.memory_space<vmem>>, vector<16xf32>,
    %swap3A_19 = arith.constant 16 : index
    %swap3A_20 = tpu.vector_load %arg14[%swap3A_19] {strides = array<i32>} : memref<256xf32, #tpu.memory_space<vmem>>, vector<16xf32>,
    tpu.vector_store %arg14[%swap3A_19], %broadcast_in_dim3A_3 {strides = array<i32>} : memref<256xf32, #tpu.memory_space<vmem>>, vector<16xf32>,
    %swap3A_21 = arith.constant 32 : index
    %swap3A_22 = tpu.vector_load %arg10[%swap3A_21] {strides = array<i32>} : memref<256xi32, #tpu.memory_space<vmem>>, vector<16xi32>,
    tpu.vector_store %arg10[%swap3A_21], %broadcast_in_dim3A_1 {strides = array<i32>} : memref<256xi32, #tpu.memory_space<vmem>>, vector<16xi32>,
    %swap3A_23 = arith.constant 32 : index
    %swap3A_24 = tpu.vector_load %arg13[%swap3A_23] {strides = array<i32>} : memref<256xf32, #tpu.memory_space<vmem>>, vector<16xf32>,
    tpu.vector_store %arg13[%swap3A_23], %broadcast_in_dim3A_3 {strides = array<i32>} : memref<256xf32, #tpu.memory_space<vmem>>, vector<16xf32>,
    %swap3A_25 = arith.constant 32 : index
    %swap3A_26 = tpu.vector_load %arg14[%swap3A_25] {strides = array<i32>} : memref<256xf32, #tpu.memory_space<vmem>>, vector<16xf32>,
    tpu.vector_store %arg14[%swap3A_25], %broadcast_in_dim3A_3 {strides = array<i32>} : memref<256xf32, #tpu.memory_space<vmem>>, vector<16xf32>,
    %swap3A_27 = arith.constant 48 : index
    %swap3A_28 = tpu.vector_load %arg10[%swap3A_27] {strides = array<i32>} : memref<256xi32, #tpu.memory_space<vmem>>, vector<16xi32>,
    tpu.vector_store %arg10[%swap3A_27], %broadcast_in_dim3A_1 {strides = array<i32>} : memref<256xi32, #tpu.memory_space<vmem>>, vector<16xi32>,
    %swap3A_29 = arith.constant 48 : index
    %swap3A_30 = tpu.vector_load %arg13[%swap3A_29] {strides = array<i32>} : memref<256xf32, #tpu.memory_space<vmem>>, vector<16xf32>,
    tpu.vector_store %arg13[%swap3A_29], %broadcast_in_dim3A_3 {strides = array<i32>} : memref<256xf32, #tpu.memory_space<vmem>>, vector<16xf32>,
    %swap3A_31 = arith.constant 48 : index
    %swap3A_32 = tpu.vector_load %arg14[%swap3A_31] {strides = array<i32>} : memref<256xf32, #tpu.memory_space<vmem>>, vector<16xf32>,
    tpu.vector_store %arg14[%swap3A_31], %broadcast_in_dim3A_3 {strides = array<i32>} : memref<256xf32, #tpu.memory_space<vmem>>, vector<16xf32>,
    %swap3A_33 = arith.constant 64 : index
    %swap3A_34 = tpu.vector_load %arg10[%swap3A_33] {strides = array<i32>} : memref<256xi32, #tpu.memory_space<vmem>>, vector<16xi32>,
    tpu.vector_store %arg10[%swap3A_33], %broadcast_in_dim3A_1 {strides = array<i32>} : memref<256xi32, #tpu.memory_space<vmem>>, vector<16xi32>,
    %swap3A_35 = arith.constant 64 : index
    %swap3A_36 = tpu.vector_load %arg13[%swap3A_35] {strides = array<i32>} : memref<256xf32, #tpu.memory_space<vmem>>, vector<16xf32>,
    tpu.vector_store %arg13[%swap3A_35], %broadcast_in_dim3A_3 {strides = array<i32>} : memref<256xf32, #tpu.memory_space<vmem>>, vector<16xf32>,
    %swap3A_37 = arith.constant 64 : index
    %swap3A_38 = tpu.vector_load %arg14[%swap3A_37] {strides = array<i32>} : memref<256xf32, #tpu.memory_space<vmem>>, vector<16xf32>,
    tpu.vector_store %arg14[%swap3A_37], %broadcast_in_dim3A_3 {strides = array<i32>} : memref<256xf32, #tpu.memory_space<vmem>>, vector<16xf32>,
    %swap3A_39 = arith.constant 80 : index
    %swap3A_40 = tpu.vector_load %arg10[%swap3A_39] {strides = array<i32>} : memref<256xi32, #tpu.memory_space<vmem>>, vector<16xi32>,
    tpu.vector_store %arg10[%swap3A_39], %broadcast_in_dim3A_1 {strides = array<i32>} : memref<256xi32, #tpu.memory_space<vmem>>, vector<16xi32>,
    %swap3A_41 = arith.constant 80 : index
    %swap3A_42 = tpu.vector_load %arg13[%swap3A_41] {strides = array<i32>} : memref<256xf32, #tpu.memory_space<vmem>>, vector<16xf32>,
    tpu.vector_store %arg13[%swap3A_41], %broadcast_in_dim3A_3 {strides = array<i32>} : memref<256xf32, #tpu.memory_space<vmem>>, vector<16xf32>,
    %swap3A_43 = arith.constant 80 : index
    %swap3A_44 = tpu.vector_load %arg14[%swap3A_43] {strides = array<i32>} : memref<256xf32, #tpu.memory_space<vmem>>, vector<16xf32>,
    tpu.vector_store %arg14[%swap3A_43], %broadcast_in_dim3A_3 {strides = array<i32>} : memref<256xf32, #tpu.memory_space<vmem>>, vector<16xf32>,
    %swap3A_45 = arith.constant 96 : index
    %swap3A_46 = tpu.vector_load %arg10[%swap3A_45] {strides = array<i32>} : memref<256xi32, #tpu.memory_space<vmem>>, vector<16xi32>,
    tpu.vector_store %arg10[%swap3A_45], %broadcast_in_dim3A_1 {strides = array<i32>} : memref<256xi32, #tpu.memory_space<vmem>>, vector<16xi32>,
    %swap3A_47 = arith.constant 96 : index
    %swap3A_48 = tpu.vector_load %arg13[%swap3A_47] {strides = array<i32>} : memref<256xf32, #tpu.memory_space<vmem>>, vector<16xf32>,
    tpu.vector_store %arg13[%swap3A_47], %broadcast_in_dim3A_3 {strides = array<i32>} : memref<256xf32, #tpu.memory_space<vmem>>, vector<16xf32>,
    %swap3A_49 = arith.constant 96 : index
    %swap3A_50 = tpu.vector_load %arg14[%swap3A_49] {strides = array<i32>} : memref<256xf32, #tpu.memory_space<vmem>>, vector<16xf32>,
    tpu.vector_store %arg14[%swap3A_49], %broadcast_in_dim3A_3 {strides = array<i32>} : memref<256xf32, #tpu.memory_space<vmem>>, vector<16xf32>,
    %swap3A_51 = arith.constant 112 : index
    %swap3A_52 = tpu.vector_load %arg10[%swap3A_51] {strides = array<i32>} : memref<256xi32, #tpu.memory_space<vmem>>, vector<16xi32>,
    tpu.vector_store %arg10[%swap3A_51], %broadcast_in_dim3A_1 {strides = array<i32>} : memref<256xi32, #tpu.memory_space<vmem>>, vector<16xi32>,
    %swap3A_53 = arith.constant 112 : index
    %swap3A_54 = tpu.vector_load %arg13[%swap3A_53] {strides = array<i32>} : memref<256xf32, #tpu.memory_space<vmem>>, vector<16xf32>,
    tpu.vector_store %arg13[%swap3A_53], %broadcast_in_dim3A_3 {strides = array<i32>} : memref<256xf32, #tpu.memory_space<vmem>>, vector<16xf32>,
    %swap3A_55 = arith.constant 112 : index
    %swap3A_56 = tpu.vector_load %arg14[%swap3A_55] {strides = array<i32>} : memref<256xf32, #tpu.memory_space<vmem>>, vector<16xf32>,
    tpu.vector_store %arg14[%swap3A_55], %broadcast_in_dim3A_3 {strides = array<i32>} : memref<256xf32, #tpu.memory_space<vmem>>, vector<16xf32>,
    %swap3A_57 = arith.constant 128 : index
    %swap3A_58 = tpu.vector_load %arg10[%swap3A_57] {strides = array<i32>} : memref<256xi32, #tpu.memory_space<vmem>>, vector<16xi32>,
    tpu.vector_store %arg10[%swap3A_57], %broadcast_in_dim3A_1 {strides = array<i32>} : memref<256xi32, #tpu.memory_space<vmem>>, vector<16xi32>,
    %swap3A_59 = arith.constant 128 : index
    %swap3A_60 = tpu.vector_load %arg13[%swap3A_59] {strides = array<i32>} : memref<256xf32, #tpu.memory_space<vmem>>, vector<16xf32>,
    tpu.vector_store %arg13[%swap3A_59], %broadcast_in_dim3A_3 {strides = array<i32>} : memref<256xf32, #tpu.memory_space<vmem>>, vector<16xf32>,
    %swap3A_61 = arith.constant 128 : index
    %swap3A_62 = tpu.vector_load %arg14[%swap3A_61] {strides = array<i32>} : memref<256xf32, #tpu.memory_space<vmem>>, vector<16xf32>,
    tpu.vector_store %arg14[%swap3A_61], %broadcast_in_dim3A_3 {strides = array<i32>} : memref<256xf32, #tpu.memory_space<vmem>>, vector<16xf32>,
    %swap3A_63 = arith.constant 144 : index
    %swap3A_64 = tpu.vector_load %arg10[%swap3A_63] {strides = array<i32>} : memref<256xi32, #tpu.memory_space<vmem>>, vector<16xi32>,
    tpu.vector_store %arg10[%swap3A_63], %broadcast_in_dim3A_1 {strides = array<i32>} : memref<256xi32, #tpu.memory_space<vmem>>, vector<16xi32>,
    %swap3A_65 = arith.constant 144 : index
    %swap3A_66 = tpu.vector_load %arg13[%swap3A_65] {strides = array<i32>} : memref<256xf32, #tpu.memory_space<vmem>>, vector<16xf32>,
    tpu.vector_store %arg13[%swap3A_65], %broadcast_in_dim3A_3 {strides = array<i32>} : memref<256xf32, #tpu.memory_space<vmem>>, vector<16xf32>,
    %swap3A_67 = arith.constant 144 : index
    %swap3A_68 = tpu.vector_load %arg14[%swap3A_67] {strides = array<i32>} : memref<256xf32, #tpu.memory_space<vmem>>, vector<16xf32>,
    tpu.vector_store %arg14[%swap3A_67], %broadcast_in_dim3A_3 {strides = array<i32>} : memref<256xf32, #tpu.memory_space<vmem>>, vector<16xf32>,
    %swap3A_69 = arith.constant 160 : index
    %swap3A_70 = tpu.vector_load %arg10[%swap3A_69] {strides = array<i32>} : memref<256xi32, #tpu.memory_space<vmem>>, vector<16xi32>,
    tpu.vector_store %arg10[%swap3A_69], %broadcast_in_dim3A_1 {strides = array<i32>} : memref<256xi32, #tpu.memory_space<vmem>>, vector<16xi32>,
    %swap3A_71 = arith.constant 160 : index
    %swap3A_72 = tpu.vector_load %arg13[%swap3A_71] {strides = array<i32>} : memref<256xf32, #tpu.memory_space<vmem>>, vector<16xf32>,
    tpu.vector_store %arg13[%swap3A_71], %broadcast_in_dim3A_3 {strides = array<i32>} : memref<256xf32, #tpu.memory_space<vmem>>, vector<16xf32>,
    %swap3A_73 = arith.constant 160 : index
    %swap3A_74 = tpu.vector_load %arg14[%swap3A_73] {strides = array<i32>} : memref<256xf32, #tpu.memory_space<vmem>>, vector<16xf32>,
    tpu.vector_store %arg14[%swap3A_73], %broadcast_in_dim3A_3 {strides = array<i32>} : memref<256xf32, #tpu.memory_space<vmem>>, vector<16xf32>,
    %swap3A_75 = arith.constant 176 : index
    %swap3A_76 = tpu.vector_load %arg10[%swap3A_75] {strides = array<i32>} : memref<256xi32, #tpu.memory_space<vmem>>, vector<16xi32>,
    tpu.vector_store %arg10[%swap3A_75], %broadcast_in_dim3A_1 {strides = array<i32>} : memref<256xi32, #tpu.memory_space<vmem>>, vector<16xi32>,
    %swap3A_77 = arith.constant 176 : index
    %swap3A_78 = tpu.vector_load %arg13[%swap3A_77] {strides = array<i32>} : memref<256xf32, #tpu.memory_space<vmem>>, vector<16xf32>,
    tpu.vector_store %arg13[%swap3A_77], %broadcast_in_dim3A_3 {strides = array<i32>} : memref<256xf32, #tpu.memory_space<vmem>>, vector<16xf32>,
    %swap3A_79 = arith.constant 176 : index
    %swap3A_80 = tpu.vector_load %arg14[%swap3A_79] {strides = array<i32>} : memref<256xf32, #tpu.memory_space<vmem>>, vector<16xf32>,
    tpu.vector_store %arg14[%swap3A_79], %broadcast_in_dim3A_3 {strides = array<i32>} : memref<256xf32, #tpu.memory_space<vmem>>, vector<16xf32>,
    %swap3A_81 = arith.constant 192 : index
    %swap3A_82 = tpu.vector_load %arg10[%swap3A_81] {strides = array<i32>} : memref<256xi32, #tpu.memory_space<vmem>>, vector<16xi32>,
    tpu.vector_store %arg10[%swap3A_81], %broadcast_in_dim3A_1 {strides = array<i32>} : memref<256xi32, #tpu.memory_space<vmem>>, vector<16xi32>,
    %swap3A_83 = arith.constant 192 : index
    %swap3A_84 = tpu.vector_load %arg13[%swap3A_83] {strides = array<i32>} : memref<256xf32, #tpu.memory_space<vmem>>, vector<16xf32>,
    tpu.vector_store %arg13[%swap3A_83], %broadcast_in_dim3A_3 {strides = array<i32>} : memref<256xf32, #tpu.memory_space<vmem>>, vector<16xf32>,
    %swap3A_85 = arith.constant 192 : index
    %swap3A_86 = tpu.vector_load %arg14[%swap3A_85] {strides = array<i32>} : memref<256xf32, #tpu.memory_space<vmem>>, vector<16xf32>,
    tpu.vector_store %arg14[%swap3A_85], %broadcast_in_dim3A_3 {strides = array<i32>} : memref<256xf32, #tpu.memory_space<vmem>>, vector<16xf32>,
    %swap3A_87 = arith.constant 208 : index
    %swap3A_88 = tpu.vector_load %arg10[%swap3A_87] {strides = array<i32>} : memref<256xi32, #tpu.memory_space<vmem>>, vector<16xi32>,
    tpu.vector_store %arg10[%swap3A_87], %broadcast_in_dim3A_1 {strides = array<i32>} : memref<256xi32, #tpu.memory_space<vmem>>, vector<16xi32>,
    %swap3A_89 = arith.constant 208 : index
    %swap3A_90 = tpu.vector_load %arg13[%swap3A_89] {strides = array<i32>} : memref<256xf32, #tpu.memory_space<vmem>>, vector<16xf32>,
    tpu.vector_store %arg13[%swap3A_89], %broadcast_in_dim3A_3 {strides = array<i32>} : memref<256xf32, #tpu.memory_space<vmem>>, vector<16xf32>,
    %swap3A_91 = arith.constant 208 : index
    %swap3A_92 = tpu.vector_load %arg14[%swap3A_91] {strides = array<i32>} : memref<256xf32, #tpu.memory_space<vmem>>, vector<16xf32>,
    tpu.vector_store %arg14[%swap3A_91], %broadcast_in_dim3A_3 {strides = array<i32>} : memref<256xf32, #tpu.memory_space<vmem>>, vector<16xf32>,
    %swap3A_93 = arith.constant 224 : index
    %swap3A_94 = tpu.vector_load %arg10[%swap3A_93] {strides = array<i32>} : memref<256xi32, #tpu.memory_space<vmem>>, vector<16xi32>,
    tpu.vector_store %arg10[%swap3A_93], %broadcast_in_dim3A_1 {strides = array<i32>} : memref<256xi32, #tpu.memory_space<vmem>>, vector<16xi32>,
    %swap3A_95 = arith.constant 224 : index
    %swap3A_96 = tpu.vector_load %arg13[%swap3A_95] {strides = array<i32>} : memref<256xf32, #tpu.memory_space<vmem>>, vector<16xf32>,
    tpu.vector_store %arg13[%swap3A_95], %broadcast_in_dim3A_3 {strides = array<i32>} : memref<256xf32, #tpu.memory_space<vmem>>, vector<16xf32>,
    %swap3A_97 = arith.constant 224 : index
    %swap3A_98 = tpu.vector_load %arg14[%swap3A_97] {strides = array<i32>} : memref<256xf32, #tpu.memory_space<vmem>>, vector<16xf32>,
    tpu.vector_store %arg14[%swap3A_97], %broadcast_in_dim3A_3 {strides = array<i32>} : memref<256xf32, #tpu.memory_space<vmem>>, vector<16xf32>,
    %swap3A_99 = arith.constant 240 : index
    %swap3A_100 = tpu.vector_load %arg10[%swap3A_99] {strides = array<i32>} : memref<256xi32, #tpu.memory_space<vmem>>, vector<16xi32>,
    tpu.vector_store %arg10[%swap3A_99], %broadcast_in_dim3A_1 {strides = array<i32>} : memref<256xi32, #tpu.memory_space<vmem>>, vector<16xi32>,
    %swap3A_101 = arith.constant 240 : index
    %swap3A_102 = tpu.vector_load %arg13[%swap3A_101] {strides = array<i32>} : memref<256xf32, #tpu.memory_space<vmem>>, vector<16xf32>,
    tpu.vector_store %arg13[%swap3A_101], %broadcast_in_dim3A_3 {strides = array<i32>} : memref<256xf32, #tpu.memory_space<vmem>>, vector<16xf32>,
    %swap3A_103 = arith.constant 240 : index
    %swap3A_104 = tpu.vector_load %arg14[%swap3A_103] {strides = array<i32>} : memref<256xf32, #tpu.memory_space<vmem>>, vector<16xf32>,
    tpu.vector_store %arg14[%swap3A_103], %broadcast_in_dim3A_3 {strides = array<i32>} : memref<256xf32, #tpu.memory_space<vmem>>, vector<16xf32>,
    %scan3A = arith.constant 0 : i32
    %scan3A_105 = arith.constant 0 : i32
    %scan3A_106 = arith.constant 16 : i32
    %scan3A_107 = arith.addi %scan3A_105, %scan3A_106 : i32
    %scan3A_108 = arith.constant 1 : i32
    scf.for %scan3A_456 = %scan3A_105 to %scan3A_107 step %scan3A_108  : i32 {
      %mul3A_457 = arith.constant 16 : i32
      %mul3A_458 = arith.muli %scan3A_456, %mul3A_457 : i32
      %get3A = arith.index_cast %mul3A_458 : i32 to index
      %get3A_459 = tpu.vector_load %arg8[%get3A] {strides = array<i32>} : memref<256xi32, #tpu.memory_space<vmem>>, vector<16xi32>,
      %mul3A_460 = arith.constant 16 : i32
      %mul3A_461 = arith.muli %scan3A_456, %mul3A_460 : i32
      %get3A_462 = arith.index_cast %mul3A_461 : i32 to index
      %get3A_463 = tpu.vector_load %arg9[%get3A_462] {strides = array<i32>} : memref<256xf32, #tpu.memory_space<vmem>>, vector<16xf32>,
      %ge3A = arith.constant 0 : i32
      %ge3A_464 = vector.broadcast %ge3A : i32 to vector<16xi32>
      %ge3A_465 = arith.cmpi sge, %iota3A, %ge3A_464 : vector<16xi32>
      tpu.vector_store_idx %arg10[%get3A_459], %get3A_459 masked %ge3A_465 : memref<256xi32, #tpu.memory_space<vmem>>[vector<16xi32>], vector<16xi32>, vector<16xi1>
      tpu.vector_store_idx %arg13[%get3A_459], %broadcast_in_dim3A_5 {add = true} : memref<256xf32, #tpu.memory_space<vmem>>[vector<16xi32>], vector<16xf32>,
      tpu.vector_store_idx %arg14[%get3A_459], %get3A_463 {add = true} : memref<256xf32, #tpu.memory_space<vmem>>[vector<16xi32>], vector<16xf32>,
      %eq3A = arith.constant 0 : i32
      %eq3A_466 = vector.broadcast %eq3A : i32 to vector<16xi32>
      %eq3A_467 = arith.cmpi eq, %iota3A, %eq3A_466 : vector<16xi32>
      tpu.vector_store_idx %arg11[%get3A_459], %get3A_463 masked %eq3A_467 : memref<256xf32, #tpu.memory_space<vmem>>[vector<16xi32>], vector<16xf32>, vector<16xi1>
      %eq3A_468 = arith.constant 1 : i32
      %eq3A_469 = vector.broadcast %eq3A_468 : i32 to vector<16xi32>
      %eq3A_470 = arith.cmpi eq, %iota3A, %eq3A_469 : vector<16xi32>
      tpu.vector_store_idx %arg11[%get3A_459], %get3A_463 masked %eq3A_470 : memref<256xf32, #tpu.memory_space<vmem>>[vector<16xi32>], vector<16xf32>, vector<16xi1>
      %eq3A_471 = arith.constant 2 : i32
      %eq3A_472 = vector.broadcast %eq3A_471 : i32 to vector<16xi32>
      %eq3A_473 = arith.cmpi eq, %iota3A, %eq3A_472 : vector<16xi32>
      tpu.vector_store_idx %arg11[%get3A_459], %get3A_463 masked %eq3A_473 : memref<256xf32, #tpu.memory_space<vmem>>[vector<16xi32>], vector<16xf32>, vector<16xi1>
      %eq3A_474 = arith.constant 3 : i32
      %eq3A_475 = vector.broadcast %eq3A_474 : i32 to vector<16xi32>
      %eq3A_476 = arith.cmpi eq, %iota3A, %eq3A_475 : vector<16xi32>
      tpu.vector_store_idx %arg11[%get3A_459], %get3A_463 masked %eq3A_476 : memref<256xf32, #tpu.memory_space<vmem>>[vector<16xi32>], vector<16xf32>, vector<16xi1>
      %eq3A_477 = arith.constant 4 : i32
      %eq3A_478 = vector.broadcast %eq3A_477 : i32 to vector<16xi32>
      %eq3A_479 = arith.cmpi eq, %iota3A, %eq3A_478 : vector<16xi32>
      tpu.vector_store_idx %arg11[%get3A_459], %get3A_463 masked %eq3A_479 : memref<256xf32, #tpu.memory_space<vmem>>[vector<16xi32>], vector<16xf32>, vector<16xi1>
      %eq3A_480 = arith.constant 5 : i32
      %eq3A_481 = vector.broadcast %eq3A_480 : i32 to vector<16xi32>
      %eq3A_482 = arith.cmpi eq, %iota3A, %eq3A_481 : vector<16xi32>
      tpu.vector_store_idx %arg11[%get3A_459], %get3A_463 masked %eq3A_482 : memref<256xf32, #tpu.memory_space<vmem>>[vector<16xi32>], vector<16xf32>, vector<16xi1>
      %eq3A_483 = arith.constant 6 : i32
      %eq3A_484 = vector.broadcast %eq3A_483 : i32 to vector<16xi32>
      %eq3A_485 = arith.cmpi eq, %iota3A, %eq3A_484 : vector<16xi32>
      tpu.vector_store_idx %arg11[%get3A_459], %get3A_463 masked %eq3A_485 : memref<256xf32, #tpu.memory_space<vmem>>[vector<16xi32>], vector<16xf32>, vector<16xi1>
      %eq3A_486 = arith.constant 7 : i32
      %eq3A_487 = vector.broadcast %eq3A_486 : i32 to vector<16xi32>
      %eq3A_488 = arith.cmpi eq, %iota3A, %eq3A_487 : vector<16xi32>
      tpu.vector_store_idx %arg11[%get3A_459], %get3A_463 masked %eq3A_488 : memref<256xf32, #tpu.memory_space<vmem>>[vector<16xi32>], vector<16xf32>, vector<16xi1>
      %eq3A_489 = arith.constant 8 : i32
      %eq3A_490 = vector.broadcast %eq3A_489 : i32 to vector<16xi32>
      %eq3A_491 = arith.cmpi eq, %iota3A, %eq3A_490 : vector<16xi32>
      tpu.vector_store_idx %arg11[%get3A_459], %get3A_463 masked %eq3A_491 : memref<256xf32, #tpu.memory_space<vmem>>[vector<16xi32>], vector<16xf32>, vector<16xi1>
      %eq3A_492 = arith.constant 9 : i32
      %eq3A_493 = vector.broadcast %eq3A_492 : i32 to vector<16xi32>
      %eq3A_494 = arith.cmpi eq, %iota3A, %eq3A_493 : vector<16xi32>
      tpu.vector_store_idx %arg11[%get3A_459], %get3A_463 masked %eq3A_494 : memref<256xf32, #tpu.memory_space<vmem>>[vector<16xi32>], vector<16xf32>, vector<16xi1>
      %eq3A_495 = arith.constant 10 : i32
      %eq3A_496 = vector.broadcast %eq3A_495 : i32 to vector<16xi32>
      %eq3A_497 = arith.cmpi eq, %iota3A, %eq3A_496 : vector<16xi32>
      tpu.vector_store_idx %arg11[%get3A_459], %get3A_463 masked %eq3A_497 : memref<256xf32, #tpu.memory_space<vmem>>[vector<16xi32>], vector<16xf32>, vector<16xi1>
      %eq3A_498 = arith.constant 11 : i32
      %eq3A_499 = vector.broadcast %eq3A_498 : i32 to vector<16xi32>
      %eq3A_500 = arith.cmpi eq, %iota3A, %eq3A_499 : vector<16xi32>
      tpu.vector_store_idx %arg11[%get3A_459], %get3A_463 masked %eq3A_500 : memref<256xf32, #tpu.memory_space<vmem>>[vector<16xi32>], vector<16xf32>, vector<16xi1>
      %eq3A_501 = arith.constant 12 : i32
      %eq3A_502 = vector.broadcast %eq3A_501 : i32 to vector<16xi32>
      %eq3A_503 = arith.cmpi eq, %iota3A, %eq3A_502 : vector<16xi32>
      tpu.vector_store_idx %arg11[%get3A_459], %get3A_463 masked %eq3A_503 : memref<256xf32, #tpu.memory_space<vmem>>[vector<16xi32>], vector<16xf32>, vector<16xi1>
      %eq3A_504 = arith.constant 13 : i32
      %eq3A_505 = vector.broadcast %eq3A_504 : i32 to vector<16xi32>
      %eq3A_506 = arith.cmpi eq, %iota3A, %eq3A_505 : vector<16xi32>
      tpu.vector_store_idx %arg11[%get3A_459], %get3A_463 masked %eq3A_506 : memref<256xf32, #tpu.memory_space<vmem>>[vector<16xi32>], vector<16xf32>, vector<16xi1>
      %eq3A_507 = arith.constant 14 : i32
      %eq3A_508 = vector.broadcast %eq3A_507 : i32 to vector<16xi32>
      %eq3A_509 = arith.cmpi eq, %iota3A, %eq3A_508 : vector<16xi32>
      tpu.vector_store_idx %arg11[%get3A_459], %get3A_463 masked %eq3A_509 : memref<256xf32, #tpu.memory_space<vmem>>[vector<16xi32>], vector<16xf32>, vector<16xi1>
      %eq3A_510 = arith.constant 15 : i32
      %eq3A_511 = vector.broadcast %eq3A_510 : i32 to vector<16xi32>
      %eq3A_512 = arith.cmpi eq, %iota3A, %eq3A_511 : vector<16xi32>
      tpu.vector_store_idx %arg11[%get3A_459], %get3A_463 masked %eq3A_512 : memref<256xf32, #tpu.memory_space<vmem>>[vector<16xi32>], vector<16xf32>, vector<16xi1>
    }
    %scan3A_109 = arith.constant 16 : i32
    %scan3A_110 = arith.constant -1 : i32
    %scan3A_111 = arith.constant 0 : i32
    %scan3A_112 = arith.constant 16 : i32
    %scan3A_113 = arith.addi %scan3A_111, %scan3A_112 : i32
    %scan3A_114 = arith.constant 1 : i32
    %scan3A_115 = scf.for %scan3A_456 = %scan3A_111 to %scan3A_113 step %scan3A_114 iter_args(%scan3A_457 = %scan3A_110) -> (i32)  : i32 {
      %mul3A_458 = arith.constant 16 : i32
      %mul3A_459 = arith.muli %scan3A_456, %mul3A_458 : i32
      %get3A = arith.index_cast %mul3A_459 : i32 to index
      %get3A_460 = tpu.vector_load %arg10[%get3A] {strides = array<i32>} : memref<256xi32, #tpu.memory_space<vmem>>, vector<16xi32>,
      %broadcast_in_dim3A_461 = arith.constant true
      %broadcast_in_dim3A_462 = vector.broadcast %broadcast_in_dim3A_461 : i1 to vector<16xi1>
      %masked_cummax3A = arith.constant -2147483648 : i32
      %masked_cummax3A_463 = vector.broadcast %masked_cummax3A : i32 to vector<16xi32>
      %masked_cummax3A_464 = arith.xori %get3A_460, %masked_cummax3A_463 : vector<16xi32>
      %masked_cummax3A_465 = tpu.scan <max>, %masked_cummax3A_464 masked %broadcast_in_dim3A_462 : vector<16xi32>, vector<16xi1> -> vector<16xi32>
      %masked_cummax3A_466 = arith.xori %masked_cummax3A_465, %masked_cummax3A_463 : vector<16xi32>
      %max3A = vector.broadcast %scan3A_457 : i32 to vector<16xi32>
      %max3A_467 = arith.maxsi %masked_cummax3A_466, %max3A : vector<16xi32>
      %max3A_468 = arith.constant 0 : i32
      %max3A_469 = vector.broadcast %max3A_468 : i32 to vector<16xi32>
      %max3A_470 = arith.maxsi %max3A_467, %max3A_469 : vector<16xi32>
      %gather3A = tpu.vector_load_idx %arg11[%max3A_470] : memref<256xf32, #tpu.memory_space<vmem>>[vector<16xi32>], vector<16xf32>,
      %ge3A = arith.constant 0 : i32
      %ge3A_471 = vector.broadcast %ge3A : i32 to vector<16xi32>
      %ge3A_472 = arith.cmpi sge, %max3A_467, %ge3A_471 : vector<16xi32>
      %get3A_473 = arith.constant 0 : index
      %get3A_474 = tpu.vector_load %arg15[%get3A_473] {strides = array<i32>} : memref<16xf32, #tpu.memory_space<vmem>>, vector<16xf32>,
      %select_n3A = arith.select %ge3A_472, %gather3A, %get3A_474 : vector<16xi1>, vector<16xf32>
      %mul3A_475 = arith.constant 16 : i32
      %mul3A_476 = arith.muli %scan3A_456, %mul3A_475 : i32
      %swap3A_477 = arith.index_cast %mul3A_476 : i32 to index
      %swap3A_478 = tpu.vector_load %arg12[%swap3A_477] {strides = array<i32>} : memref<256xf32, #tpu.memory_space<vmem>>, vector<16xf32>,
      tpu.vector_store %arg12[%swap3A_477], %select_n3A {strides = array<i32>} : memref<256xf32, #tpu.memory_space<vmem>>, vector<16xf32>,
      %reduce_max3A = arith.constant true
      %reduce_max3A_479 = vector.broadcast %reduce_max3A : i1 to vector<16xi1>
      %reduce_max3A_480 = arith.constant -2147483648 : i32
      %reduce_max3A_481 = vector.broadcast %reduce_max3A_480 : i32 to vector<16xi32>
      %reduce_max3A_482 = arith.xori %max3A_467, %reduce_max3A_481 : vector<16xi32>
      %reduce_max3A_483 = tpu.scan <max>, %reduce_max3A_482 masked %reduce_max3A_479 : vector<16xi32>, vector<16xi1> -> vector<16xi32>
      %reduce_max3A_484 = arith.xori %reduce_max3A_483, %reduce_max3A_481 : vector<16xi32>
      %reduce_max3A_485 = vector.extract %reduce_max3A_484[15] : i32 from vector<16xi32>
      scf.yield %reduce_max3A_485 : i32
    }
    %scan3A_116 = arith.constant 16 : i32
    "tpu.region"() ({
      %run_scoped3A = tpu.sem_alloc : memref<!tpu.dma_semaphore, #tpu.memory_space<semaphore_mem>>
      %dma_start3A = arith.constant 0 : i32
      %dma_start3A_456 = tpu.memref_slice %arg5[%add3A_9, %dma_start3A] : memref<128x256xf32, #tpu.memory_space<hbm>> -> memref<1x256xf32, #tpu.memory_space<hbm>>
      %dma_start3A_457 = tpu.memref_squeeze %dma_start3A_456 : memref<1x256xf32, #tpu.memory_space<hbm>> -> memref<256xf32, #tpu.memory_space<hbm>>
      %dma_start3A_458 = arith.constant 0 : i32
      %dma_start3A_459 = tpu.memref_slice %arg5[%add3A_9, %dma_start3A_458] : memref<128x256xf32, #tpu.memory_space<hbm>> -> memref<1x256xf32, #tpu.memory_space<hbm>>
      %dma_start3A_460 = tpu.memref_squeeze %dma_start3A_459 : memref<1x256xf32, #tpu.memory_space<hbm>> -> memref<256xf32, #tpu.memory_space<hbm>>
      tpu.enqueue_dma source(%arg12 : memref<256xf32, #tpu.memory_space<vmem>>) target(%dma_start3A_460 : memref<256xf32, #tpu.memory_space<hbm>>) target_semaphore(%run_scoped3A : memref<!tpu.dma_semaphore, #tpu.memory_space<semaphore_mem>>)
      %dma_wait3A = arith.constant 0 : i32
      %dma_wait3A_461 = tpu.memref_slice %arg5[%add3A_9, %dma_wait3A] : memref<128x256xf32, #tpu.memory_space<hbm>> -> memref<1x256xf32, #tpu.memory_space<hbm>>
      %dma_wait3A_462 = tpu.memref_squeeze %dma_wait3A_461 : memref<1x256xf32, #tpu.memory_space<hbm>> -> memref<256xf32, #tpu.memory_space<hbm>>
      %dma_wait3A_463 = arith.constant 0 : i32
      %dma_wait3A_464 = tpu.memref_slice %arg5[%add3A_9, %dma_wait3A_463] : memref<128x256xf32, #tpu.memory_space<hbm>> -> memref<1x256xf32, #tpu.memory_space<hbm>>
      %dma_wait3A_465 = tpu.memref_squeeze %dma_wait3A_464 : memref<1x256xf32, #tpu.memory_space<hbm>> -> memref<256xf32, #tpu.memory_space<hbm>>
      tpu.wait_dma2 semaphore(%run_scoped3A : memref<!tpu.dma_semaphore, #tpu.memory_space<semaphore_mem>>) src(%arg12 : memref<256xf32, #tpu.memory_space<vmem>>) dst(%dma_wait3A_465 : memref<256xf32, #tpu.memory_space<hbm>>)
      tpu.yield
    }) : () -> ()
    "tpu.region"() ({
      %run_scoped3A = tpu.sem_alloc : memref<!tpu.dma_semaphore, #tpu.memory_space<semaphore_mem>>
      %dma_start3A = arith.constant 0 : i32
      %dma_start3A_456 = tpu.memref_slice %arg6[%add3A_9, %dma_start3A] : memref<128x256xf32, #tpu.memory_space<hbm>> -> memref<1x256xf32, #tpu.memory_space<hbm>>
      %dma_start3A_457 = tpu.memref_squeeze %dma_start3A_456 : memref<1x256xf32, #tpu.memory_space<hbm>> -> memref<256xf32, #tpu.memory_space<hbm>>
      %dma_start3A_458 = arith.constant 0 : i32
      %dma_start3A_459 = tpu.memref_slice %arg6[%add3A_9, %dma_start3A_458] : memref<128x256xf32, #tpu.memory_space<hbm>> -> memref<1x256xf32, #tpu.memory_space<hbm>>
      %dma_start3A_460 = tpu.memref_squeeze %dma_start3A_459 : memref<1x256xf32, #tpu.memory_space<hbm>> -> memref<256xf32, #tpu.memory_space<hbm>>
      tpu.enqueue_dma source(%arg13 : memref<256xf32, #tpu.memory_space<vmem>>) target(%dma_start3A_460 : memref<256xf32, #tpu.memory_space<hbm>>) target_semaphore(%run_scoped3A : memref<!tpu.dma_semaphore, #tpu.memory_space<semaphore_mem>>)
      %dma_wait3A = arith.constant 0 : i32
      %dma_wait3A_461 = tpu.memref_slice %arg6[%add3A_9, %dma_wait3A] : memref<128x256xf32, #tpu.memory_space<hbm>> -> memref<1x256xf32, #tpu.memory_space<hbm>>
      %dma_wait3A_462 = tpu.memref_squeeze %dma_wait3A_461 : memref<1x256xf32, #tpu.memory_space<hbm>> -> memref<256xf32, #tpu.memory_space<hbm>>
      %dma_wait3A_463 = arith.constant 0 : i32
      %dma_wait3A_464 = tpu.memref_slice %arg6[%add3A_9, %dma_wait3A_463] : memref<128x256xf32, #tpu.memory_space<hbm>> -> memref<1x256xf32, #tpu.memory_space<hbm>>
      %dma_wait3A_465 = tpu.memref_squeeze %dma_wait3A_464 : memref<1x256xf32, #tpu.memory_space<hbm>> -> memref<256xf32, #tpu.memory_space<hbm>>
      tpu.wait_dma2 semaphore(%run_scoped3A : memref<!tpu.dma_semaphore, #tpu.memory_space<semaphore_mem>>) src(%arg13 : memref<256xf32, #tpu.memory_space<vmem>>) dst(%dma_wait3A_465 : memref<256xf32, #tpu.memory_space<hbm>>)
      tpu.yield
    }) : () -> ()
    "tpu.region"() ({
      %run_scoped3A = tpu.sem_alloc : memref<!tpu.dma_semaphore, #tpu.memory_space<semaphore_mem>>
      %dma_start3A = arith.constant 0 : i32
      %dma_start3A_456 = tpu.memref_slice %arg7[%add3A_9, %dma_start3A] : memref<128x256xf32, #tpu.memory_space<hbm>> -> memref<1x256xf32, #tpu.memory_space<hbm>>
      %dma_start3A_457 = tpu.memref_squeeze %dma_start3A_456 : memref<1x256xf32, #tpu.memory_space<hbm>> -> memref<256xf32, #tpu.memory_space<hbm>>
      %dma_start3A_458 = arith.constant 0 : i32
      %dma_start3A_459 = tpu.memref_slice %arg7[%add3A_9, %dma_start3A_458] : memref<128x256xf32, #tpu.memory_space<hbm>> -> memref<1x256xf32, #tpu.memory_space<hbm>>
      %dma_start3A_460 = tpu.memref_squeeze %dma_start3A_459 : memref<1x256xf32, #tpu.memory_space<hbm>> -> memref<256xf32, #tpu.memory_space<hbm>>
      tpu.enqueue_dma source(%arg14 : memref<256xf32, #tpu.memory_space<vmem>>) target(%dma_start3A_460 : memref<256xf32, #tpu.memory_space<hbm>>) target_semaphore(%run_scoped3A : memref<!tpu.dma_semaphore, #tpu.memory_space<semaphore_mem>>)
      %dma_wait3A = arith.constant 0 : i32
      %dma_wait3A_461 = tpu.memref_slice %arg7[%add3A_9, %dma_wait3A] : memref<128x256xf32, #tpu.memory_space<hbm>> -> memref<1x256xf32, #tpu.memory_space<hbm>>
      %dma_wait3A_462 = tpu.memref_squeeze %dma_wait3A_461 : memref<1x256xf32, #tpu.memory_space<hbm>> -> memref<256xf32, #tpu.memory_space<hbm>>
      %dma_wait3A_463 = arith.constant 0 : i32
      %dma_wait3A_464 = tpu.memref_slice %arg7[%add3A_9, %dma_wait3A_463] : memref<128x256xf32, #tpu.memory_space<hbm>> -> memref<1x256xf32, #tpu.memory_space<hbm>>
      %dma_wait3A_465 = tpu.memref_squeeze %dma_wait3A_464 : memref<1x256xf32, #tpu.memory_space<hbm>> -> memref<256xf32, #tpu.memory_space<hbm>>
      tpu.wait_dma2 semaphore(%run_scoped3A : memref<!tpu.dma_semaphore, #tpu.memory_space<semaphore_mem>>) src(%arg14 : memref<256xf32, #tpu.memory_space<vmem>>) dst(%dma_wait3A_465 : memref<256xf32, #tpu.memory_space<hbm>>)
      tpu.yield
    }) : () -> ()
    %mul3A_117 = arith.constant 4 : i32
    %mul3A_118 = arith.muli %add3A, %mul3A_117 : i32
    %add3A_119 = arith.constant 1 : i32
    %add3A_120 = arith.addi %mul3A_118, %add3A_119 : i32
    "tpu.region"() ({
      %run_scoped3A = tpu.sem_alloc : memref<!tpu.dma_semaphore, #tpu.memory_space<semaphore_mem>>
      %dma_start3A = arith.constant 0 : i32
      %dma_start3A_456 = tpu.memref_slice %arg3[%add3A_120, %dma_start3A] : memref<128x256xi32, #tpu.memory_space<hbm>> -> memref<1x256xi32, #tpu.memory_space<hbm>>
      %dma_start3A_457 = tpu.memref_squeeze %dma_start3A_456 : memref<1x256xi32, #tpu.memory_space<hbm>> -> memref<256xi32, #tpu.memory_space<hbm>>
      %dma_start3A_458 = arith.constant 0 : i32
      %dma_start3A_459 = tpu.memref_slice %arg3[%add3A_120, %dma_start3A_458] : memref<128x256xi32, #tpu.memory_space<hbm>> -> memref<1x256xi32, #tpu.memory_space<hbm>>
      %dma_start3A_460 = tpu.memref_squeeze %dma_start3A_459 : memref<1x256xi32, #tpu.memory_space<hbm>> -> memref<256xi32, #tpu.memory_space<hbm>>
      tpu.enqueue_dma source(%dma_start3A_460 : memref<256xi32, #tpu.memory_space<hbm>>) target(%arg8 : memref<256xi32, #tpu.memory_space<vmem>>) target_semaphore(%run_scoped3A : memref<!tpu.dma_semaphore, #tpu.memory_space<semaphore_mem>>)
      %dma_wait3A = arith.constant 0 : i32
      %dma_wait3A_461 = tpu.memref_slice %arg3[%add3A_120, %dma_wait3A] : memref<128x256xi32, #tpu.memory_space<hbm>> -> memref<1x256xi32, #tpu.memory_space<hbm>>
      %dma_wait3A_462 = tpu.memref_squeeze %dma_wait3A_461 : memref<1x256xi32, #tpu.memory_space<hbm>> -> memref<256xi32, #tpu.memory_space<hbm>>
      %dma_wait3A_463 = arith.constant 0 : i32
      %dma_wait3A_464 = tpu.memref_slice %arg3[%add3A_120, %dma_wait3A_463] : memref<128x256xi32, #tpu.memory_space<hbm>> -> memref<1x256xi32, #tpu.memory_space<hbm>>
      %dma_wait3A_465 = tpu.memref_squeeze %dma_wait3A_464 : memref<1x256xi32, #tpu.memory_space<hbm>> -> memref<256xi32, #tpu.memory_space<hbm>>
      tpu.wait_dma2 semaphore(%run_scoped3A : memref<!tpu.dma_semaphore, #tpu.memory_space<semaphore_mem>>) src(%dma_wait3A_465 : memref<256xi32, #tpu.memory_space<hbm>>) dst(%arg8 : memref<256xi32, #tpu.memory_space<vmem>>)
      tpu.yield
    }) : () -> ()
    "tpu.region"() ({
      %run_scoped3A = tpu.sem_alloc : memref<!tpu.dma_semaphore, #tpu.memory_space<semaphore_mem>>
      %dma_start3A = arith.constant 0 : i32
      %dma_start3A_456 = tpu.memref_slice %arg2[%add3A_120, %dma_start3A] : memref<128x256xf32, #tpu.memory_space<hbm>> -> memref<1x256xf32, #tpu.memory_space<hbm>>
      %dma_start3A_457 = tpu.memref_squeeze %dma_start3A_456 : memref<1x256xf32, #tpu.memory_space<hbm>> -> memref<256xf32, #tpu.memory_space<hbm>>
      %dma_start3A_458 = arith.constant 0 : i32
      %dma_start3A_459 = tpu.memref_slice %arg2[%add3A_120, %dma_start3A_458] : memref<128x256xf32, #tpu.memory_space<hbm>> -> memref<1x256xf32, #tpu.memory_space<hbm>>
      %dma_start3A_460 = tpu.memref_squeeze %dma_start3A_459 : memref<1x256xf32, #tpu.memory_space<hbm>> -> memref<256xf32, #tpu.memory_space<hbm>>
      tpu.enqueue_dma source(%dma_start3A_460 : memref<256xf32, #tpu.memory_space<hbm>>) target(%arg9 : memref<256xf32, #tpu.memory_space<vmem>>) target_semaphore(%run_scoped3A : memref<!tpu.dma_semaphore, #tpu.memory_space<semaphore_mem>>)
      %dma_wait3A = arith.constant 0 : i32
      %dma_wait3A_461 = tpu.memref_slice %arg2[%add3A_120, %dma_wait3A] : memref<128x256xf32, #tpu.memory_space<hbm>> -> memref<1x256xf32, #tpu.memory_space<hbm>>
      %dma_wait3A_462 = tpu.memref_squeeze %dma_wait3A_461 : memref<1x256xf32, #tpu.memory_space<hbm>> -> memref<256xf32, #tpu.memory_space<hbm>>
      %dma_wait3A_463 = arith.constant 0 : i32
      %dma_wait3A_464 = tpu.memref_slice %arg2[%add3A_120, %dma_wait3A_463] : memref<128x256xf32, #tpu.memory_space<hbm>> -> memref<1x256xf32, #tpu.memory_space<hbm>>
      %dma_wait3A_465 = tpu.memref_squeeze %dma_wait3A_464 : memref<1x256xf32, #tpu.memory_space<hbm>> -> memref<256xf32, #tpu.memory_space<hbm>>
      tpu.wait_dma2 semaphore(%run_scoped3A : memref<!tpu.dma_semaphore, #tpu.memory_space<semaphore_mem>>) src(%dma_wait3A_465 : memref<256xf32, #tpu.memory_space<hbm>>) dst(%arg9 : memref<256xf32, #tpu.memory_space<vmem>>)
      tpu.yield
    }) : () -> ()
    "tpu.region"() ({
      %run_scoped3A = tpu.sem_alloc : memref<!tpu.dma_semaphore, #tpu.memory_space<semaphore_mem>>
      %dma_start3A = arith.constant 0 : i32
      %dma_start3A_456 = tpu.memref_slice %arg4[%add3A_120, %dma_start3A] : memref<128x16xf32, #tpu.memory_space<hbm>> -> memref<1x16xf32, #tpu.memory_space<hbm>>
      %dma_start3A_457 = tpu.memref_squeeze %dma_start3A_456 : memref<1x16xf32, #tpu.memory_space<hbm>> -> memref<16xf32, #tpu.memory_space<hbm>>
      %dma_start3A_458 = arith.constant 0 : i32
      %dma_start3A_459 = tpu.memref_slice %arg4[%add3A_120, %dma_start3A_458] : memref<128x16xf32, #tpu.memory_space<hbm>> -> memref<1x16xf32, #tpu.memory_space<hbm>>
      %dma_start3A_460 = tpu.memref_squeeze %dma_start3A_459 : memref<1x16xf32, #tpu.memory_space<hbm>> -> memref<16xf32, #tpu.memory_space<hbm>>
      tpu.enqueue_dma source(%dma_start3A_460 : memref<16xf32, #tpu.memory_space<hbm>>) target(%arg15 : memref<16xf32, #tpu.memory_space<vmem>>) target_semaphore(%run_scoped3A : memref<!tpu.dma_semaphore, #tpu.memory_space<semaphore_mem>>)
      %dma_wait3A = arith.constant 0 : i32
      %dma_wait3A_461 = tpu.memref_slice %arg4[%add3A_120, %dma_wait3A] : memref<128x16xf32, #tpu.memory_space<hbm>> -> memref<1x16xf32, #tpu.memory_space<hbm>>
      %dma_wait3A_462 = tpu.memref_squeeze %dma_wait3A_461 : memref<1x16xf32, #tpu.memory_space<hbm>> -> memref<16xf32, #tpu.memory_space<hbm>>
      %dma_wait3A_463 = arith.constant 0 : i32
      %dma_wait3A_464 = tpu.memref_slice %arg4[%add3A_120, %dma_wait3A_463] : memref<128x16xf32, #tpu.memory_space<hbm>> -> memref<1x16xf32, #tpu.memory_space<hbm>>
      %dma_wait3A_465 = tpu.memref_squeeze %dma_wait3A_464 : memref<1x16xf32, #tpu.memory_space<hbm>> -> memref<16xf32, #tpu.memory_space<hbm>>
      tpu.wait_dma2 semaphore(%run_scoped3A : memref<!tpu.dma_semaphore, #tpu.memory_space<semaphore_mem>>) src(%dma_wait3A_465 : memref<16xf32, #tpu.memory_space<hbm>>) dst(%arg15 : memref<16xf32, #tpu.memory_space<vmem>>)
      tpu.yield
    }) : () -> ()
    %swap3A_121 = arith.constant 0 : index
    %swap3A_122 = tpu.vector_load %arg10[%swap3A_121] {strides = array<i32>} : memref<256xi32, #tpu.memory_space<vmem>>, vector<16xi32>,
    tpu.vector_store %arg10[%swap3A_121], %broadcast_in_dim3A_1 {strides = array<i32>} : memref<256xi32, #tpu.memory_space<vmem>>, vector<16xi32>,
    %swap3A_123 = arith.constant 0 : index
    %swap3A_124 = tpu.vector_load %arg13[%swap3A_123] {strides = array<i32>} : memref<256xf32, #tpu.memory_space<vmem>>, vector<16xf32>,
    tpu.vector_store %arg13[%swap3A_123], %broadcast_in_dim3A_3 {strides = array<i32>} : memref<256xf32, #tpu.memory_space<vmem>>, vector<16xf32>,
    %swap3A_125 = arith.constant 0 : index
    %swap3A_126 = tpu.vector_load %arg14[%swap3A_125] {strides = array<i32>} : memref<256xf32, #tpu.memory_space<vmem>>, vector<16xf32>,
    tpu.vector_store %arg14[%swap3A_125], %broadcast_in_dim3A_3 {strides = array<i32>} : memref<256xf32, #tpu.memory_space<vmem>>, vector<16xf32>,
    %swap3A_127 = arith.constant 16 : index
    %swap3A_128 = tpu.vector_load %arg10[%swap3A_127] {strides = array<i32>} : memref<256xi32, #tpu.memory_space<vmem>>, vector<16xi32>,
    tpu.vector_store %arg10[%swap3A_127], %broadcast_in_dim3A_1 {strides = array<i32>} : memref<256xi32, #tpu.memory_space<vmem>>, vector<16xi32>,
    %swap3A_129 = arith.constant 16 : index
    %swap3A_130 = tpu.vector_load %arg13[%swap3A_129] {strides = array<i32>} : memref<256xf32, #tpu.memory_space<vmem>>, vector<16xf32>,
    tpu.vector_store %arg13[%swap3A_129], %broadcast_in_dim3A_3 {strides = array<i32>} : memref<256xf32, #tpu.memory_space<vmem>>, vector<16xf32>,
    %swap3A_131 = arith.constant 16 : index
    %swap3A_132 = tpu.vector_load %arg14[%swap3A_131] {strides = array<i32>} : memref<256xf32, #tpu.memory_space<vmem>>, vector<16xf32>,
    tpu.vector_store %arg14[%swap3A_131], %broadcast_in_dim3A_3 {strides = array<i32>} : memref<256xf32, #tpu.memory_space<vmem>>, vector<16xf32>,
    %swap3A_133 = arith.constant 32 : index
    %swap3A_134 = tpu.vector_load %arg10[%swap3A_133] {strides = array<i32>} : memref<256xi32, #tpu.memory_space<vmem>>, vector<16xi32>,
    tpu.vector_store %arg10[%swap3A_133], %broadcast_in_dim3A_1 {strides = array<i32>} : memref<256xi32, #tpu.memory_space<vmem>>, vector<16xi32>,
    %swap3A_135 = arith.constant 32 : index
    %swap3A_136 = tpu.vector_load %arg13[%swap3A_135] {strides = array<i32>} : memref<256xf32, #tpu.memory_space<vmem>>, vector<16xf32>,
    tpu.vector_store %arg13[%swap3A_135], %broadcast_in_dim3A_3 {strides = array<i32>} : memref<256xf32, #tpu.memory_space<vmem>>, vector<16xf32>,
    %swap3A_137 = arith.constant 32 : index
    %swap3A_138 = tpu.vector_load %arg14[%swap3A_137] {strides = array<i32>} : memref<256xf32, #tpu.memory_space<vmem>>, vector<16xf32>,
    tpu.vector_store %arg14[%swap3A_137], %broadcast_in_dim3A_3 {strides = array<i32>} : memref<256xf32, #tpu.memory_space<vmem>>, vector<16xf32>,
    %swap3A_139 = arith.constant 48 : index
    %swap3A_140 = tpu.vector_load %arg10[%swap3A_139] {strides = array<i32>} : memref<256xi32, #tpu.memory_space<vmem>>, vector<16xi32>,
    tpu.vector_store %arg10[%swap3A_139], %broadcast_in_dim3A_1 {strides = array<i32>} : memref<256xi32, #tpu.memory_space<vmem>>, vector<16xi32>,
    %swap3A_141 = arith.constant 48 : index
    %swap3A_142 = tpu.vector_load %arg13[%swap3A_141] {strides = array<i32>} : memref<256xf32, #tpu.memory_space<vmem>>, vector<16xf32>,
    tpu.vector_store %arg13[%swap3A_141], %broadcast_in_dim3A_3 {strides = array<i32>} : memref<256xf32, #tpu.memory_space<vmem>>, vector<16xf32>,
    %swap3A_143 = arith.constant 48 : index
    %swap3A_144 = tpu.vector_load %arg14[%swap3A_143] {strides = array<i32>} : memref<256xf32, #tpu.memory_space<vmem>>, vector<16xf32>,
    tpu.vector_store %arg14[%swap3A_143], %broadcast_in_dim3A_3 {strides = array<i32>} : memref<256xf32, #tpu.memory_space<vmem>>, vector<16xf32>,
    %swap3A_145 = arith.constant 64 : index
    %swap3A_146 = tpu.vector_load %arg10[%swap3A_145] {strides = array<i32>} : memref<256xi32, #tpu.memory_space<vmem>>, vector<16xi32>,
    tpu.vector_store %arg10[%swap3A_145], %broadcast_in_dim3A_1 {strides = array<i32>} : memref<256xi32, #tpu.memory_space<vmem>>, vector<16xi32>,
    %swap3A_147 = arith.constant 64 : index
    %swap3A_148 = tpu.vector_load %arg13[%swap3A_147] {strides = array<i32>} : memref<256xf32, #tpu.memory_space<vmem>>, vector<16xf32>,
    tpu.vector_store %arg13[%swap3A_147], %broadcast_in_dim3A_3 {strides = array<i32>} : memref<256xf32, #tpu.memory_space<vmem>>, vector<16xf32>,
    %swap3A_149 = arith.constant 64 : index
    %swap3A_150 = tpu.vector_load %arg14[%swap3A_149] {strides = array<i32>} : memref<256xf32, #tpu.memory_space<vmem>>, vector<16xf32>,
    tpu.vector_store %arg14[%swap3A_149], %broadcast_in_dim3A_3 {strides = array<i32>} : memref<256xf32, #tpu.memory_space<vmem>>, vector<16xf32>,
    %swap3A_151 = arith.constant 80 : index
    %swap3A_152 = tpu.vector_load %arg10[%swap3A_151] {strides = array<i32>} : memref<256xi32, #tpu.memory_space<vmem>>, vector<16xi32>,
    tpu.vector_store %arg10[%swap3A_151], %broadcast_in_dim3A_1 {strides = array<i32>} : memref<256xi32, #tpu.memory_space<vmem>>, vector<16xi32>,
    %swap3A_153 = arith.constant 80 : index
    %swap3A_154 = tpu.vector_load %arg13[%swap3A_153] {strides = array<i32>} : memref<256xf32, #tpu.memory_space<vmem>>, vector<16xf32>,
    tpu.vector_store %arg13[%swap3A_153], %broadcast_in_dim3A_3 {strides = array<i32>} : memref<256xf32, #tpu.memory_space<vmem>>, vector<16xf32>,
    %swap3A_155 = arith.constant 80 : index
    %swap3A_156 = tpu.vector_load %arg14[%swap3A_155] {strides = array<i32>} : memref<256xf32, #tpu.memory_space<vmem>>, vector<16xf32>,
    tpu.vector_store %arg14[%swap3A_155], %broadcast_in_dim3A_3 {strides = array<i32>} : memref<256xf32, #tpu.memory_space<vmem>>, vector<16xf32>,
    %swap3A_157 = arith.constant 96 : index
    %swap3A_158 = tpu.vector_load %arg10[%swap3A_157] {strides = array<i32>} : memref<256xi32, #tpu.memory_space<vmem>>, vector<16xi32>,
    tpu.vector_store %arg10[%swap3A_157], %broadcast_in_dim3A_1 {strides = array<i32>} : memref<256xi32, #tpu.memory_space<vmem>>, vector<16xi32>,
    %swap3A_159 = arith.constant 96 : index
    %swap3A_160 = tpu.vector_load %arg13[%swap3A_159] {strides = array<i32>} : memref<256xf32, #tpu.memory_space<vmem>>, vector<16xf32>,
    tpu.vector_store %arg13[%swap3A_159], %broadcast_in_dim3A_3 {strides = array<i32>} : memref<256xf32, #tpu.memory_space<vmem>>, vector<16xf32>,
    %swap3A_161 = arith.constant 96 : index
    %swap3A_162 = tpu.vector_load %arg14[%swap3A_161] {strides = array<i32>} : memref<256xf32, #tpu.memory_space<vmem>>, vector<16xf32>,
    tpu.vector_store %arg14[%swap3A_161], %broadcast_in_dim3A_3 {strides = array<i32>} : memref<256xf32, #tpu.memory_space<vmem>>, vector<16xf32>,
    %swap3A_163 = arith.constant 112 : index
    %swap3A_164 = tpu.vector_load %arg10[%swap3A_163] {strides = array<i32>} : memref<256xi32, #tpu.memory_space<vmem>>, vector<16xi32>,
    tpu.vector_store %arg10[%swap3A_163], %broadcast_in_dim3A_1 {strides = array<i32>} : memref<256xi32, #tpu.memory_space<vmem>>, vector<16xi32>,
    %swap3A_165 = arith.constant 112 : index
    %swap3A_166 = tpu.vector_load %arg13[%swap3A_165] {strides = array<i32>} : memref<256xf32, #tpu.memory_space<vmem>>, vector<16xf32>,
    tpu.vector_store %arg13[%swap3A_165], %broadcast_in_dim3A_3 {strides = array<i32>} : memref<256xf32, #tpu.memory_space<vmem>>, vector<16xf32>,
    %swap3A_167 = arith.constant 112 : index
    %swap3A_168 = tpu.vector_load %arg14[%swap3A_167] {strides = array<i32>} : memref<256xf32, #tpu.memory_space<vmem>>, vector<16xf32>,
    tpu.vector_store %arg14[%swap3A_167], %broadcast_in_dim3A_3 {strides = array<i32>} : memref<256xf32, #tpu.memory_space<vmem>>, vector<16xf32>,
    %swap3A_169 = arith.constant 128 : index
    %swap3A_170 = tpu.vector_load %arg10[%swap3A_169] {strides = array<i32>} : memref<256xi32, #tpu.memory_space<vmem>>, vector<16xi32>,
    tpu.vector_store %arg10[%swap3A_169], %broadcast_in_dim3A_1 {strides = array<i32>} : memref<256xi32, #tpu.memory_space<vmem>>, vector<16xi32>,
    %swap3A_171 = arith.constant 128 : index
    %swap3A_172 = tpu.vector_load %arg13[%swap3A_171] {strides = array<i32>} : memref<256xf32, #tpu.memory_space<vmem>>, vector<16xf32>,
    tpu.vector_store %arg13[%swap3A_171], %broadcast_in_dim3A_3 {strides = array<i32>} : memref<256xf32, #tpu.memory_space<vmem>>, vector<16xf32>,
    %swap3A_173 = arith.constant 128 : index
    %swap3A_174 = tpu.vector_load %arg14[%swap3A_173] {strides = array<i32>} : memref<256xf32, #tpu.memory_space<vmem>>, vector<16xf32>,
    tpu.vector_store %arg14[%swap3A_173], %broadcast_in_dim3A_3 {strides = array<i32>} : memref<256xf32, #tpu.memory_space<vmem>>, vector<16xf32>,
    %swap3A_175 = arith.constant 144 : index
    %swap3A_176 = tpu.vector_load %arg10[%swap3A_175] {strides = array<i32>} : memref<256xi32, #tpu.memory_space<vmem>>, vector<16xi32>,
    tpu.vector_store %arg10[%swap3A_175], %broadcast_in_dim3A_1 {strides = array<i32>} : memref<256xi32, #tpu.memory_space<vmem>>, vector<16xi32>,
    %swap3A_177 = arith.constant 144 : index
    %swap3A_178 = tpu.vector_load %arg13[%swap3A_177] {strides = array<i32>} : memref<256xf32, #tpu.memory_space<vmem>>, vector<16xf32>,
    tpu.vector_store %arg13[%swap3A_177], %broadcast_in_dim3A_3 {strides = array<i32>} : memref<256xf32, #tpu.memory_space<vmem>>, vector<16xf32>,
    %swap3A_179 = arith.constant 144 : index
    %swap3A_180 = tpu.vector_load %arg14[%swap3A_179] {strides = array<i32>} : memref<256xf32, #tpu.memory_space<vmem>>, vector<16xf32>,
    tpu.vector_store %arg14[%swap3A_179], %broadcast_in_dim3A_3 {strides = array<i32>} : memref<256xf32, #tpu.memory_space<vmem>>, vector<16xf32>,
    %swap3A_181 = arith.constant 160 : index
    %swap3A_182 = tpu.vector_load %arg10[%swap3A_181] {strides = array<i32>} : memref<256xi32, #tpu.memory_space<vmem>>, vector<16xi32>,
    tpu.vector_store %arg10[%swap3A_181], %broadcast_in_dim3A_1 {strides = array<i32>} : memref<256xi32, #tpu.memory_space<vmem>>, vector<16xi32>,
    %swap3A_183 = arith.constant 160 : index
    %swap3A_184 = tpu.vector_load %arg13[%swap3A_183] {strides = array<i32>} : memref<256xf32, #tpu.memory_space<vmem>>, vector<16xf32>,
    tpu.vector_store %arg13[%swap3A_183], %broadcast_in_dim3A_3 {strides = array<i32>} : memref<256xf32, #tpu.memory_space<vmem>>, vector<16xf32>,
    %swap3A_185 = arith.constant 160 : index
    %swap3A_186 = tpu.vector_load %arg14[%swap3A_185] {strides = array<i32>} : memref<256xf32, #tpu.memory_space<vmem>>, vector<16xf32>,
    tpu.vector_store %arg14[%swap3A_185], %broadcast_in_dim3A_3 {strides = array<i32>} : memref<256xf32, #tpu.memory_space<vmem>>, vector<16xf32>,
    %swap3A_187 = arith.constant 176 : index
    %swap3A_188 = tpu.vector_load %arg10[%swap3A_187] {strides = array<i32>} : memref<256xi32, #tpu.memory_space<vmem>>, vector<16xi32>,
    tpu.vector_store %arg10[%swap3A_187], %broadcast_in_dim3A_1 {strides = array<i32>} : memref<256xi32, #tpu.memory_space<vmem>>, vector<16xi32>,
    %swap3A_189 = arith.constant 176 : index
    %swap3A_190 = tpu.vector_load %arg13[%swap3A_189] {strides = array<i32>} : memref<256xf32, #tpu.memory_space<vmem>>, vector<16xf32>,
    tpu.vector_store %arg13[%swap3A_189], %broadcast_in_dim3A_3 {strides = array<i32>} : memref<256xf32, #tpu.memory_space<vmem>>, vector<16xf32>,
    %swap3A_191 = arith.constant 176 : index
    %swap3A_192 = tpu.vector_load %arg14[%swap3A_191] {strides = array<i32>} : memref<256xf32, #tpu.memory_space<vmem>>, vector<16xf32>,
    tpu.vector_store %arg14[%swap3A_191], %broadcast_in_dim3A_3 {strides = array<i32>} : memref<256xf32, #tpu.memory_space<vmem>>, vector<16xf32>,
    %swap3A_193 = arith.constant 192 : index
    %swap3A_194 = tpu.vector_load %arg10[%swap3A_193] {strides = array<i32>} : memref<256xi32, #tpu.memory_space<vmem>>, vector<16xi32>,
    tpu.vector_store %arg10[%swap3A_193], %broadcast_in_dim3A_1 {strides = array<i32>} : memref<256xi32, #tpu.memory_space<vmem>>, vector<16xi32>,
    %swap3A_195 = arith.constant 192 : index
    %swap3A_196 = tpu.vector_load %arg13[%swap3A_195] {strides = array<i32>} : memref<256xf32, #tpu.memory_space<vmem>>, vector<16xf32>,
    tpu.vector_store %arg13[%swap3A_195], %broadcast_in_dim3A_3 {strides = array<i32>} : memref<256xf32, #tpu.memory_space<vmem>>, vector<16xf32>,
    %swap3A_197 = arith.constant 192 : index
    %swap3A_198 = tpu.vector_load %arg14[%swap3A_197] {strides = array<i32>} : memref<256xf32, #tpu.memory_space<vmem>>, vector<16xf32>,
    tpu.vector_store %arg14[%swap3A_197], %broadcast_in_dim3A_3 {strides = array<i32>} : memref<256xf32, #tpu.memory_space<vmem>>, vector<16xf32>,
    %swap3A_199 = arith.constant 208 : index
    %swap3A_200 = tpu.vector_load %arg10[%swap3A_199] {strides = array<i32>} : memref<256xi32, #tpu.memory_space<vmem>>, vector<16xi32>,
    tpu.vector_store %arg10[%swap3A_199], %broadcast_in_dim3A_1 {strides = array<i32>} : memref<256xi32, #tpu.memory_space<vmem>>, vector<16xi32>,
    %swap3A_201 = arith.constant 208 : index
    %swap3A_202 = tpu.vector_load %arg13[%swap3A_201] {strides = array<i32>} : memref<256xf32, #tpu.memory_space<vmem>>, vector<16xf32>,
    tpu.vector_store %arg13[%swap3A_201], %broadcast_in_dim3A_3 {strides = array<i32>} : memref<256xf32, #tpu.memory_space<vmem>>, vector<16xf32>,
    %swap3A_203 = arith.constant 208 : index
    %swap3A_204 = tpu.vector_load %arg14[%swap3A_203] {strides = array<i32>} : memref<256xf32, #tpu.memory_space<vmem>>, vector<16xf32>,
    tpu.vector_store %arg14[%swap3A_203], %broadcast_in_dim3A_3 {strides = array<i32>} : memref<256xf32, #tpu.memory_space<vmem>>, vector<16xf32>,
    %swap3A_205 = arith.constant 224 : index
    %swap3A_206 = tpu.vector_load %arg10[%swap3A_205] {strides = array<i32>} : memref<256xi32, #tpu.memory_space<vmem>>, vector<16xi32>,
    tpu.vector_store %arg10[%swap3A_205], %broadcast_in_dim3A_1 {strides = array<i32>} : memref<256xi32, #tpu.memory_space<vmem>>, vector<16xi32>,
    %swap3A_207 = arith.constant 224 : index
    %swap3A_208 = tpu.vector_load %arg13[%swap3A_207] {strides = array<i32>} : memref<256xf32, #tpu.memory_space<vmem>>, vector<16xf32>,
    tpu.vector_store %arg13[%swap3A_207], %broadcast_in_dim3A_3 {strides = array<i32>} : memref<256xf32, #tpu.memory_space<vmem>>, vector<16xf32>,
    %swap3A_209 = arith.constant 224 : index
    %swap3A_210 = tpu.vector_load %arg14[%swap3A_209] {strides = array<i32>} : memref<256xf32, #tpu.memory_space<vmem>>, vector<16xf32>,
    tpu.vector_store %arg14[%swap3A_209], %broadcast_in_dim3A_3 {strides = array<i32>} : memref<256xf32, #tpu.memory_space<vmem>>, vector<16xf32>,
    %swap3A_211 = arith.constant 240 : index
    %swap3A_212 = tpu.vector_load %arg10[%swap3A_211] {strides = array<i32>} : memref<256xi32, #tpu.memory_space<vmem>>, vector<16xi32>,
    tpu.vector_store %arg10[%swap3A_211], %broadcast_in_dim3A_1 {strides = array<i32>} : memref<256xi32, #tpu.memory_space<vmem>>, vector<16xi32>,
    %swap3A_213 = arith.constant 240 : index
    %swap3A_214 = tpu.vector_load %arg13[%swap3A_213] {strides = array<i32>} : memref<256xf32, #tpu.memory_space<vmem>>, vector<16xf32>,
    tpu.vector_store %arg13[%swap3A_213], %broadcast_in_dim3A_3 {strides = array<i32>} : memref<256xf32, #tpu.memory_space<vmem>>, vector<16xf32>,
    %swap3A_215 = arith.constant 240 : index
    %swap3A_216 = tpu.vector_load %arg14[%swap3A_215] {strides = array<i32>} : memref<256xf32, #tpu.memory_space<vmem>>, vector<16xf32>,
    tpu.vector_store %arg14[%swap3A_215], %broadcast_in_dim3A_3 {strides = array<i32>} : memref<256xf32, #tpu.memory_space<vmem>>, vector<16xf32>,
    %scan3A_217 = arith.constant 0 : i32
    %scan3A_218 = arith.constant 0 : i32
    %scan3A_219 = arith.constant 16 : i32
    %scan3A_220 = arith.addi %scan3A_218, %scan3A_219 : i32
    %scan3A_221 = arith.constant 1 : i32
    scf.for %scan3A_456 = %scan3A_218 to %scan3A_220 step %scan3A_221  : i32 {
      %mul3A_457 = arith.constant 16 : i32
      %mul3A_458 = arith.muli %scan3A_456, %mul3A_457 : i32
      %get3A = arith.index_cast %mul3A_458 : i32 to index
      %get3A_459 = tpu.vector_load %arg8[%get3A] {strides = array<i32>} : memref<256xi32, #tpu.memory_space<vmem>>, vector<16xi32>,
      %mul3A_460 = arith.constant 16 : i32
      %mul3A_461 = arith.muli %scan3A_456, %mul3A_460 : i32
      %get3A_462 = arith.index_cast %mul3A_461 : i32 to index
      %get3A_463 = tpu.vector_load %arg9[%get3A_462] {strides = array<i32>} : memref<256xf32, #tpu.memory_space<vmem>>, vector<16xf32>,
      %ge3A = arith.constant 0 : i32
      %ge3A_464 = vector.broadcast %ge3A : i32 to vector<16xi32>
      %ge3A_465 = arith.cmpi sge, %iota3A, %ge3A_464 : vector<16xi32>
      tpu.vector_store_idx %arg10[%get3A_459], %get3A_459 masked %ge3A_465 : memref<256xi32, #tpu.memory_space<vmem>>[vector<16xi32>], vector<16xi32>, vector<16xi1>
      tpu.vector_store_idx %arg13[%get3A_459], %broadcast_in_dim3A_5 {add = true} : memref<256xf32, #tpu.memory_space<vmem>>[vector<16xi32>], vector<16xf32>,
      tpu.vector_store_idx %arg14[%get3A_459], %get3A_463 {add = true} : memref<256xf32, #tpu.memory_space<vmem>>[vector<16xi32>], vector<16xf32>,
      %eq3A = arith.constant 0 : i32
      %eq3A_466 = vector.broadcast %eq3A : i32 to vector<16xi32>
      %eq3A_467 = arith.cmpi eq, %iota3A, %eq3A_466 : vector<16xi32>
      tpu.vector_store_idx %arg11[%get3A_459], %get3A_463 masked %eq3A_467 : memref<256xf32, #tpu.memory_space<vmem>>[vector<16xi32>], vector<16xf32>, vector<16xi1>
      %eq3A_468 = arith.constant 1 : i32
      %eq3A_469 = vector.broadcast %eq3A_468 : i32 to vector<16xi32>
      %eq3A_470 = arith.cmpi eq, %iota3A, %eq3A_469 : vector<16xi32>
      tpu.vector_store_idx %arg11[%get3A_459], %get3A_463 masked %eq3A_470 : memref<256xf32, #tpu.memory_space<vmem>>[vector<16xi32>], vector<16xf32>, vector<16xi1>
      %eq3A_471 = arith.constant 2 : i32
      %eq3A_472 = vector.broadcast %eq3A_471 : i32 to vector<16xi32>
      %eq3A_473 = arith.cmpi eq, %iota3A, %eq3A_472 : vector<16xi32>
      tpu.vector_store_idx %arg11[%get3A_459], %get3A_463 masked %eq3A_473 : memref<256xf32, #tpu.memory_space<vmem>>[vector<16xi32>], vector<16xf32>, vector<16xi1>
      %eq3A_474 = arith.constant 3 : i32
      %eq3A_475 = vector.broadcast %eq3A_474 : i32 to vector<16xi32>
      %eq3A_476 = arith.cmpi eq, %iota3A, %eq3A_475 : vector<16xi32>
      tpu.vector_store_idx %arg11[%get3A_459], %get3A_463 masked %eq3A_476 : memref<256xf32, #tpu.memory_space<vmem>>[vector<16xi32>], vector<16xf32>, vector<16xi1>
      %eq3A_477 = arith.constant 4 : i32
      %eq3A_478 = vector.broadcast %eq3A_477 : i32 to vector<16xi32>
      %eq3A_479 = arith.cmpi eq, %iota3A, %eq3A_478 : vector<16xi32>
      tpu.vector_store_idx %arg11[%get3A_459], %get3A_463 masked %eq3A_479 : memref<256xf32, #tpu.memory_space<vmem>>[vector<16xi32>], vector<16xf32>, vector<16xi1>
      %eq3A_480 = arith.constant 5 : i32
      %eq3A_481 = vector.broadcast %eq3A_480 : i32 to vector<16xi32>
      %eq3A_482 = arith.cmpi eq, %iota3A, %eq3A_481 : vector<16xi32>
      tpu.vector_store_idx %arg11[%get3A_459], %get3A_463 masked %eq3A_482 : memref<256xf32, #tpu.memory_space<vmem>>[vector<16xi32>], vector<16xf32>, vector<16xi1>
      %eq3A_483 = arith.constant 6 : i32
      %eq3A_484 = vector.broadcast %eq3A_483 : i32 to vector<16xi32>
      %eq3A_485 = arith.cmpi eq, %iota3A, %eq3A_484 : vector<16xi32>
      tpu.vector_store_idx %arg11[%get3A_459], %get3A_463 masked %eq3A_485 : memref<256xf32, #tpu.memory_space<vmem>>[vector<16xi32>], vector<16xf32>, vector<16xi1>
      %eq3A_486 = arith.constant 7 : i32
      %eq3A_487 = vector.broadcast %eq3A_486 : i32 to vector<16xi32>
      %eq3A_488 = arith.cmpi eq, %iota3A, %eq3A_487 : vector<16xi32>
      tpu.vector_store_idx %arg11[%get3A_459], %get3A_463 masked %eq3A_488 : memref<256xf32, #tpu.memory_space<vmem>>[vector<16xi32>], vector<16xf32>, vector<16xi1>
      %eq3A_489 = arith.constant 8 : i32
      %eq3A_490 = vector.broadcast %eq3A_489 : i32 to vector<16xi32>
      %eq3A_491 = arith.cmpi eq, %iota3A, %eq3A_490 : vector<16xi32>
      tpu.vector_store_idx %arg11[%get3A_459], %get3A_463 masked %eq3A_491 : memref<256xf32, #tpu.memory_space<vmem>>[vector<16xi32>], vector<16xf32>, vector<16xi1>
      %eq3A_492 = arith.constant 9 : i32
      %eq3A_493 = vector.broadcast %eq3A_492 : i32 to vector<16xi32>
      %eq3A_494 = arith.cmpi eq, %iota3A, %eq3A_493 : vector<16xi32>
      tpu.vector_store_idx %arg11[%get3A_459], %get3A_463 masked %eq3A_494 : memref<256xf32, #tpu.memory_space<vmem>>[vector<16xi32>], vector<16xf32>, vector<16xi1>
      %eq3A_495 = arith.constant 10 : i32
      %eq3A_496 = vector.broadcast %eq3A_495 : i32 to vector<16xi32>
      %eq3A_497 = arith.cmpi eq, %iota3A, %eq3A_496 : vector<16xi32>
      tpu.vector_store_idx %arg11[%get3A_459], %get3A_463 masked %eq3A_497 : memref<256xf32, #tpu.memory_space<vmem>>[vector<16xi32>], vector<16xf32>, vector<16xi1>
      %eq3A_498 = arith.constant 11 : i32
      %eq3A_499 = vector.broadcast %eq3A_498 : i32 to vector<16xi32>
      %eq3A_500 = arith.cmpi eq, %iota3A, %eq3A_499 : vector<16xi32>
      tpu.vector_store_idx %arg11[%get3A_459], %get3A_463 masked %eq3A_500 : memref<256xf32, #tpu.memory_space<vmem>>[vector<16xi32>], vector<16xf32>, vector<16xi1>
      %eq3A_501 = arith.constant 12 : i32
      %eq3A_502 = vector.broadcast %eq3A_501 : i32 to vector<16xi32>
      %eq3A_503 = arith.cmpi eq, %iota3A, %eq3A_502 : vector<16xi32>
      tpu.vector_store_idx %arg11[%get3A_459], %get3A_463 masked %eq3A_503 : memref<256xf32, #tpu.memory_space<vmem>>[vector<16xi32>], vector<16xf32>, vector<16xi1>
      %eq3A_504 = arith.constant 13 : i32
      %eq3A_505 = vector.broadcast %eq3A_504 : i32 to vector<16xi32>
      %eq3A_506 = arith.cmpi eq, %iota3A, %eq3A_505 : vector<16xi32>
      tpu.vector_store_idx %arg11[%get3A_459], %get3A_463 masked %eq3A_506 : memref<256xf32, #tpu.memory_space<vmem>>[vector<16xi32>], vector<16xf32>, vector<16xi1>
      %eq3A_507 = arith.constant 14 : i32
      %eq3A_508 = vector.broadcast %eq3A_507 : i32 to vector<16xi32>
      %eq3A_509 = arith.cmpi eq, %iota3A, %eq3A_508 : vector<16xi32>
      tpu.vector_store_idx %arg11[%get3A_459], %get3A_463 masked %eq3A_509 : memref<256xf32, #tpu.memory_space<vmem>>[vector<16xi32>], vector<16xf32>, vector<16xi1>
      %eq3A_510 = arith.constant 15 : i32
      %eq3A_511 = vector.broadcast %eq3A_510 : i32 to vector<16xi32>
      %eq3A_512 = arith.cmpi eq, %iota3A, %eq3A_511 : vector<16xi32>
      tpu.vector_store_idx %arg11[%get3A_459], %get3A_463 masked %eq3A_512 : memref<256xf32, #tpu.memory_space<vmem>>[vector<16xi32>], vector<16xf32>, vector<16xi1>
    }
    %scan3A_222 = arith.constant 16 : i32
    %scan3A_223 = arith.constant -1 : i32
    %scan3A_224 = arith.constant 0 : i32
    %scan3A_225 = arith.constant 16 : i32
    %scan3A_226 = arith.addi %scan3A_224, %scan3A_225 : i32
    %scan3A_227 = arith.constant 1 : i32
    %scan3A_228 = scf.for %scan3A_456 = %scan3A_224 to %scan3A_226 step %scan3A_227 iter_args(%scan3A_457 = %scan3A_223) -> (i32)  : i32 {
      %mul3A_458 = arith.constant 16 : i32
      %mul3A_459 = arith.muli %scan3A_456, %mul3A_458 : i32
      %get3A = arith.index_cast %mul3A_459 : i32 to index
      %get3A_460 = tpu.vector_load %arg10[%get3A] {strides = array<i32>} : memref<256xi32, #tpu.memory_space<vmem>>, vector<16xi32>,
      %broadcast_in_dim3A_461 = arith.constant true
      %broadcast_in_dim3A_462 = vector.broadcast %broadcast_in_dim3A_461 : i1 to vector<16xi1>
      %masked_cummax3A = arith.constant -2147483648 : i32
      %masked_cummax3A_463 = vector.broadcast %masked_cummax3A : i32 to vector<16xi32>
      %masked_cummax3A_464 = arith.xori %get3A_460, %masked_cummax3A_463 : vector<16xi32>
      %masked_cummax3A_465 = tpu.scan <max>, %masked_cummax3A_464 masked %broadcast_in_dim3A_462 : vector<16xi32>, vector<16xi1> -> vector<16xi32>
      %masked_cummax3A_466 = arith.xori %masked_cummax3A_465, %masked_cummax3A_463 : vector<16xi32>
      %max3A = vector.broadcast %scan3A_457 : i32 to vector<16xi32>
      %max3A_467 = arith.maxsi %masked_cummax3A_466, %max3A : vector<16xi32>
      %max3A_468 = arith.constant 0 : i32
      %max3A_469 = vector.broadcast %max3A_468 : i32 to vector<16xi32>
      %max3A_470 = arith.maxsi %max3A_467, %max3A_469 : vector<16xi32>
      %gather3A = tpu.vector_load_idx %arg11[%max3A_470] : memref<256xf32, #tpu.memory_space<vmem>>[vector<16xi32>], vector<16xf32>,
      %ge3A = arith.constant 0 : i32
      %ge3A_471 = vector.broadcast %ge3A : i32 to vector<16xi32>
      %ge3A_472 = arith.cmpi sge, %max3A_467, %ge3A_471 : vector<16xi32>
      %get3A_473 = arith.constant 0 : index
      %get3A_474 = tpu.vector_load %arg15[%get3A_473] {strides = array<i32>} : memref<16xf32, #tpu.memory_space<vmem>>, vector<16xf32>,
      %select_n3A = arith.select %ge3A_472, %gather3A, %get3A_474 : vector<16xi1>, vector<16xf32>
      %mul3A_475 = arith.constant 16 : i32
      %mul3A_476 = arith.muli %scan3A_456, %mul3A_475 : i32
      %swap3A_477 = arith.index_cast %mul3A_476 : i32 to index
      %swap3A_478 = tpu.vector_load %arg12[%swap3A_477] {strides = array<i32>} : memref<256xf32, #tpu.memory_space<vmem>>, vector<16xf32>,
      tpu.vector_store %arg12[%swap3A_477], %select_n3A {strides = array<i32>} : memref<256xf32, #tpu.memory_space<vmem>>, vector<16xf32>,
      %reduce_max3A = arith.constant true
      %reduce_max3A_479 = vector.broadcast %reduce_max3A : i1 to vector<16xi1>
      %reduce_max3A_480 = arith.constant -2147483648 : i32
      %reduce_max3A_481 = vector.broadcast %reduce_max3A_480 : i32 to vector<16xi32>
      %reduce_max3A_482 = arith.xori %max3A_467, %reduce_max3A_481 : vector<16xi32>
      %reduce_max3A_483 = tpu.scan <max>, %reduce_max3A_482 masked %reduce_max3A_479 : vector<16xi32>, vector<16xi1> -> vector<16xi32>
      %reduce_max3A_484 = arith.xori %reduce_max3A_483, %reduce_max3A_481 : vector<16xi32>
      %reduce_max3A_485 = vector.extract %reduce_max3A_484[15] : i32 from vector<16xi32>
      scf.yield %reduce_max3A_485 : i32
    }
    %scan3A_229 = arith.constant 16 : i32
    "tpu.region"() ({
      %run_scoped3A = tpu.sem_alloc : memref<!tpu.dma_semaphore, #tpu.memory_space<semaphore_mem>>
      %dma_start3A = arith.constant 0 : i32
      %dma_start3A_456 = tpu.memref_slice %arg5[%add3A_120, %dma_start3A] : memref<128x256xf32, #tpu.memory_space<hbm>> -> memref<1x256xf32, #tpu.memory_space<hbm>>
      %dma_start3A_457 = tpu.memref_squeeze %dma_start3A_456 : memref<1x256xf32, #tpu.memory_space<hbm>> -> memref<256xf32, #tpu.memory_space<hbm>>
      %dma_start3A_458 = arith.constant 0 : i32
      %dma_start3A_459 = tpu.memref_slice %arg5[%add3A_120, %dma_start3A_458] : memref<128x256xf32, #tpu.memory_space<hbm>> -> memref<1x256xf32, #tpu.memory_space<hbm>>
      %dma_start3A_460 = tpu.memref_squeeze %dma_start3A_459 : memref<1x256xf32, #tpu.memory_space<hbm>> -> memref<256xf32, #tpu.memory_space<hbm>>
      tpu.enqueue_dma source(%arg12 : memref<256xf32, #tpu.memory_space<vmem>>) target(%dma_start3A_460 : memref<256xf32, #tpu.memory_space<hbm>>) target_semaphore(%run_scoped3A : memref<!tpu.dma_semaphore, #tpu.memory_space<semaphore_mem>>)
      %dma_wait3A = arith.constant 0 : i32
      %dma_wait3A_461 = tpu.memref_slice %arg5[%add3A_120, %dma_wait3A] : memref<128x256xf32, #tpu.memory_space<hbm>> -> memref<1x256xf32, #tpu.memory_space<hbm>>
      %dma_wait3A_462 = tpu.memref_squeeze %dma_wait3A_461 : memref<1x256xf32, #tpu.memory_space<hbm>> -> memref<256xf32, #tpu.memory_space<hbm>>
      %dma_wait3A_463 = arith.constant 0 : i32
      %dma_wait3A_464 = tpu.memref_slice %arg5[%add3A_120, %dma_wait3A_463] : memref<128x256xf32, #tpu.memory_space<hbm>> -> memref<1x256xf32, #tpu.memory_space<hbm>>
      %dma_wait3A_465 = tpu.memref_squeeze %dma_wait3A_464 : memref<1x256xf32, #tpu.memory_space<hbm>> -> memref<256xf32, #tpu.memory_space<hbm>>
      tpu.wait_dma2 semaphore(%run_scoped3A : memref<!tpu.dma_semaphore, #tpu.memory_space<semaphore_mem>>) src(%arg12 : memref<256xf32, #tpu.memory_space<vmem>>) dst(%dma_wait3A_465 : memref<256xf32, #tpu.memory_space<hbm>>)
      tpu.yield
    }) : () -> ()
    "tpu.region"() ({
      %run_scoped3A = tpu.sem_alloc : memref<!tpu.dma_semaphore, #tpu.memory_space<semaphore_mem>>
      %dma_start3A = arith.constant 0 : i32
      %dma_start3A_456 = tpu.memref_slice %arg6[%add3A_120, %dma_start3A] : memref<128x256xf32, #tpu.memory_space<hbm>> -> memref<1x256xf32, #tpu.memory_space<hbm>>
      %dma_start3A_457 = tpu.memref_squeeze %dma_start3A_456 : memref<1x256xf32, #tpu.memory_space<hbm>> -> memref<256xf32, #tpu.memory_space<hbm>>
      %dma_start3A_458 = arith.constant 0 : i32
      %dma_start3A_459 = tpu.memref_slice %arg6[%add3A_120, %dma_start3A_458] : memref<128x256xf32, #tpu.memory_space<hbm>> -> memref<1x256xf32, #tpu.memory_space<hbm>>
      %dma_start3A_460 = tpu.memref_squeeze %dma_start3A_459 : memref<1x256xf32, #tpu.memory_space<hbm>> -> memref<256xf32, #tpu.memory_space<hbm>>
      tpu.enqueue_dma source(%arg13 : memref<256xf32, #tpu.memory_space<vmem>>) target(%dma_start3A_460 : memref<256xf32, #tpu.memory_space<hbm>>) target_semaphore(%run_scoped3A : memref<!tpu.dma_semaphore, #tpu.memory_space<semaphore_mem>>)
      %dma_wait3A = arith.constant 0 : i32
      %dma_wait3A_461 = tpu.memref_slice %arg6[%add3A_120, %dma_wait3A] : memref<128x256xf32, #tpu.memory_space<hbm>> -> memref<1x256xf32, #tpu.memory_space<hbm>>
      %dma_wait3A_462 = tpu.memref_squeeze %dma_wait3A_461 : memref<1x256xf32, #tpu.memory_space<hbm>> -> memref<256xf32, #tpu.memory_space<hbm>>
      %dma_wait3A_463 = arith.constant 0 : i32
      %dma_wait3A_464 = tpu.memref_slice %arg6[%add3A_120, %dma_wait3A_463] : memref<128x256xf32, #tpu.memory_space<hbm>> -> memref<1x256xf32, #tpu.memory_space<hbm>>
      %dma_wait3A_465 = tpu.memref_squeeze %dma_wait3A_464 : memref<1x256xf32, #tpu.memory_space<hbm>> -> memref<256xf32, #tpu.memory_space<hbm>>
      tpu.wait_dma2 semaphore(%run_scoped3A : memref<!tpu.dma_semaphore, #tpu.memory_space<semaphore_mem>>) src(%arg13 : memref<256xf32, #tpu.memory_space<vmem>>) dst(%dma_wait3A_465 : memref<256xf32, #tpu.memory_space<hbm>>)
      tpu.yield
    }) : () -> ()
    "tpu.region"() ({
      %run_scoped3A = tpu.sem_alloc : memref<!tpu.dma_semaphore, #tpu.memory_space<semaphore_mem>>
      %dma_start3A = arith.constant 0 : i32
      %dma_start3A_456 = tpu.memref_slice %arg7[%add3A_120, %dma_start3A] : memref<128x256xf32, #tpu.memory_space<hbm>> -> memref<1x256xf32, #tpu.memory_space<hbm>>
      %dma_start3A_457 = tpu.memref_squeeze %dma_start3A_456 : memref<1x256xf32, #tpu.memory_space<hbm>> -> memref<256xf32, #tpu.memory_space<hbm>>
      %dma_start3A_458 = arith.constant 0 : i32
      %dma_start3A_459 = tpu.memref_slice %arg7[%add3A_120, %dma_start3A_458] : memref<128x256xf32, #tpu.memory_space<hbm>> -> memref<1x256xf32, #tpu.memory_space<hbm>>
      %dma_start3A_460 = tpu.memref_squeeze %dma_start3A_459 : memref<1x256xf32, #tpu.memory_space<hbm>> -> memref<256xf32, #tpu.memory_space<hbm>>
      tpu.enqueue_dma source(%arg14 : memref<256xf32, #tpu.memory_space<vmem>>) target(%dma_start3A_460 : memref<256xf32, #tpu.memory_space<hbm>>) target_semaphore(%run_scoped3A : memref<!tpu.dma_semaphore, #tpu.memory_space<semaphore_mem>>)
      %dma_wait3A = arith.constant 0 : i32
      %dma_wait3A_461 = tpu.memref_slice %arg7[%add3A_120, %dma_wait3A] : memref<128x256xf32, #tpu.memory_space<hbm>> -> memref<1x256xf32, #tpu.memory_space<hbm>>
      %dma_wait3A_462 = tpu.memref_squeeze %dma_wait3A_461 : memref<1x256xf32, #tpu.memory_space<hbm>> -> memref<256xf32, #tpu.memory_space<hbm>>
      %dma_wait3A_463 = arith.constant 0 : i32
      %dma_wait3A_464 = tpu.memref_slice %arg7[%add3A_120, %dma_wait3A_463] : memref<128x256xf32, #tpu.memory_space<hbm>> -> memref<1x256xf32, #tpu.memory_space<hbm>>
      %dma_wait3A_465 = tpu.memref_squeeze %dma_wait3A_464 : memref<1x256xf32, #tpu.memory_space<hbm>> -> memref<256xf32, #tpu.memory_space<hbm>>
      tpu.wait_dma2 semaphore(%run_scoped3A : memref<!tpu.dma_semaphore, #tpu.memory_space<semaphore_mem>>) src(%arg14 : memref<256xf32, #tpu.memory_space<vmem>>) dst(%dma_wait3A_465 : memref<256xf32, #tpu.memory_space<hbm>>)
      tpu.yield
    }) : () -> ()
    %mul3A_230 = arith.constant 4 : i32
    %mul3A_231 = arith.muli %add3A, %mul3A_230 : i32
    %add3A_232 = arith.constant 2 : i32
    %add3A_233 = arith.addi %mul3A_231, %add3A_232 : i32
    "tpu.region"() ({
      %run_scoped3A = tpu.sem_alloc : memref<!tpu.dma_semaphore, #tpu.memory_space<semaphore_mem>>
      %dma_start3A = arith.constant 0 : i32
      %dma_start3A_456 = tpu.memref_slice %arg3[%add3A_233, %dma_start3A] : memref<128x256xi32, #tpu.memory_space<hbm>> -> memref<1x256xi32, #tpu.memory_space<hbm>>
      %dma_start3A_457 = tpu.memref_squeeze %dma_start3A_456 : memref<1x256xi32, #tpu.memory_space<hbm>> -> memref<256xi32, #tpu.memory_space<hbm>>
      %dma_start3A_458 = arith.constant 0 : i32
      %dma_start3A_459 = tpu.memref_slice %arg3[%add3A_233, %dma_start3A_458] : memref<128x256xi32, #tpu.memory_space<hbm>> -> memref<1x256xi32, #tpu.memory_space<hbm>>
      %dma_start3A_460 = tpu.memref_squeeze %dma_start3A_459 : memref<1x256xi32, #tpu.memory_space<hbm>> -> memref<256xi32, #tpu.memory_space<hbm>>
      tpu.enqueue_dma source(%dma_start3A_460 : memref<256xi32, #tpu.memory_space<hbm>>) target(%arg8 : memref<256xi32, #tpu.memory_space<vmem>>) target_semaphore(%run_scoped3A : memref<!tpu.dma_semaphore, #tpu.memory_space<semaphore_mem>>)
      %dma_wait3A = arith.constant 0 : i32
      %dma_wait3A_461 = tpu.memref_slice %arg3[%add3A_233, %dma_wait3A] : memref<128x256xi32, #tpu.memory_space<hbm>> -> memref<1x256xi32, #tpu.memory_space<hbm>>
      %dma_wait3A_462 = tpu.memref_squeeze %dma_wait3A_461 : memref<1x256xi32, #tpu.memory_space<hbm>> -> memref<256xi32, #tpu.memory_space<hbm>>
      %dma_wait3A_463 = arith.constant 0 : i32
      %dma_wait3A_464 = tpu.memref_slice %arg3[%add3A_233, %dma_wait3A_463] : memref<128x256xi32, #tpu.memory_space<hbm>> -> memref<1x256xi32, #tpu.memory_space<hbm>>
      %dma_wait3A_465 = tpu.memref_squeeze %dma_wait3A_464 : memref<1x256xi32, #tpu.memory_space<hbm>> -> memref<256xi32, #tpu.memory_space<hbm>>
      tpu.wait_dma2 semaphore(%run_scoped3A : memref<!tpu.dma_semaphore, #tpu.memory_space<semaphore_mem>>) src(%dma_wait3A_465 : memref<256xi32, #tpu.memory_space<hbm>>) dst(%arg8 : memref<256xi32, #tpu.memory_space<vmem>>)
      tpu.yield
    }) : () -> ()
    "tpu.region"() ({
      %run_scoped3A = tpu.sem_alloc : memref<!tpu.dma_semaphore, #tpu.memory_space<semaphore_mem>>
      %dma_start3A = arith.constant 0 : i32
      %dma_start3A_456 = tpu.memref_slice %arg2[%add3A_233, %dma_start3A] : memref<128x256xf32, #tpu.memory_space<hbm>> -> memref<1x256xf32, #tpu.memory_space<hbm>>
      %dma_start3A_457 = tpu.memref_squeeze %dma_start3A_456 : memref<1x256xf32, #tpu.memory_space<hbm>> -> memref<256xf32, #tpu.memory_space<hbm>>
      %dma_start3A_458 = arith.constant 0 : i32
      %dma_start3A_459 = tpu.memref_slice %arg2[%add3A_233, %dma_start3A_458] : memref<128x256xf32, #tpu.memory_space<hbm>> -> memref<1x256xf32, #tpu.memory_space<hbm>>
      %dma_start3A_460 = tpu.memref_squeeze %dma_start3A_459 : memref<1x256xf32, #tpu.memory_space<hbm>> -> memref<256xf32, #tpu.memory_space<hbm>>
      tpu.enqueue_dma source(%dma_start3A_460 : memref<256xf32, #tpu.memory_space<hbm>>) target(%arg9 : memref<256xf32, #tpu.memory_space<vmem>>) target_semaphore(%run_scoped3A : memref<!tpu.dma_semaphore, #tpu.memory_space<semaphore_mem>>)
      %dma_wait3A = arith.constant 0 : i32
      %dma_wait3A_461 = tpu.memref_slice %arg2[%add3A_233, %dma_wait3A] : memref<128x256xf32, #tpu.memory_space<hbm>> -> memref<1x256xf32, #tpu.memory_space<hbm>>
      %dma_wait3A_462 = tpu.memref_squeeze %dma_wait3A_461 : memref<1x256xf32, #tpu.memory_space<hbm>> -> memref<256xf32, #tpu.memory_space<hbm>>
      %dma_wait3A_463 = arith.constant 0 : i32
      %dma_wait3A_464 = tpu.memref_slice %arg2[%add3A_233, %dma_wait3A_463] : memref<128x256xf32, #tpu.memory_space<hbm>> -> memref<1x256xf32, #tpu.memory_space<hbm>>
      %dma_wait3A_465 = tpu.memref_squeeze %dma_wait3A_464 : memref<1x256xf32, #tpu.memory_space<hbm>> -> memref<256xf32, #tpu.memory_space<hbm>>
      tpu.wait_dma2 semaphore(%run_scoped3A : memref<!tpu.dma_semaphore, #tpu.memory_space<semaphore_mem>>) src(%dma_wait3A_465 : memref<256xf32, #tpu.memory_space<hbm>>) dst(%arg9 : memref<256xf32, #tpu.memory_space<vmem>>)
      tpu.yield
    }) : () -> ()
    "tpu.region"() ({
      %run_scoped3A = tpu.sem_alloc : memref<!tpu.dma_semaphore, #tpu.memory_space<semaphore_mem>>
      %dma_start3A = arith.constant 0 : i32
      %dma_start3A_456 = tpu.memref_slice %arg4[%add3A_233, %dma_start3A] : memref<128x16xf32, #tpu.memory_space<hbm>> -> memref<1x16xf32, #tpu.memory_space<hbm>>
      %dma_start3A_457 = tpu.memref_squeeze %dma_start3A_456 : memref<1x16xf32, #tpu.memory_space<hbm>> -> memref<16xf32, #tpu.memory_space<hbm>>
      %dma_start3A_458 = arith.constant 0 : i32
      %dma_start3A_459 = tpu.memref_slice %arg4[%add3A_233, %dma_start3A_458] : memref<128x16xf32, #tpu.memory_space<hbm>> -> memref<1x16xf32, #tpu.memory_space<hbm>>
      %dma_start3A_460 = tpu.memref_squeeze %dma_start3A_459 : memref<1x16xf32, #tpu.memory_space<hbm>> -> memref<16xf32, #tpu.memory_space<hbm>>
      tpu.enqueue_dma source(%dma_start3A_460 : memref<16xf32, #tpu.memory_space<hbm>>) target(%arg15 : memref<16xf32, #tpu.memory_space<vmem>>) target_semaphore(%run_scoped3A : memref<!tpu.dma_semaphore, #tpu.memory_space<semaphore_mem>>)
      %dma_wait3A = arith.constant 0 : i32
      %dma_wait3A_461 = tpu.memref_slice %arg4[%add3A_233, %dma_wait3A] : memref<128x16xf32, #tpu.memory_space<hbm>> -> memref<1x16xf32, #tpu.memory_space<hbm>>
      %dma_wait3A_462 = tpu.memref_squeeze %dma_wait3A_461 : memref<1x16xf32, #tpu.memory_space<hbm>> -> memref<16xf32, #tpu.memory_space<hbm>>
      %dma_wait3A_463 = arith.constant 0 : i32
      %dma_wait3A_464 = tpu.memref_slice %arg4[%add3A_233, %dma_wait3A_463] : memref<128x16xf32, #tpu.memory_space<hbm>> -> memref<1x16xf32, #tpu.memory_space<hbm>>
      %dma_wait3A_465 = tpu.memref_squeeze %dma_wait3A_464 : memref<1x16xf32, #tpu.memory_space<hbm>> -> memref<16xf32, #tpu.memory_space<hbm>>
      tpu.wait_dma2 semaphore(%run_scoped3A : memref<!tpu.dma_semaphore, #tpu.memory_space<semaphore_mem>>) src(%dma_wait3A_465 : memref<16xf32, #tpu.memory_space<hbm>>) dst(%arg15 : memref<16xf32, #tpu.memory_space<vmem>>)
      tpu.yield
    }) : () -> ()
    %swap3A_234 = arith.constant 0 : index
    %swap3A_235 = tpu.vector_load %arg10[%swap3A_234] {strides = array<i32>} : memref<256xi32, #tpu.memory_space<vmem>>, vector<16xi32>,
    tpu.vector_store %arg10[%swap3A_234], %broadcast_in_dim3A_1 {strides = array<i32>} : memref<256xi32, #tpu.memory_space<vmem>>, vector<16xi32>,
    %swap3A_236 = arith.constant 0 : index
    %swap3A_237 = tpu.vector_load %arg13[%swap3A_236] {strides = array<i32>} : memref<256xf32, #tpu.memory_space<vmem>>, vector<16xf32>,
    tpu.vector_store %arg13[%swap3A_236], %broadcast_in_dim3A_3 {strides = array<i32>} : memref<256xf32, #tpu.memory_space<vmem>>, vector<16xf32>,
    %swap3A_238 = arith.constant 0 : index
    %swap3A_239 = tpu.vector_load %arg14[%swap3A_238] {strides = array<i32>} : memref<256xf32, #tpu.memory_space<vmem>>, vector<16xf32>,
    tpu.vector_store %arg14[%swap3A_238], %broadcast_in_dim3A_3 {strides = array<i32>} : memref<256xf32, #tpu.memory_space<vmem>>, vector<16xf32>,
    %swap3A_240 = arith.constant 16 : index
    %swap3A_241 = tpu.vector_load %arg10[%swap3A_240] {strides = array<i32>} : memref<256xi32, #tpu.memory_space<vmem>>, vector<16xi32>,
    tpu.vector_store %arg10[%swap3A_240], %broadcast_in_dim3A_1 {strides = array<i32>} : memref<256xi32, #tpu.memory_space<vmem>>, vector<16xi32>,
    %swap3A_242 = arith.constant 16 : index
    %swap3A_243 = tpu.vector_load %arg13[%swap3A_242] {strides = array<i32>} : memref<256xf32, #tpu.memory_space<vmem>>, vector<16xf32>,
    tpu.vector_store %arg13[%swap3A_242], %broadcast_in_dim3A_3 {strides = array<i32>} : memref<256xf32, #tpu.memory_space<vmem>>, vector<16xf32>,
    %swap3A_244 = arith.constant 16 : index
    %swap3A_245 = tpu.vector_load %arg14[%swap3A_244] {strides = array<i32>} : memref<256xf32, #tpu.memory_space<vmem>>, vector<16xf32>,
    tpu.vector_store %arg14[%swap3A_244], %broadcast_in_dim3A_3 {strides = array<i32>} : memref<256xf32, #tpu.memory_space<vmem>>, vector<16xf32>,
    %swap3A_246 = arith.constant 32 : index
    %swap3A_247 = tpu.vector_load %arg10[%swap3A_246] {strides = array<i32>} : memref<256xi32, #tpu.memory_space<vmem>>, vector<16xi32>,
    tpu.vector_store %arg10[%swap3A_246], %broadcast_in_dim3A_1 {strides = array<i32>} : memref<256xi32, #tpu.memory_space<vmem>>, vector<16xi32>,
    %swap3A_248 = arith.constant 32 : index
    %swap3A_249 = tpu.vector_load %arg13[%swap3A_248] {strides = array<i32>} : memref<256xf32, #tpu.memory_space<vmem>>, vector<16xf32>,
    tpu.vector_store %arg13[%swap3A_248], %broadcast_in_dim3A_3 {strides = array<i32>} : memref<256xf32, #tpu.memory_space<vmem>>, vector<16xf32>,
    %swap3A_250 = arith.constant 32 : index
    %swap3A_251 = tpu.vector_load %arg14[%swap3A_250] {strides = array<i32>} : memref<256xf32, #tpu.memory_space<vmem>>, vector<16xf32>,
    tpu.vector_store %arg14[%swap3A_250], %broadcast_in_dim3A_3 {strides = array<i32>} : memref<256xf32, #tpu.memory_space<vmem>>, vector<16xf32>,
    %swap3A_252 = arith.constant 48 : index
    %swap3A_253 = tpu.vector_load %arg10[%swap3A_252] {strides = array<i32>} : memref<256xi32, #tpu.memory_space<vmem>>, vector<16xi32>,
    tpu.vector_store %arg10[%swap3A_252], %broadcast_in_dim3A_1 {strides = array<i32>} : memref<256xi32, #tpu.memory_space<vmem>>, vector<16xi32>,
    %swap3A_254 = arith.constant 48 : index
    %swap3A_255 = tpu.vector_load %arg13[%swap3A_254] {strides = array<i32>} : memref<256xf32, #tpu.memory_space<vmem>>, vector<16xf32>,
    tpu.vector_store %arg13[%swap3A_254], %broadcast_in_dim3A_3 {strides = array<i32>} : memref<256xf32, #tpu.memory_space<vmem>>, vector<16xf32>,
    %swap3A_256 = arith.constant 48 : index
    %swap3A_257 = tpu.vector_load %arg14[%swap3A_256] {strides = array<i32>} : memref<256xf32, #tpu.memory_space<vmem>>, vector<16xf32>,
    tpu.vector_store %arg14[%swap3A_256], %broadcast_in_dim3A_3 {strides = array<i32>} : memref<256xf32, #tpu.memory_space<vmem>>, vector<16xf32>,
    %swap3A_258 = arith.constant 64 : index
    %swap3A_259 = tpu.vector_load %arg10[%swap3A_258] {strides = array<i32>} : memref<256xi32, #tpu.memory_space<vmem>>, vector<16xi32>,
    tpu.vector_store %arg10[%swap3A_258], %broadcast_in_dim3A_1 {strides = array<i32>} : memref<256xi32, #tpu.memory_space<vmem>>, vector<16xi32>,
    %swap3A_260 = arith.constant 64 : index
    %swap3A_261 = tpu.vector_load %arg13[%swap3A_260] {strides = array<i32>} : memref<256xf32, #tpu.memory_space<vmem>>, vector<16xf32>,
    tpu.vector_store %arg13[%swap3A_260], %broadcast_in_dim3A_3 {strides = array<i32>} : memref<256xf32, #tpu.memory_space<vmem>>, vector<16xf32>,
    %swap3A_262 = arith.constant 64 : index
    %swap3A_263 = tpu.vector_load %arg14[%swap3A_262] {strides = array<i32>} : memref<256xf32, #tpu.memory_space<vmem>>, vector<16xf32>,
    tpu.vector_store %arg14[%swap3A_262], %broadcast_in_dim3A_3 {strides = array<i32>} : memref<256xf32, #tpu.memory_space<vmem>>, vector<16xf32>,
    %swap3A_264 = arith.constant 80 : index
    %swap3A_265 = tpu.vector_load %arg10[%swap3A_264] {strides = array<i32>} : memref<256xi32, #tpu.memory_space<vmem>>, vector<16xi32>,
    tpu.vector_store %arg10[%swap3A_264], %broadcast_in_dim3A_1 {strides = array<i32>} : memref<256xi32, #tpu.memory_space<vmem>>, vector<16xi32>,
    %swap3A_266 = arith.constant 80 : index
    %swap3A_267 = tpu.vector_load %arg13[%swap3A_266] {strides = array<i32>} : memref<256xf32, #tpu.memory_space<vmem>>, vector<16xf32>,
    tpu.vector_store %arg13[%swap3A_266], %broadcast_in_dim3A_3 {strides = array<i32>} : memref<256xf32, #tpu.memory_space<vmem>>, vector<16xf32>,
    %swap3A_268 = arith.constant 80 : index
    %swap3A_269 = tpu.vector_load %arg14[%swap3A_268] {strides = array<i32>} : memref<256xf32, #tpu.memory_space<vmem>>, vector<16xf32>,
    tpu.vector_store %arg14[%swap3A_268], %broadcast_in_dim3A_3 {strides = array<i32>} : memref<256xf32, #tpu.memory_space<vmem>>, vector<16xf32>,
    %swap3A_270 = arith.constant 96 : index
    %swap3A_271 = tpu.vector_load %arg10[%swap3A_270] {strides = array<i32>} : memref<256xi32, #tpu.memory_space<vmem>>, vector<16xi32>,
    tpu.vector_store %arg10[%swap3A_270], %broadcast_in_dim3A_1 {strides = array<i32>} : memref<256xi32, #tpu.memory_space<vmem>>, vector<16xi32>,
    %swap3A_272 = arith.constant 96 : index
    %swap3A_273 = tpu.vector_load %arg13[%swap3A_272] {strides = array<i32>} : memref<256xf32, #tpu.memory_space<vmem>>, vector<16xf32>,
    tpu.vector_store %arg13[%swap3A_272], %broadcast_in_dim3A_3 {strides = array<i32>} : memref<256xf32, #tpu.memory_space<vmem>>, vector<16xf32>,
    %swap3A_274 = arith.constant 96 : index
    %swap3A_275 = tpu.vector_load %arg14[%swap3A_274] {strides = array<i32>} : memref<256xf32, #tpu.memory_space<vmem>>, vector<16xf32>,
    tpu.vector_store %arg14[%swap3A_274], %broadcast_in_dim3A_3 {strides = array<i32>} : memref<256xf32, #tpu.memory_space<vmem>>, vector<16xf32>,
    %swap3A_276 = arith.constant 112 : index
    %swap3A_277 = tpu.vector_load %arg10[%swap3A_276] {strides = array<i32>} : memref<256xi32, #tpu.memory_space<vmem>>, vector<16xi32>,
    tpu.vector_store %arg10[%swap3A_276], %broadcast_in_dim3A_1 {strides = array<i32>} : memref<256xi32, #tpu.memory_space<vmem>>, vector<16xi32>,
    %swap3A_278 = arith.constant 112 : index
    %swap3A_279 = tpu.vector_load %arg13[%swap3A_278] {strides = array<i32>} : memref<256xf32, #tpu.memory_space<vmem>>, vector<16xf32>,
    tpu.vector_store %arg13[%swap3A_278], %broadcast_in_dim3A_3 {strides = array<i32>} : memref<256xf32, #tpu.memory_space<vmem>>, vector<16xf32>,
    %swap3A_280 = arith.constant 112 : index
    %swap3A_281 = tpu.vector_load %arg14[%swap3A_280] {strides = array<i32>} : memref<256xf32, #tpu.memory_space<vmem>>, vector<16xf32>,
    tpu.vector_store %arg14[%swap3A_280], %broadcast_in_dim3A_3 {strides = array<i32>} : memref<256xf32, #tpu.memory_space<vmem>>, vector<16xf32>,
    %swap3A_282 = arith.constant 128 : index
    %swap3A_283 = tpu.vector_load %arg10[%swap3A_282] {strides = array<i32>} : memref<256xi32, #tpu.memory_space<vmem>>, vector<16xi32>,
    tpu.vector_store %arg10[%swap3A_282], %broadcast_in_dim3A_1 {strides = array<i32>} : memref<256xi32, #tpu.memory_space<vmem>>, vector<16xi32>,
    %swap3A_284 = arith.constant 128 : index
    %swap3A_285 = tpu.vector_load %arg13[%swap3A_284] {strides = array<i32>} : memref<256xf32, #tpu.memory_space<vmem>>, vector<16xf32>,
    tpu.vector_store %arg13[%swap3A_284], %broadcast_in_dim3A_3 {strides = array<i32>} : memref<256xf32, #tpu.memory_space<vmem>>, vector<16xf32>,
    %swap3A_286 = arith.constant 128 : index
    %swap3A_287 = tpu.vector_load %arg14[%swap3A_286] {strides = array<i32>} : memref<256xf32, #tpu.memory_space<vmem>>, vector<16xf32>,
    tpu.vector_store %arg14[%swap3A_286], %broadcast_in_dim3A_3 {strides = array<i32>} : memref<256xf32, #tpu.memory_space<vmem>>, vector<16xf32>,
    %swap3A_288 = arith.constant 144 : index
    %swap3A_289 = tpu.vector_load %arg10[%swap3A_288] {strides = array<i32>} : memref<256xi32, #tpu.memory_space<vmem>>, vector<16xi32>,
    tpu.vector_store %arg10[%swap3A_288], %broadcast_in_dim3A_1 {strides = array<i32>} : memref<256xi32, #tpu.memory_space<vmem>>, vector<16xi32>,
    %swap3A_290 = arith.constant 144 : index
    %swap3A_291 = tpu.vector_load %arg13[%swap3A_290] {strides = array<i32>} : memref<256xf32, #tpu.memory_space<vmem>>, vector<16xf32>,
    tpu.vector_store %arg13[%swap3A_290], %broadcast_in_dim3A_3 {strides = array<i32>} : memref<256xf32, #tpu.memory_space<vmem>>, vector<16xf32>,
    %swap3A_292 = arith.constant 144 : index
    %swap3A_293 = tpu.vector_load %arg14[%swap3A_292] {strides = array<i32>} : memref<256xf32, #tpu.memory_space<vmem>>, vector<16xf32>,
    tpu.vector_store %arg14[%swap3A_292], %broadcast_in_dim3A_3 {strides = array<i32>} : memref<256xf32, #tpu.memory_space<vmem>>, vector<16xf32>,
    %swap3A_294 = arith.constant 160 : index
    %swap3A_295 = tpu.vector_load %arg10[%swap3A_294] {strides = array<i32>} : memref<256xi32, #tpu.memory_space<vmem>>, vector<16xi32>,
    tpu.vector_store %arg10[%swap3A_294], %broadcast_in_dim3A_1 {strides = array<i32>} : memref<256xi32, #tpu.memory_space<vmem>>, vector<16xi32>,
    %swap3A_296 = arith.constant 160 : index
    %swap3A_297 = tpu.vector_load %arg13[%swap3A_296] {strides = array<i32>} : memref<256xf32, #tpu.memory_space<vmem>>, vector<16xf32>,
    tpu.vector_store %arg13[%swap3A_296], %broadcast_in_dim3A_3 {strides = array<i32>} : memref<256xf32, #tpu.memory_space<vmem>>, vector<16xf32>,
    %swap3A_298 = arith.constant 160 : index
    %swap3A_299 = tpu.vector_load %arg14[%swap3A_298] {strides = array<i32>} : memref<256xf32, #tpu.memory_space<vmem>>, vector<16xf32>,
    tpu.vector_store %arg14[%swap3A_298], %broadcast_in_dim3A_3 {strides = array<i32>} : memref<256xf32, #tpu.memory_space<vmem>>, vector<16xf32>,
    %swap3A_300 = arith.constant 176 : index
    %swap3A_301 = tpu.vector_load %arg10[%swap3A_300] {strides = array<i32>} : memref<256xi32, #tpu.memory_space<vmem>>, vector<16xi32>,
    tpu.vector_store %arg10[%swap3A_300], %broadcast_in_dim3A_1 {strides = array<i32>} : memref<256xi32, #tpu.memory_space<vmem>>, vector<16xi32>,
    %swap3A_302 = arith.constant 176 : index
    %swap3A_303 = tpu.vector_load %arg13[%swap3A_302] {strides = array<i32>} : memref<256xf32, #tpu.memory_space<vmem>>, vector<16xf32>,
    tpu.vector_store %arg13[%swap3A_302], %broadcast_in_dim3A_3 {strides = array<i32>} : memref<256xf32, #tpu.memory_space<vmem>>, vector<16xf32>,
    %swap3A_304 = arith.constant 176 : index
    %swap3A_305 = tpu.vector_load %arg14[%swap3A_304] {strides = array<i32>} : memref<256xf32, #tpu.memory_space<vmem>>, vector<16xf32>,
    tpu.vector_store %arg14[%swap3A_304], %broadcast_in_dim3A_3 {strides = array<i32>} : memref<256xf32, #tpu.memory_space<vmem>>, vector<16xf32>,
    %swap3A_306 = arith.constant 192 : index
    %swap3A_307 = tpu.vector_load %arg10[%swap3A_306] {strides = array<i32>} : memref<256xi32, #tpu.memory_space<vmem>>, vector<16xi32>,
    tpu.vector_store %arg10[%swap3A_306], %broadcast_in_dim3A_1 {strides = array<i32>} : memref<256xi32, #tpu.memory_space<vmem>>, vector<16xi32>,
    %swap3A_308 = arith.constant 192 : index
    %swap3A_309 = tpu.vector_load %arg13[%swap3A_308] {strides = array<i32>} : memref<256xf32, #tpu.memory_space<vmem>>, vector<16xf32>,
    tpu.vector_store %arg13[%swap3A_308], %broadcast_in_dim3A_3 {strides = array<i32>} : memref<256xf32, #tpu.memory_space<vmem>>, vector<16xf32>,
    %swap3A_310 = arith.constant 192 : index
    %swap3A_311 = tpu.vector_load %arg14[%swap3A_310] {strides = array<i32>} : memref<256xf32, #tpu.memory_space<vmem>>, vector<16xf32>,
    tpu.vector_store %arg14[%swap3A_310], %broadcast_in_dim3A_3 {strides = array<i32>} : memref<256xf32, #tpu.memory_space<vmem>>, vector<16xf32>,
    %swap3A_312 = arith.constant 208 : index
    %swap3A_313 = tpu.vector_load %arg10[%swap3A_312] {strides = array<i32>} : memref<256xi32, #tpu.memory_space<vmem>>, vector<16xi32>,
    tpu.vector_store %arg10[%swap3A_312], %broadcast_in_dim3A_1 {strides = array<i32>} : memref<256xi32, #tpu.memory_space<vmem>>, vector<16xi32>,
    %swap3A_314 = arith.constant 208 : index
    %swap3A_315 = tpu.vector_load %arg13[%swap3A_314] {strides = array<i32>} : memref<256xf32, #tpu.memory_space<vmem>>, vector<16xf32>,
    tpu.vector_store %arg13[%swap3A_314], %broadcast_in_dim3A_3 {strides = array<i32>} : memref<256xf32, #tpu.memory_space<vmem>>, vector<16xf32>,
    %swap3A_316 = arith.constant 208 : index
    %swap3A_317 = tpu.vector_load %arg14[%swap3A_316] {strides = array<i32>} : memref<256xf32, #tpu.memory_space<vmem>>, vector<16xf32>,
    tpu.vector_store %arg14[%swap3A_316], %broadcast_in_dim3A_3 {strides = array<i32>} : memref<256xf32, #tpu.memory_space<vmem>>, vector<16xf32>,
    %swap3A_318 = arith.constant 224 : index
    %swap3A_319 = tpu.vector_load %arg10[%swap3A_318] {strides = array<i32>} : memref<256xi32, #tpu.memory_space<vmem>>, vector<16xi32>,
    tpu.vector_store %arg10[%swap3A_318], %broadcast_in_dim3A_1 {strides = array<i32>} : memref<256xi32, #tpu.memory_space<vmem>>, vector<16xi32>,
    %swap3A_320 = arith.constant 224 : index
    %swap3A_321 = tpu.vector_load %arg13[%swap3A_320] {strides = array<i32>} : memref<256xf32, #tpu.memory_space<vmem>>, vector<16xf32>,
    tpu.vector_store %arg13[%swap3A_320], %broadcast_in_dim3A_3 {strides = array<i32>} : memref<256xf32, #tpu.memory_space<vmem>>, vector<16xf32>,
    %swap3A_322 = arith.constant 224 : index
    %swap3A_323 = tpu.vector_load %arg14[%swap3A_322] {strides = array<i32>} : memref<256xf32, #tpu.memory_space<vmem>>, vector<16xf32>,
    tpu.vector_store %arg14[%swap3A_322], %broadcast_in_dim3A_3 {strides = array<i32>} : memref<256xf32, #tpu.memory_space<vmem>>, vector<16xf32>,
    %swap3A_324 = arith.constant 240 : index
    %swap3A_325 = tpu.vector_load %arg10[%swap3A_324] {strides = array<i32>} : memref<256xi32, #tpu.memory_space<vmem>>, vector<16xi32>,
    tpu.vector_store %arg10[%swap3A_324], %broadcast_in_dim3A_1 {strides = array<i32>} : memref<256xi32, #tpu.memory_space<vmem>>, vector<16xi32>,
    %swap3A_326 = arith.constant 240 : index
    %swap3A_327 = tpu.vector_load %arg13[%swap3A_326] {strides = array<i32>} : memref<256xf32, #tpu.memory_space<vmem>>, vector<16xf32>,
    tpu.vector_store %arg13[%swap3A_326], %broadcast_in_dim3A_3 {strides = array<i32>} : memref<256xf32, #tpu.memory_space<vmem>>, vector<16xf32>,
    %swap3A_328 = arith.constant 240 : index
    %swap3A_329 = tpu.vector_load %arg14[%swap3A_328] {strides = array<i32>} : memref<256xf32, #tpu.memory_space<vmem>>, vector<16xf32>,
    tpu.vector_store %arg14[%swap3A_328], %broadcast_in_dim3A_3 {strides = array<i32>} : memref<256xf32, #tpu.memory_space<vmem>>, vector<16xf32>,
    %scan3A_330 = arith.constant 0 : i32
    %scan3A_331 = arith.constant 0 : i32
    %scan3A_332 = arith.constant 16 : i32
    %scan3A_333 = arith.addi %scan3A_331, %scan3A_332 : i32
    %scan3A_334 = arith.constant 1 : i32
    scf.for %scan3A_456 = %scan3A_331 to %scan3A_333 step %scan3A_334  : i32 {
      %mul3A_457 = arith.constant 16 : i32
      %mul3A_458 = arith.muli %scan3A_456, %mul3A_457 : i32
      %get3A = arith.index_cast %mul3A_458 : i32 to index
      %get3A_459 = tpu.vector_load %arg8[%get3A] {strides = array<i32>} : memref<256xi32, #tpu.memory_space<vmem>>, vector<16xi32>,
      %mul3A_460 = arith.constant 16 : i32
      %mul3A_461 = arith.muli %scan3A_456, %mul3A_460 : i32
      %get3A_462 = arith.index_cast %mul3A_461 : i32 to index
      %get3A_463 = tpu.vector_load %arg9[%get3A_462] {strides = array<i32>} : memref<256xf32, #tpu.memory_space<vmem>>, vector<16xf32>,
      %ge3A = arith.constant 0 : i32
      %ge3A_464 = vector.broadcast %ge3A : i32 to vector<16xi32>
      %ge3A_465 = arith.cmpi sge, %iota3A, %ge3A_464 : vector<16xi32>
      tpu.vector_store_idx %arg10[%get3A_459], %get3A_459 masked %ge3A_465 : memref<256xi32, #tpu.memory_space<vmem>>[vector<16xi32>], vector<16xi32>, vector<16xi1>
      tpu.vector_store_idx %arg13[%get3A_459], %broadcast_in_dim3A_5 {add = true} : memref<256xf32, #tpu.memory_space<vmem>>[vector<16xi32>], vector<16xf32>,
      tpu.vector_store_idx %arg14[%get3A_459], %get3A_463 {add = true} : memref<256xf32, #tpu.memory_space<vmem>>[vector<16xi32>], vector<16xf32>,
      %eq3A = arith.constant 0 : i32
      %eq3A_466 = vector.broadcast %eq3A : i32 to vector<16xi32>
      %eq3A_467 = arith.cmpi eq, %iota3A, %eq3A_466 : vector<16xi32>
      tpu.vector_store_idx %arg11[%get3A_459], %get3A_463 masked %eq3A_467 : memref<256xf32, #tpu.memory_space<vmem>>[vector<16xi32>], vector<16xf32>, vector<16xi1>
      %eq3A_468 = arith.constant 1 : i32
      %eq3A_469 = vector.broadcast %eq3A_468 : i32 to vector<16xi32>
      %eq3A_470 = arith.cmpi eq, %iota3A, %eq3A_469 : vector<16xi32>
      tpu.vector_store_idx %arg11[%get3A_459], %get3A_463 masked %eq3A_470 : memref<256xf32, #tpu.memory_space<vmem>>[vector<16xi32>], vector<16xf32>, vector<16xi1>
      %eq3A_471 = arith.constant 2 : i32
      %eq3A_472 = vector.broadcast %eq3A_471 : i32 to vector<16xi32>
      %eq3A_473 = arith.cmpi eq, %iota3A, %eq3A_472 : vector<16xi32>
      tpu.vector_store_idx %arg11[%get3A_459], %get3A_463 masked %eq3A_473 : memref<256xf32, #tpu.memory_space<vmem>>[vector<16xi32>], vector<16xf32>, vector<16xi1>
      %eq3A_474 = arith.constant 3 : i32
      %eq3A_475 = vector.broadcast %eq3A_474 : i32 to vector<16xi32>
      %eq3A_476 = arith.cmpi eq, %iota3A, %eq3A_475 : vector<16xi32>
      tpu.vector_store_idx %arg11[%get3A_459], %get3A_463 masked %eq3A_476 : memref<256xf32, #tpu.memory_space<vmem>>[vector<16xi32>], vector<16xf32>, vector<16xi1>
      %eq3A_477 = arith.constant 4 : i32
      %eq3A_478 = vector.broadcast %eq3A_477 : i32 to vector<16xi32>
      %eq3A_479 = arith.cmpi eq, %iota3A, %eq3A_478 : vector<16xi32>
      tpu.vector_store_idx %arg11[%get3A_459], %get3A_463 masked %eq3A_479 : memref<256xf32, #tpu.memory_space<vmem>>[vector<16xi32>], vector<16xf32>, vector<16xi1>
      %eq3A_480 = arith.constant 5 : i32
      %eq3A_481 = vector.broadcast %eq3A_480 : i32 to vector<16xi32>
      %eq3A_482 = arith.cmpi eq, %iota3A, %eq3A_481 : vector<16xi32>
      tpu.vector_store_idx %arg11[%get3A_459], %get3A_463 masked %eq3A_482 : memref<256xf32, #tpu.memory_space<vmem>>[vector<16xi32>], vector<16xf32>, vector<16xi1>
      %eq3A_483 = arith.constant 6 : i32
      %eq3A_484 = vector.broadcast %eq3A_483 : i32 to vector<16xi32>
      %eq3A_485 = arith.cmpi eq, %iota3A, %eq3A_484 : vector<16xi32>
      tpu.vector_store_idx %arg11[%get3A_459], %get3A_463 masked %eq3A_485 : memref<256xf32, #tpu.memory_space<vmem>>[vector<16xi32>], vector<16xf32>, vector<16xi1>
      %eq3A_486 = arith.constant 7 : i32
      %eq3A_487 = vector.broadcast %eq3A_486 : i32 to vector<16xi32>
      %eq3A_488 = arith.cmpi eq, %iota3A, %eq3A_487 : vector<16xi32>
      tpu.vector_store_idx %arg11[%get3A_459], %get3A_463 masked %eq3A_488 : memref<256xf32, #tpu.memory_space<vmem>>[vector<16xi32>], vector<16xf32>, vector<16xi1>
      %eq3A_489 = arith.constant 8 : i32
      %eq3A_490 = vector.broadcast %eq3A_489 : i32 to vector<16xi32>
      %eq3A_491 = arith.cmpi eq, %iota3A, %eq3A_490 : vector<16xi32>
      tpu.vector_store_idx %arg11[%get3A_459], %get3A_463 masked %eq3A_491 : memref<256xf32, #tpu.memory_space<vmem>>[vector<16xi32>], vector<16xf32>, vector<16xi1>
      %eq3A_492 = arith.constant 9 : i32
      %eq3A_493 = vector.broadcast %eq3A_492 : i32 to vector<16xi32>
      %eq3A_494 = arith.cmpi eq, %iota3A, %eq3A_493 : vector<16xi32>
      tpu.vector_store_idx %arg11[%get3A_459], %get3A_463 masked %eq3A_494 : memref<256xf32, #tpu.memory_space<vmem>>[vector<16xi32>], vector<16xf32>, vector<16xi1>
      %eq3A_495 = arith.constant 10 : i32
      %eq3A_496 = vector.broadcast %eq3A_495 : i32 to vector<16xi32>
      %eq3A_497 = arith.cmpi eq, %iota3A, %eq3A_496 : vector<16xi32>
      tpu.vector_store_idx %arg11[%get3A_459], %get3A_463 masked %eq3A_497 : memref<256xf32, #tpu.memory_space<vmem>>[vector<16xi32>], vector<16xf32>, vector<16xi1>
      %eq3A_498 = arith.constant 11 : i32
      %eq3A_499 = vector.broadcast %eq3A_498 : i32 to vector<16xi32>
      %eq3A_500 = arith.cmpi eq, %iota3A, %eq3A_499 : vector<16xi32>
      tpu.vector_store_idx %arg11[%get3A_459], %get3A_463 masked %eq3A_500 : memref<256xf32, #tpu.memory_space<vmem>>[vector<16xi32>], vector<16xf32>, vector<16xi1>
      %eq3A_501 = arith.constant 12 : i32
      %eq3A_502 = vector.broadcast %eq3A_501 : i32 to vector<16xi32>
      %eq3A_503 = arith.cmpi eq, %iota3A, %eq3A_502 : vector<16xi32>
      tpu.vector_store_idx %arg11[%get3A_459], %get3A_463 masked %eq3A_503 : memref<256xf32, #tpu.memory_space<vmem>>[vector<16xi32>], vector<16xf32>, vector<16xi1>
      %eq3A_504 = arith.constant 13 : i32
      %eq3A_505 = vector.broadcast %eq3A_504 : i32 to vector<16xi32>
      %eq3A_506 = arith.cmpi eq, %iota3A, %eq3A_505 : vector<16xi32>
      tpu.vector_store_idx %arg11[%get3A_459], %get3A_463 masked %eq3A_506 : memref<256xf32, #tpu.memory_space<vmem>>[vector<16xi32>], vector<16xf32>, vector<16xi1>
      %eq3A_507 = arith.constant 14 : i32
      %eq3A_508 = vector.broadcast %eq3A_507 : i32 to vector<16xi32>
      %eq3A_509 = arith.cmpi eq, %iota3A, %eq3A_508 : vector<16xi32>
      tpu.vector_store_idx %arg11[%get3A_459], %get3A_463 masked %eq3A_509 : memref<256xf32, #tpu.memory_space<vmem>>[vector<16xi32>], vector<16xf32>, vector<16xi1>
      %eq3A_510 = arith.constant 15 : i32
      %eq3A_511 = vector.broadcast %eq3A_510 : i32 to vector<16xi32>
      %eq3A_512 = arith.cmpi eq, %iota3A, %eq3A_511 : vector<16xi32>
      tpu.vector_store_idx %arg11[%get3A_459], %get3A_463 masked %eq3A_512 : memref<256xf32, #tpu.memory_space<vmem>>[vector<16xi32>], vector<16xf32>, vector<16xi1>
    }
    %scan3A_335 = arith.constant 16 : i32
    %scan3A_336 = arith.constant -1 : i32
    %scan3A_337 = arith.constant 0 : i32
    %scan3A_338 = arith.constant 16 : i32
    %scan3A_339 = arith.addi %scan3A_337, %scan3A_338 : i32
    %scan3A_340 = arith.constant 1 : i32
    %scan3A_341 = scf.for %scan3A_456 = %scan3A_337 to %scan3A_339 step %scan3A_340 iter_args(%scan3A_457 = %scan3A_336) -> (i32)  : i32 {
      %mul3A_458 = arith.constant 16 : i32
      %mul3A_459 = arith.muli %scan3A_456, %mul3A_458 : i32
      %get3A = arith.index_cast %mul3A_459 : i32 to index
      %get3A_460 = tpu.vector_load %arg10[%get3A] {strides = array<i32>} : memref<256xi32, #tpu.memory_space<vmem>>, vector<16xi32>,
      %broadcast_in_dim3A_461 = arith.constant true
      %broadcast_in_dim3A_462 = vector.broadcast %broadcast_in_dim3A_461 : i1 to vector<16xi1>
      %masked_cummax3A = arith.constant -2147483648 : i32
      %masked_cummax3A_463 = vector.broadcast %masked_cummax3A : i32 to vector<16xi32>
      %masked_cummax3A_464 = arith.xori %get3A_460, %masked_cummax3A_463 : vector<16xi32>
      %masked_cummax3A_465 = tpu.scan <max>, %masked_cummax3A_464 masked %broadcast_in_dim3A_462 : vector<16xi32>, vector<16xi1> -> vector<16xi32>
      %masked_cummax3A_466 = arith.xori %masked_cummax3A_465, %masked_cummax3A_463 : vector<16xi32>
      %max3A = vector.broadcast %scan3A_457 : i32 to vector<16xi32>
      %max3A_467 = arith.maxsi %masked_cummax3A_466, %max3A : vector<16xi32>
      %max3A_468 = arith.constant 0 : i32
      %max3A_469 = vector.broadcast %max3A_468 : i32 to vector<16xi32>
      %max3A_470 = arith.maxsi %max3A_467, %max3A_469 : vector<16xi32>
      %gather3A = tpu.vector_load_idx %arg11[%max3A_470] : memref<256xf32, #tpu.memory_space<vmem>>[vector<16xi32>], vector<16xf32>,
      %ge3A = arith.constant 0 : i32
      %ge3A_471 = vector.broadcast %ge3A : i32 to vector<16xi32>
      %ge3A_472 = arith.cmpi sge, %max3A_467, %ge3A_471 : vector<16xi32>
      %get3A_473 = arith.constant 0 : index
      %get3A_474 = tpu.vector_load %arg15[%get3A_473] {strides = array<i32>} : memref<16xf32, #tpu.memory_space<vmem>>, vector<16xf32>,
      %select_n3A = arith.select %ge3A_472, %gather3A, %get3A_474 : vector<16xi1>, vector<16xf32>
      %mul3A_475 = arith.constant 16 : i32
      %mul3A_476 = arith.muli %scan3A_456, %mul3A_475 : i32
      %swap3A_477 = arith.index_cast %mul3A_476 : i32 to index
      %swap3A_478 = tpu.vector_load %arg12[%swap3A_477] {strides = array<i32>} : memref<256xf32, #tpu.memory_space<vmem>>, vector<16xf32>,
      tpu.vector_store %arg12[%swap3A_477], %select_n3A {strides = array<i32>} : memref<256xf32, #tpu.memory_space<vmem>>, vector<16xf32>,
      %reduce_max3A = arith.constant true
      %reduce_max3A_479 = vector.broadcast %reduce_max3A : i1 to vector<16xi1>
      %reduce_max3A_480 = arith.constant -2147483648 : i32
      %reduce_max3A_481 = vector.broadcast %reduce_max3A_480 : i32 to vector<16xi32>
      %reduce_max3A_482 = arith.xori %max3A_467, %reduce_max3A_481 : vector<16xi32>
      %reduce_max3A_483 = tpu.scan <max>, %reduce_max3A_482 masked %reduce_max3A_479 : vector<16xi32>, vector<16xi1> -> vector<16xi32>
      %reduce_max3A_484 = arith.xori %reduce_max3A_483, %reduce_max3A_481 : vector<16xi32>
      %reduce_max3A_485 = vector.extract %reduce_max3A_484[15] : i32 from vector<16xi32>
      scf.yield %reduce_max3A_485 : i32
    }
    %scan3A_342 = arith.constant 16 : i32
    "tpu.region"() ({
      %run_scoped3A = tpu.sem_alloc : memref<!tpu.dma_semaphore, #tpu.memory_space<semaphore_mem>>
      %dma_start3A = arith.constant 0 : i32
      %dma_start3A_456 = tpu.memref_slice %arg5[%add3A_233, %dma_start3A] : memref<128x256xf32, #tpu.memory_space<hbm>> -> memref<1x256xf32, #tpu.memory_space<hbm>>
      %dma_start3A_457 = tpu.memref_squeeze %dma_start3A_456 : memref<1x256xf32, #tpu.memory_space<hbm>> -> memref<256xf32, #tpu.memory_space<hbm>>
      %dma_start3A_458 = arith.constant 0 : i32
      %dma_start3A_459 = tpu.memref_slice %arg5[%add3A_233, %dma_start3A_458] : memref<128x256xf32, #tpu.memory_space<hbm>> -> memref<1x256xf32, #tpu.memory_space<hbm>>
      %dma_start3A_460 = tpu.memref_squeeze %dma_start3A_459 : memref<1x256xf32, #tpu.memory_space<hbm>> -> memref<256xf32, #tpu.memory_space<hbm>>
      tpu.enqueue_dma source(%arg12 : memref<256xf32, #tpu.memory_space<vmem>>) target(%dma_start3A_460 : memref<256xf32, #tpu.memory_space<hbm>>) target_semaphore(%run_scoped3A : memref<!tpu.dma_semaphore, #tpu.memory_space<semaphore_mem>>)
      %dma_wait3A = arith.constant 0 : i32
      %dma_wait3A_461 = tpu.memref_slice %arg5[%add3A_233, %dma_wait3A] : memref<128x256xf32, #tpu.memory_space<hbm>> -> memref<1x256xf32, #tpu.memory_space<hbm>>
      %dma_wait3A_462 = tpu.memref_squeeze %dma_wait3A_461 : memref<1x256xf32, #tpu.memory_space<hbm>> -> memref<256xf32, #tpu.memory_space<hbm>>
      %dma_wait3A_463 = arith.constant 0 : i32
      %dma_wait3A_464 = tpu.memref_slice %arg5[%add3A_233, %dma_wait3A_463] : memref<128x256xf32, #tpu.memory_space<hbm>> -> memref<1x256xf32, #tpu.memory_space<hbm>>
      %dma_wait3A_465 = tpu.memref_squeeze %dma_wait3A_464 : memref<1x256xf32, #tpu.memory_space<hbm>> -> memref<256xf32, #tpu.memory_space<hbm>>
      tpu.wait_dma2 semaphore(%run_scoped3A : memref<!tpu.dma_semaphore, #tpu.memory_space<semaphore_mem>>) src(%arg12 : memref<256xf32, #tpu.memory_space<vmem>>) dst(%dma_wait3A_465 : memref<256xf32, #tpu.memory_space<hbm>>)
      tpu.yield
    }) : () -> ()
    "tpu.region"() ({
      %run_scoped3A = tpu.sem_alloc : memref<!tpu.dma_semaphore, #tpu.memory_space<semaphore_mem>>
      %dma_start3A = arith.constant 0 : i32
      %dma_start3A_456 = tpu.memref_slice %arg6[%add3A_233, %dma_start3A] : memref<128x256xf32, #tpu.memory_space<hbm>> -> memref<1x256xf32, #tpu.memory_space<hbm>>
      %dma_start3A_457 = tpu.memref_squeeze %dma_start3A_456 : memref<1x256xf32, #tpu.memory_space<hbm>> -> memref<256xf32, #tpu.memory_space<hbm>>
      %dma_start3A_458 = arith.constant 0 : i32
      %dma_start3A_459 = tpu.memref_slice %arg6[%add3A_233, %dma_start3A_458] : memref<128x256xf32, #tpu.memory_space<hbm>> -> memref<1x256xf32, #tpu.memory_space<hbm>>
      %dma_start3A_460 = tpu.memref_squeeze %dma_start3A_459 : memref<1x256xf32, #tpu.memory_space<hbm>> -> memref<256xf32, #tpu.memory_space<hbm>>
      tpu.enqueue_dma source(%arg13 : memref<256xf32, #tpu.memory_space<vmem>>) target(%dma_start3A_460 : memref<256xf32, #tpu.memory_space<hbm>>) target_semaphore(%run_scoped3A : memref<!tpu.dma_semaphore, #tpu.memory_space<semaphore_mem>>)
      %dma_wait3A = arith.constant 0 : i32
      %dma_wait3A_461 = tpu.memref_slice %arg6[%add3A_233, %dma_wait3A] : memref<128x256xf32, #tpu.memory_space<hbm>> -> memref<1x256xf32, #tpu.memory_space<hbm>>
      %dma_wait3A_462 = tpu.memref_squeeze %dma_wait3A_461 : memref<1x256xf32, #tpu.memory_space<hbm>> -> memref<256xf32, #tpu.memory_space<hbm>>
      %dma_wait3A_463 = arith.constant 0 : i32
      %dma_wait3A_464 = tpu.memref_slice %arg6[%add3A_233, %dma_wait3A_463] : memref<128x256xf32, #tpu.memory_space<hbm>> -> memref<1x256xf32, #tpu.memory_space<hbm>>
      %dma_wait3A_465 = tpu.memref_squeeze %dma_wait3A_464 : memref<1x256xf32, #tpu.memory_space<hbm>> -> memref<256xf32, #tpu.memory_space<hbm>>
      tpu.wait_dma2 semaphore(%run_scoped3A : memref<!tpu.dma_semaphore, #tpu.memory_space<semaphore_mem>>) src(%arg13 : memref<256xf32, #tpu.memory_space<vmem>>) dst(%dma_wait3A_465 : memref<256xf32, #tpu.memory_space<hbm>>)
      tpu.yield
    }) : () -> ()
    "tpu.region"() ({
      %run_scoped3A = tpu.sem_alloc : memref<!tpu.dma_semaphore, #tpu.memory_space<semaphore_mem>>
      %dma_start3A = arith.constant 0 : i32
      %dma_start3A_456 = tpu.memref_slice %arg7[%add3A_233, %dma_start3A] : memref<128x256xf32, #tpu.memory_space<hbm>> -> memref<1x256xf32, #tpu.memory_space<hbm>>
      %dma_start3A_457 = tpu.memref_squeeze %dma_start3A_456 : memref<1x256xf32, #tpu.memory_space<hbm>> -> memref<256xf32, #tpu.memory_space<hbm>>
      %dma_start3A_458 = arith.constant 0 : i32
      %dma_start3A_459 = tpu.memref_slice %arg7[%add3A_233, %dma_start3A_458] : memref<128x256xf32, #tpu.memory_space<hbm>> -> memref<1x256xf32, #tpu.memory_space<hbm>>
      %dma_start3A_460 = tpu.memref_squeeze %dma_start3A_459 : memref<1x256xf32, #tpu.memory_space<hbm>> -> memref<256xf32, #tpu.memory_space<hbm>>
      tpu.enqueue_dma source(%arg14 : memref<256xf32, #tpu.memory_space<vmem>>) target(%dma_start3A_460 : memref<256xf32, #tpu.memory_space<hbm>>) target_semaphore(%run_scoped3A : memref<!tpu.dma_semaphore, #tpu.memory_space<semaphore_mem>>)
      %dma_wait3A = arith.constant 0 : i32
      %dma_wait3A_461 = tpu.memref_slice %arg7[%add3A_233, %dma_wait3A] : memref<128x256xf32, #tpu.memory_space<hbm>> -> memref<1x256xf32, #tpu.memory_space<hbm>>
      %dma_wait3A_462 = tpu.memref_squeeze %dma_wait3A_461 : memref<1x256xf32, #tpu.memory_space<hbm>> -> memref<256xf32, #tpu.memory_space<hbm>>
      %dma_wait3A_463 = arith.constant 0 : i32
      %dma_wait3A_464 = tpu.memref_slice %arg7[%add3A_233, %dma_wait3A_463] : memref<128x256xf32, #tpu.memory_space<hbm>> -> memref<1x256xf32, #tpu.memory_space<hbm>>
      %dma_wait3A_465 = tpu.memref_squeeze %dma_wait3A_464 : memref<1x256xf32, #tpu.memory_space<hbm>> -> memref<256xf32, #tpu.memory_space<hbm>>
      tpu.wait_dma2 semaphore(%run_scoped3A : memref<!tpu.dma_semaphore, #tpu.memory_space<semaphore_mem>>) src(%arg14 : memref<256xf32, #tpu.memory_space<vmem>>) dst(%dma_wait3A_465 : memref<256xf32, #tpu.memory_space<hbm>>)
      tpu.yield
    }) : () -> ()
    %mul3A_343 = arith.constant 4 : i32
    %mul3A_344 = arith.muli %add3A, %mul3A_343 : i32
    %add3A_345 = arith.constant 3 : i32
    %add3A_346 = arith.addi %mul3A_344, %add3A_345 : i32
    "tpu.region"() ({
      %run_scoped3A = tpu.sem_alloc : memref<!tpu.dma_semaphore, #tpu.memory_space<semaphore_mem>>
      %dma_start3A = arith.constant 0 : i32
      %dma_start3A_456 = tpu.memref_slice %arg3[%add3A_346, %dma_start3A] : memref<128x256xi32, #tpu.memory_space<hbm>> -> memref<1x256xi32, #tpu.memory_space<hbm>>
      %dma_start3A_457 = tpu.memref_squeeze %dma_start3A_456 : memref<1x256xi32, #tpu.memory_space<hbm>> -> memref<256xi32, #tpu.memory_space<hbm>>
      %dma_start3A_458 = arith.constant 0 : i32
      %dma_start3A_459 = tpu.memref_slice %arg3[%add3A_346, %dma_start3A_458] : memref<128x256xi32, #tpu.memory_space<hbm>> -> memref<1x256xi32, #tpu.memory_space<hbm>>
      %dma_start3A_460 = tpu.memref_squeeze %dma_start3A_459 : memref<1x256xi32, #tpu.memory_space<hbm>> -> memref<256xi32, #tpu.memory_space<hbm>>
      tpu.enqueue_dma source(%dma_start3A_460 : memref<256xi32, #tpu.memory_space<hbm>>) target(%arg8 : memref<256xi32, #tpu.memory_space<vmem>>) target_semaphore(%run_scoped3A : memref<!tpu.dma_semaphore, #tpu.memory_space<semaphore_mem>>)
      %dma_wait3A = arith.constant 0 : i32
      %dma_wait3A_461 = tpu.memref_slice %arg3[%add3A_346, %dma_wait3A] : memref<128x256xi32, #tpu.memory_space<hbm>> -> memref<1x256xi32, #tpu.memory_space<hbm>>
      %dma_wait3A_462 = tpu.memref_squeeze %dma_wait3A_461 : memref<1x256xi32, #tpu.memory_space<hbm>> -> memref<256xi32, #tpu.memory_space<hbm>>
      %dma_wait3A_463 = arith.constant 0 : i32
      %dma_wait3A_464 = tpu.memref_slice %arg3[%add3A_346, %dma_wait3A_463] : memref<128x256xi32, #tpu.memory_space<hbm>> -> memref<1x256xi32, #tpu.memory_space<hbm>>
      %dma_wait3A_465 = tpu.memref_squeeze %dma_wait3A_464 : memref<1x256xi32, #tpu.memory_space<hbm>> -> memref<256xi32, #tpu.memory_space<hbm>>
      tpu.wait_dma2 semaphore(%run_scoped3A : memref<!tpu.dma_semaphore, #tpu.memory_space<semaphore_mem>>) src(%dma_wait3A_465 : memref<256xi32, #tpu.memory_space<hbm>>) dst(%arg8 : memref<256xi32, #tpu.memory_space<vmem>>)
      tpu.yield
    }) : () -> ()
    "tpu.region"() ({
      %run_scoped3A = tpu.sem_alloc : memref<!tpu.dma_semaphore, #tpu.memory_space<semaphore_mem>>
      %dma_start3A = arith.constant 0 : i32
      %dma_start3A_456 = tpu.memref_slice %arg2[%add3A_346, %dma_start3A] : memref<128x256xf32, #tpu.memory_space<hbm>> -> memref<1x256xf32, #tpu.memory_space<hbm>>
      %dma_start3A_457 = tpu.memref_squeeze %dma_start3A_456 : memref<1x256xf32, #tpu.memory_space<hbm>> -> memref<256xf32, #tpu.memory_space<hbm>>
      %dma_start3A_458 = arith.constant 0 : i32
      %dma_start3A_459 = tpu.memref_slice %arg2[%add3A_346, %dma_start3A_458] : memref<128x256xf32, #tpu.memory_space<hbm>> -> memref<1x256xf32, #tpu.memory_space<hbm>>
      %dma_start3A_460 = tpu.memref_squeeze %dma_start3A_459 : memref<1x256xf32, #tpu.memory_space<hbm>> -> memref<256xf32, #tpu.memory_space<hbm>>
      tpu.enqueue_dma source(%dma_start3A_460 : memref<256xf32, #tpu.memory_space<hbm>>) target(%arg9 : memref<256xf32, #tpu.memory_space<vmem>>) target_semaphore(%run_scoped3A : memref<!tpu.dma_semaphore, #tpu.memory_space<semaphore_mem>>)
      %dma_wait3A = arith.constant 0 : i32
      %dma_wait3A_461 = tpu.memref_slice %arg2[%add3A_346, %dma_wait3A] : memref<128x256xf32, #tpu.memory_space<hbm>> -> memref<1x256xf32, #tpu.memory_space<hbm>>
      %dma_wait3A_462 = tpu.memref_squeeze %dma_wait3A_461 : memref<1x256xf32, #tpu.memory_space<hbm>> -> memref<256xf32, #tpu.memory_space<hbm>>
      %dma_wait3A_463 = arith.constant 0 : i32
      %dma_wait3A_464 = tpu.memref_slice %arg2[%add3A_346, %dma_wait3A_463] : memref<128x256xf32, #tpu.memory_space<hbm>> -> memref<1x256xf32, #tpu.memory_space<hbm>>
      %dma_wait3A_465 = tpu.memref_squeeze %dma_wait3A_464 : memref<1x256xf32, #tpu.memory_space<hbm>> -> memref<256xf32, #tpu.memory_space<hbm>>
      tpu.wait_dma2 semaphore(%run_scoped3A : memref<!tpu.dma_semaphore, #tpu.memory_space<semaphore_mem>>) src(%dma_wait3A_465 : memref<256xf32, #tpu.memory_space<hbm>>) dst(%arg9 : memref<256xf32, #tpu.memory_space<vmem>>)
      tpu.yield
    }) : () -> ()
    "tpu.region"() ({
      %run_scoped3A = tpu.sem_alloc : memref<!tpu.dma_semaphore, #tpu.memory_space<semaphore_mem>>
      %dma_start3A = arith.constant 0 : i32
      %dma_start3A_456 = tpu.memref_slice %arg4[%add3A_346, %dma_start3A] : memref<128x16xf32, #tpu.memory_space<hbm>> -> memref<1x16xf32, #tpu.memory_space<hbm>>
      %dma_start3A_457 = tpu.memref_squeeze %dma_start3A_456 : memref<1x16xf32, #tpu.memory_space<hbm>> -> memref<16xf32, #tpu.memory_space<hbm>>
      %dma_start3A_458 = arith.constant 0 : i32
      %dma_start3A_459 = tpu.memref_slice %arg4[%add3A_346, %dma_start3A_458] : memref<128x16xf32, #tpu.memory_space<hbm>> -> memref<1x16xf32, #tpu.memory_space<hbm>>
      %dma_start3A_460 = tpu.memref_squeeze %dma_start3A_459 : memref<1x16xf32, #tpu.memory_space<hbm>> -> memref<16xf32, #tpu.memory_space<hbm>>
      tpu.enqueue_dma source(%dma_start3A_460 : memref<16xf32, #tpu.memory_space<hbm>>) target(%arg15 : memref<16xf32, #tpu.memory_space<vmem>>) target_semaphore(%run_scoped3A : memref<!tpu.dma_semaphore, #tpu.memory_space<semaphore_mem>>)
      %dma_wait3A = arith.constant 0 : i32
      %dma_wait3A_461 = tpu.memref_slice %arg4[%add3A_346, %dma_wait3A] : memref<128x16xf32, #tpu.memory_space<hbm>> -> memref<1x16xf32, #tpu.memory_space<hbm>>
      %dma_wait3A_462 = tpu.memref_squeeze %dma_wait3A_461 : memref<1x16xf32, #tpu.memory_space<hbm>> -> memref<16xf32, #tpu.memory_space<hbm>>
      %dma_wait3A_463 = arith.constant 0 : i32
      %dma_wait3A_464 = tpu.memref_slice %arg4[%add3A_346, %dma_wait3A_463] : memref<128x16xf32, #tpu.memory_space<hbm>> -> memref<1x16xf32, #tpu.memory_space<hbm>>
      %dma_wait3A_465 = tpu.memref_squeeze %dma_wait3A_464 : memref<1x16xf32, #tpu.memory_space<hbm>> -> memref<16xf32, #tpu.memory_space<hbm>>
      tpu.wait_dma2 semaphore(%run_scoped3A : memref<!tpu.dma_semaphore, #tpu.memory_space<semaphore_mem>>) src(%dma_wait3A_465 : memref<16xf32, #tpu.memory_space<hbm>>) dst(%arg15 : memref<16xf32, #tpu.memory_space<vmem>>)
      tpu.yield
    }) : () -> ()
    %swap3A_347 = arith.constant 0 : index
    %swap3A_348 = tpu.vector_load %arg10[%swap3A_347] {strides = array<i32>} : memref<256xi32, #tpu.memory_space<vmem>>, vector<16xi32>,
    tpu.vector_store %arg10[%swap3A_347], %broadcast_in_dim3A_1 {strides = array<i32>} : memref<256xi32, #tpu.memory_space<vmem>>, vector<16xi32>,
    %swap3A_349 = arith.constant 0 : index
    %swap3A_350 = tpu.vector_load %arg13[%swap3A_349] {strides = array<i32>} : memref<256xf32, #tpu.memory_space<vmem>>, vector<16xf32>,
    tpu.vector_store %arg13[%swap3A_349], %broadcast_in_dim3A_3 {strides = array<i32>} : memref<256xf32, #tpu.memory_space<vmem>>, vector<16xf32>,
    %swap3A_351 = arith.constant 0 : index
    %swap3A_352 = tpu.vector_load %arg14[%swap3A_351] {strides = array<i32>} : memref<256xf32, #tpu.memory_space<vmem>>, vector<16xf32>,
    tpu.vector_store %arg14[%swap3A_351], %broadcast_in_dim3A_3 {strides = array<i32>} : memref<256xf32, #tpu.memory_space<vmem>>, vector<16xf32>,
    %swap3A_353 = arith.constant 16 : index
    %swap3A_354 = tpu.vector_load %arg10[%swap3A_353] {strides = array<i32>} : memref<256xi32, #tpu.memory_space<vmem>>, vector<16xi32>,
    tpu.vector_store %arg10[%swap3A_353], %broadcast_in_dim3A_1 {strides = array<i32>} : memref<256xi32, #tpu.memory_space<vmem>>, vector<16xi32>,
    %swap3A_355 = arith.constant 16 : index
    %swap3A_356 = tpu.vector_load %arg13[%swap3A_355] {strides = array<i32>} : memref<256xf32, #tpu.memory_space<vmem>>, vector<16xf32>,
    tpu.vector_store %arg13[%swap3A_355], %broadcast_in_dim3A_3 {strides = array<i32>} : memref<256xf32, #tpu.memory_space<vmem>>, vector<16xf32>,
    %swap3A_357 = arith.constant 16 : index
    %swap3A_358 = tpu.vector_load %arg14[%swap3A_357] {strides = array<i32>} : memref<256xf32, #tpu.memory_space<vmem>>, vector<16xf32>,
    tpu.vector_store %arg14[%swap3A_357], %broadcast_in_dim3A_3 {strides = array<i32>} : memref<256xf32, #tpu.memory_space<vmem>>, vector<16xf32>,
    %swap3A_359 = arith.constant 32 : index
    %swap3A_360 = tpu.vector_load %arg10[%swap3A_359] {strides = array<i32>} : memref<256xi32, #tpu.memory_space<vmem>>, vector<16xi32>,
    tpu.vector_store %arg10[%swap3A_359], %broadcast_in_dim3A_1 {strides = array<i32>} : memref<256xi32, #tpu.memory_space<vmem>>, vector<16xi32>,
    %swap3A_361 = arith.constant 32 : index
    %swap3A_362 = tpu.vector_load %arg13[%swap3A_361] {strides = array<i32>} : memref<256xf32, #tpu.memory_space<vmem>>, vector<16xf32>,
    tpu.vector_store %arg13[%swap3A_361], %broadcast_in_dim3A_3 {strides = array<i32>} : memref<256xf32, #tpu.memory_space<vmem>>, vector<16xf32>,
    %swap3A_363 = arith.constant 32 : index
    %swap3A_364 = tpu.vector_load %arg14[%swap3A_363] {strides = array<i32>} : memref<256xf32, #tpu.memory_space<vmem>>, vector<16xf32>,
    tpu.vector_store %arg14[%swap3A_363], %broadcast_in_dim3A_3 {strides = array<i32>} : memref<256xf32, #tpu.memory_space<vmem>>, vector<16xf32>,
    %swap3A_365 = arith.constant 48 : index
    %swap3A_366 = tpu.vector_load %arg10[%swap3A_365] {strides = array<i32>} : memref<256xi32, #tpu.memory_space<vmem>>, vector<16xi32>,
    tpu.vector_store %arg10[%swap3A_365], %broadcast_in_dim3A_1 {strides = array<i32>} : memref<256xi32, #tpu.memory_space<vmem>>, vector<16xi32>,
    %swap3A_367 = arith.constant 48 : index
    %swap3A_368 = tpu.vector_load %arg13[%swap3A_367] {strides = array<i32>} : memref<256xf32, #tpu.memory_space<vmem>>, vector<16xf32>,
    tpu.vector_store %arg13[%swap3A_367], %broadcast_in_dim3A_3 {strides = array<i32>} : memref<256xf32, #tpu.memory_space<vmem>>, vector<16xf32>,
    %swap3A_369 = arith.constant 48 : index
    %swap3A_370 = tpu.vector_load %arg14[%swap3A_369] {strides = array<i32>} : memref<256xf32, #tpu.memory_space<vmem>>, vector<16xf32>,
    tpu.vector_store %arg14[%swap3A_369], %broadcast_in_dim3A_3 {strides = array<i32>} : memref<256xf32, #tpu.memory_space<vmem>>, vector<16xf32>,
    %swap3A_371 = arith.constant 64 : index
    %swap3A_372 = tpu.vector_load %arg10[%swap3A_371] {strides = array<i32>} : memref<256xi32, #tpu.memory_space<vmem>>, vector<16xi32>,
    tpu.vector_store %arg10[%swap3A_371], %broadcast_in_dim3A_1 {strides = array<i32>} : memref<256xi32, #tpu.memory_space<vmem>>, vector<16xi32>,
    %swap3A_373 = arith.constant 64 : index
    %swap3A_374 = tpu.vector_load %arg13[%swap3A_373] {strides = array<i32>} : memref<256xf32, #tpu.memory_space<vmem>>, vector<16xf32>,
    tpu.vector_store %arg13[%swap3A_373], %broadcast_in_dim3A_3 {strides = array<i32>} : memref<256xf32, #tpu.memory_space<vmem>>, vector<16xf32>,
    %swap3A_375 = arith.constant 64 : index
    %swap3A_376 = tpu.vector_load %arg14[%swap3A_375] {strides = array<i32>} : memref<256xf32, #tpu.memory_space<vmem>>, vector<16xf32>,
    tpu.vector_store %arg14[%swap3A_375], %broadcast_in_dim3A_3 {strides = array<i32>} : memref<256xf32, #tpu.memory_space<vmem>>, vector<16xf32>,
    %swap3A_377 = arith.constant 80 : index
    %swap3A_378 = tpu.vector_load %arg10[%swap3A_377] {strides = array<i32>} : memref<256xi32, #tpu.memory_space<vmem>>, vector<16xi32>,
    tpu.vector_store %arg10[%swap3A_377], %broadcast_in_dim3A_1 {strides = array<i32>} : memref<256xi32, #tpu.memory_space<vmem>>, vector<16xi32>,
    %swap3A_379 = arith.constant 80 : index
    %swap3A_380 = tpu.vector_load %arg13[%swap3A_379] {strides = array<i32>} : memref<256xf32, #tpu.memory_space<vmem>>, vector<16xf32>,
    tpu.vector_store %arg13[%swap3A_379], %broadcast_in_dim3A_3 {strides = array<i32>} : memref<256xf32, #tpu.memory_space<vmem>>, vector<16xf32>,
    %swap3A_381 = arith.constant 80 : index
    %swap3A_382 = tpu.vector_load %arg14[%swap3A_381] {strides = array<i32>} : memref<256xf32, #tpu.memory_space<vmem>>, vector<16xf32>,
    tpu.vector_store %arg14[%swap3A_381], %broadcast_in_dim3A_3 {strides = array<i32>} : memref<256xf32, #tpu.memory_space<vmem>>, vector<16xf32>,
    %swap3A_383 = arith.constant 96 : index
    %swap3A_384 = tpu.vector_load %arg10[%swap3A_383] {strides = array<i32>} : memref<256xi32, #tpu.memory_space<vmem>>, vector<16xi32>,
    tpu.vector_store %arg10[%swap3A_383], %broadcast_in_dim3A_1 {strides = array<i32>} : memref<256xi32, #tpu.memory_space<vmem>>, vector<16xi32>,
    %swap3A_385 = arith.constant 96 : index
    %swap3A_386 = tpu.vector_load %arg13[%swap3A_385] {strides = array<i32>} : memref<256xf32, #tpu.memory_space<vmem>>, vector<16xf32>,
    tpu.vector_store %arg13[%swap3A_385], %broadcast_in_dim3A_3 {strides = array<i32>} : memref<256xf32, #tpu.memory_space<vmem>>, vector<16xf32>,
    %swap3A_387 = arith.constant 96 : index
    %swap3A_388 = tpu.vector_load %arg14[%swap3A_387] {strides = array<i32>} : memref<256xf32, #tpu.memory_space<vmem>>, vector<16xf32>,
    tpu.vector_store %arg14[%swap3A_387], %broadcast_in_dim3A_3 {strides = array<i32>} : memref<256xf32, #tpu.memory_space<vmem>>, vector<16xf32>,
    %swap3A_389 = arith.constant 112 : index
    %swap3A_390 = tpu.vector_load %arg10[%swap3A_389] {strides = array<i32>} : memref<256xi32, #tpu.memory_space<vmem>>, vector<16xi32>,
    tpu.vector_store %arg10[%swap3A_389], %broadcast_in_dim3A_1 {strides = array<i32>} : memref<256xi32, #tpu.memory_space<vmem>>, vector<16xi32>,
    %swap3A_391 = arith.constant 112 : index
    %swap3A_392 = tpu.vector_load %arg13[%swap3A_391] {strides = array<i32>} : memref<256xf32, #tpu.memory_space<vmem>>, vector<16xf32>,
    tpu.vector_store %arg13[%swap3A_391], %broadcast_in_dim3A_3 {strides = array<i32>} : memref<256xf32, #tpu.memory_space<vmem>>, vector<16xf32>,
    %swap3A_393 = arith.constant 112 : index
    %swap3A_394 = tpu.vector_load %arg14[%swap3A_393] {strides = array<i32>} : memref<256xf32, #tpu.memory_space<vmem>>, vector<16xf32>,
    tpu.vector_store %arg14[%swap3A_393], %broadcast_in_dim3A_3 {strides = array<i32>} : memref<256xf32, #tpu.memory_space<vmem>>, vector<16xf32>,
    %swap3A_395 = arith.constant 128 : index
    %swap3A_396 = tpu.vector_load %arg10[%swap3A_395] {strides = array<i32>} : memref<256xi32, #tpu.memory_space<vmem>>, vector<16xi32>,
    tpu.vector_store %arg10[%swap3A_395], %broadcast_in_dim3A_1 {strides = array<i32>} : memref<256xi32, #tpu.memory_space<vmem>>, vector<16xi32>,
    %swap3A_397 = arith.constant 128 : index
    %swap3A_398 = tpu.vector_load %arg13[%swap3A_397] {strides = array<i32>} : memref<256xf32, #tpu.memory_space<vmem>>, vector<16xf32>,
    tpu.vector_store %arg13[%swap3A_397], %broadcast_in_dim3A_3 {strides = array<i32>} : memref<256xf32, #tpu.memory_space<vmem>>, vector<16xf32>,
    %swap3A_399 = arith.constant 128 : index
    %swap3A_400 = tpu.vector_load %arg14[%swap3A_399] {strides = array<i32>} : memref<256xf32, #tpu.memory_space<vmem>>, vector<16xf32>,
    tpu.vector_store %arg14[%swap3A_399], %broadcast_in_dim3A_3 {strides = array<i32>} : memref<256xf32, #tpu.memory_space<vmem>>, vector<16xf32>,
    %swap3A_401 = arith.constant 144 : index
    %swap3A_402 = tpu.vector_load %arg10[%swap3A_401] {strides = array<i32>} : memref<256xi32, #tpu.memory_space<vmem>>, vector<16xi32>,
    tpu.vector_store %arg10[%swap3A_401], %broadcast_in_dim3A_1 {strides = array<i32>} : memref<256xi32, #tpu.memory_space<vmem>>, vector<16xi32>,
    %swap3A_403 = arith.constant 144 : index
    %swap3A_404 = tpu.vector_load %arg13[%swap3A_403] {strides = array<i32>} : memref<256xf32, #tpu.memory_space<vmem>>, vector<16xf32>,
    tpu.vector_store %arg13[%swap3A_403], %broadcast_in_dim3A_3 {strides = array<i32>} : memref<256xf32, #tpu.memory_space<vmem>>, vector<16xf32>,
    %swap3A_405 = arith.constant 144 : index
    %swap3A_406 = tpu.vector_load %arg14[%swap3A_405] {strides = array<i32>} : memref<256xf32, #tpu.memory_space<vmem>>, vector<16xf32>,
    tpu.vector_store %arg14[%swap3A_405], %broadcast_in_dim3A_3 {strides = array<i32>} : memref<256xf32, #tpu.memory_space<vmem>>, vector<16xf32>,
    %swap3A_407 = arith.constant 160 : index
    %swap3A_408 = tpu.vector_load %arg10[%swap3A_407] {strides = array<i32>} : memref<256xi32, #tpu.memory_space<vmem>>, vector<16xi32>,
    tpu.vector_store %arg10[%swap3A_407], %broadcast_in_dim3A_1 {strides = array<i32>} : memref<256xi32, #tpu.memory_space<vmem>>, vector<16xi32>,
    %swap3A_409 = arith.constant 160 : index
    %swap3A_410 = tpu.vector_load %arg13[%swap3A_409] {strides = array<i32>} : memref<256xf32, #tpu.memory_space<vmem>>, vector<16xf32>,
    tpu.vector_store %arg13[%swap3A_409], %broadcast_in_dim3A_3 {strides = array<i32>} : memref<256xf32, #tpu.memory_space<vmem>>, vector<16xf32>,
    %swap3A_411 = arith.constant 160 : index
    %swap3A_412 = tpu.vector_load %arg14[%swap3A_411] {strides = array<i32>} : memref<256xf32, #tpu.memory_space<vmem>>, vector<16xf32>,
    tpu.vector_store %arg14[%swap3A_411], %broadcast_in_dim3A_3 {strides = array<i32>} : memref<256xf32, #tpu.memory_space<vmem>>, vector<16xf32>,
    %swap3A_413 = arith.constant 176 : index
    %swap3A_414 = tpu.vector_load %arg10[%swap3A_413] {strides = array<i32>} : memref<256xi32, #tpu.memory_space<vmem>>, vector<16xi32>,
    tpu.vector_store %arg10[%swap3A_413], %broadcast_in_dim3A_1 {strides = array<i32>} : memref<256xi32, #tpu.memory_space<vmem>>, vector<16xi32>,
    %swap3A_415 = arith.constant 176 : index
    %swap3A_416 = tpu.vector_load %arg13[%swap3A_415] {strides = array<i32>} : memref<256xf32, #tpu.memory_space<vmem>>, vector<16xf32>,
    tpu.vector_store %arg13[%swap3A_415], %broadcast_in_dim3A_3 {strides = array<i32>} : memref<256xf32, #tpu.memory_space<vmem>>, vector<16xf32>,
    %swap3A_417 = arith.constant 176 : index
    %swap3A_418 = tpu.vector_load %arg14[%swap3A_417] {strides = array<i32>} : memref<256xf32, #tpu.memory_space<vmem>>, vector<16xf32>,
    tpu.vector_store %arg14[%swap3A_417], %broadcast_in_dim3A_3 {strides = array<i32>} : memref<256xf32, #tpu.memory_space<vmem>>, vector<16xf32>,
    %swap3A_419 = arith.constant 192 : index
    %swap3A_420 = tpu.vector_load %arg10[%swap3A_419] {strides = array<i32>} : memref<256xi32, #tpu.memory_space<vmem>>, vector<16xi32>,
    tpu.vector_store %arg10[%swap3A_419], %broadcast_in_dim3A_1 {strides = array<i32>} : memref<256xi32, #tpu.memory_space<vmem>>, vector<16xi32>,
    %swap3A_421 = arith.constant 192 : index
    %swap3A_422 = tpu.vector_load %arg13[%swap3A_421] {strides = array<i32>} : memref<256xf32, #tpu.memory_space<vmem>>, vector<16xf32>,
    tpu.vector_store %arg13[%swap3A_421], %broadcast_in_dim3A_3 {strides = array<i32>} : memref<256xf32, #tpu.memory_space<vmem>>, vector<16xf32>,
    %swap3A_423 = arith.constant 192 : index
    %swap3A_424 = tpu.vector_load %arg14[%swap3A_423] {strides = array<i32>} : memref<256xf32, #tpu.memory_space<vmem>>, vector<16xf32>,
    tpu.vector_store %arg14[%swap3A_423], %broadcast_in_dim3A_3 {strides = array<i32>} : memref<256xf32, #tpu.memory_space<vmem>>, vector<16xf32>,
    %swap3A_425 = arith.constant 208 : index
    %swap3A_426 = tpu.vector_load %arg10[%swap3A_425] {strides = array<i32>} : memref<256xi32, #tpu.memory_space<vmem>>, vector<16xi32>,
    tpu.vector_store %arg10[%swap3A_425], %broadcast_in_dim3A_1 {strides = array<i32>} : memref<256xi32, #tpu.memory_space<vmem>>, vector<16xi32>,
    %swap3A_427 = arith.constant 208 : index
    %swap3A_428 = tpu.vector_load %arg13[%swap3A_427] {strides = array<i32>} : memref<256xf32, #tpu.memory_space<vmem>>, vector<16xf32>,
    tpu.vector_store %arg13[%swap3A_427], %broadcast_in_dim3A_3 {strides = array<i32>} : memref<256xf32, #tpu.memory_space<vmem>>, vector<16xf32>,
    %swap3A_429 = arith.constant 208 : index
    %swap3A_430 = tpu.vector_load %arg14[%swap3A_429] {strides = array<i32>} : memref<256xf32, #tpu.memory_space<vmem>>, vector<16xf32>,
    tpu.vector_store %arg14[%swap3A_429], %broadcast_in_dim3A_3 {strides = array<i32>} : memref<256xf32, #tpu.memory_space<vmem>>, vector<16xf32>,
    %swap3A_431 = arith.constant 224 : index
    %swap3A_432 = tpu.vector_load %arg10[%swap3A_431] {strides = array<i32>} : memref<256xi32, #tpu.memory_space<vmem>>, vector<16xi32>,
    tpu.vector_store %arg10[%swap3A_431], %broadcast_in_dim3A_1 {strides = array<i32>} : memref<256xi32, #tpu.memory_space<vmem>>, vector<16xi32>,
    %swap3A_433 = arith.constant 224 : index
    %swap3A_434 = tpu.vector_load %arg13[%swap3A_433] {strides = array<i32>} : memref<256xf32, #tpu.memory_space<vmem>>, vector<16xf32>,
    tpu.vector_store %arg13[%swap3A_433], %broadcast_in_dim3A_3 {strides = array<i32>} : memref<256xf32, #tpu.memory_space<vmem>>, vector<16xf32>,
    %swap3A_435 = arith.constant 224 : index
    %swap3A_436 = tpu.vector_load %arg14[%swap3A_435] {strides = array<i32>} : memref<256xf32, #tpu.memory_space<vmem>>, vector<16xf32>,
    tpu.vector_store %arg14[%swap3A_435], %broadcast_in_dim3A_3 {strides = array<i32>} : memref<256xf32, #tpu.memory_space<vmem>>, vector<16xf32>,
    %swap3A_437 = arith.constant 240 : index
    %swap3A_438 = tpu.vector_load %arg10[%swap3A_437] {strides = array<i32>} : memref<256xi32, #tpu.memory_space<vmem>>, vector<16xi32>,
    tpu.vector_store %arg10[%swap3A_437], %broadcast_in_dim3A_1 {strides = array<i32>} : memref<256xi32, #tpu.memory_space<vmem>>, vector<16xi32>,
    %swap3A_439 = arith.constant 240 : index
    %swap3A_440 = tpu.vector_load %arg13[%swap3A_439] {strides = array<i32>} : memref<256xf32, #tpu.memory_space<vmem>>, vector<16xf32>,
    tpu.vector_store %arg13[%swap3A_439], %broadcast_in_dim3A_3 {strides = array<i32>} : memref<256xf32, #tpu.memory_space<vmem>>, vector<16xf32>,
    %swap3A_441 = arith.constant 240 : index
    %swap3A_442 = tpu.vector_load %arg14[%swap3A_441] {strides = array<i32>} : memref<256xf32, #tpu.memory_space<vmem>>, vector<16xf32>,
    tpu.vector_store %arg14[%swap3A_441], %broadcast_in_dim3A_3 {strides = array<i32>} : memref<256xf32, #tpu.memory_space<vmem>>, vector<16xf32>,
    %scan3A_443 = arith.constant 0 : i32
    %scan3A_444 = arith.constant 0 : i32
    %scan3A_445 = arith.constant 16 : i32
    %scan3A_446 = arith.addi %scan3A_444, %scan3A_445 : i32
    %scan3A_447 = arith.constant 1 : i32
    scf.for %scan3A_456 = %scan3A_444 to %scan3A_446 step %scan3A_447  : i32 {
      %mul3A_457 = arith.constant 16 : i32
      %mul3A_458 = arith.muli %scan3A_456, %mul3A_457 : i32
      %get3A = arith.index_cast %mul3A_458 : i32 to index
      %get3A_459 = tpu.vector_load %arg8[%get3A] {strides = array<i32>} : memref<256xi32, #tpu.memory_space<vmem>>, vector<16xi32>,
      %mul3A_460 = arith.constant 16 : i32
      %mul3A_461 = arith.muli %scan3A_456, %mul3A_460 : i32
      %get3A_462 = arith.index_cast %mul3A_461 : i32 to index
      %get3A_463 = tpu.vector_load %arg9[%get3A_462] {strides = array<i32>} : memref<256xf32, #tpu.memory_space<vmem>>, vector<16xf32>,
      %ge3A = arith.constant 0 : i32
      %ge3A_464 = vector.broadcast %ge3A : i32 to vector<16xi32>
      %ge3A_465 = arith.cmpi sge, %iota3A, %ge3A_464 : vector<16xi32>
      tpu.vector_store_idx %arg10[%get3A_459], %get3A_459 masked %ge3A_465 : memref<256xi32, #tpu.memory_space<vmem>>[vector<16xi32>], vector<16xi32>, vector<16xi1>
      tpu.vector_store_idx %arg13[%get3A_459], %broadcast_in_dim3A_5 {add = true} : memref<256xf32, #tpu.memory_space<vmem>>[vector<16xi32>], vector<16xf32>,
      tpu.vector_store_idx %arg14[%get3A_459], %get3A_463 {add = true} : memref<256xf32, #tpu.memory_space<vmem>>[vector<16xi32>], vector<16xf32>,
      %eq3A = arith.constant 0 : i32
      %eq3A_466 = vector.broadcast %eq3A : i32 to vector<16xi32>
      %eq3A_467 = arith.cmpi eq, %iota3A, %eq3A_466 : vector<16xi32>
      tpu.vector_store_idx %arg11[%get3A_459], %get3A_463 masked %eq3A_467 : memref<256xf32, #tpu.memory_space<vmem>>[vector<16xi32>], vector<16xf32>, vector<16xi1>
      %eq3A_468 = arith.constant 1 : i32
      %eq3A_469 = vector.broadcast %eq3A_468 : i32 to vector<16xi32>
      %eq3A_470 = arith.cmpi eq, %iota3A, %eq3A_469 : vector<16xi32>
      tpu.vector_store_idx %arg11[%get3A_459], %get3A_463 masked %eq3A_470 : memref<256xf32, #tpu.memory_space<vmem>>[vector<16xi32>], vector<16xf32>, vector<16xi1>
      %eq3A_471 = arith.constant 2 : i32
      %eq3A_472 = vector.broadcast %eq3A_471 : i32 to vector<16xi32>
      %eq3A_473 = arith.cmpi eq, %iota3A, %eq3A_472 : vector<16xi32>
      tpu.vector_store_idx %arg11[%get3A_459], %get3A_463 masked %eq3A_473 : memref<256xf32, #tpu.memory_space<vmem>>[vector<16xi32>], vector<16xf32>, vector<16xi1>
      %eq3A_474 = arith.constant 3 : i32
      %eq3A_475 = vector.broadcast %eq3A_474 : i32 to vector<16xi32>
      %eq3A_476 = arith.cmpi eq, %iota3A, %eq3A_475 : vector<16xi32>
      tpu.vector_store_idx %arg11[%get3A_459], %get3A_463 masked %eq3A_476 : memref<256xf32, #tpu.memory_space<vmem>>[vector<16xi32>], vector<16xf32>, vector<16xi1>
      %eq3A_477 = arith.constant 4 : i32
      %eq3A_478 = vector.broadcast %eq3A_477 : i32 to vector<16xi32>
      %eq3A_479 = arith.cmpi eq, %iota3A, %eq3A_478 : vector<16xi32>
      tpu.vector_store_idx %arg11[%get3A_459], %get3A_463 masked %eq3A_479 : memref<256xf32, #tpu.memory_space<vmem>>[vector<16xi32>], vector<16xf32>, vector<16xi1>
      %eq3A_480 = arith.constant 5 : i32
      %eq3A_481 = vector.broadcast %eq3A_480 : i32 to vector<16xi32>
      %eq3A_482 = arith.cmpi eq, %iota3A, %eq3A_481 : vector<16xi32>
      tpu.vector_store_idx %arg11[%get3A_459], %get3A_463 masked %eq3A_482 : memref<256xf32, #tpu.memory_space<vmem>>[vector<16xi32>], vector<16xf32>, vector<16xi1>
      %eq3A_483 = arith.constant 6 : i32
      %eq3A_484 = vector.broadcast %eq3A_483 : i32 to vector<16xi32>
      %eq3A_485 = arith.cmpi eq, %iota3A, %eq3A_484 : vector<16xi32>
      tpu.vector_store_idx %arg11[%get3A_459], %get3A_463 masked %eq3A_485 : memref<256xf32, #tpu.memory_space<vmem>>[vector<16xi32>], vector<16xf32>, vector<16xi1>
      %eq3A_486 = arith.constant 7 : i32
      %eq3A_487 = vector.broadcast %eq3A_486 : i32 to vector<16xi32>
      %eq3A_488 = arith.cmpi eq, %iota3A, %eq3A_487 : vector<16xi32>
      tpu.vector_store_idx %arg11[%get3A_459], %get3A_463 masked %eq3A_488 : memref<256xf32, #tpu.memory_space<vmem>>[vector<16xi32>], vector<16xf32>, vector<16xi1>
      %eq3A_489 = arith.constant 8 : i32
      %eq3A_490 = vector.broadcast %eq3A_489 : i32 to vector<16xi32>
      %eq3A_491 = arith.cmpi eq, %iota3A, %eq3A_490 : vector<16xi32>
      tpu.vector_store_idx %arg11[%get3A_459], %get3A_463 masked %eq3A_491 : memref<256xf32, #tpu.memory_space<vmem>>[vector<16xi32>], vector<16xf32>, vector<16xi1>
      %eq3A_492 = arith.constant 9 : i32
      %eq3A_493 = vector.broadcast %eq3A_492 : i32 to vector<16xi32>
      %eq3A_494 = arith.cmpi eq, %iota3A, %eq3A_493 : vector<16xi32>
      tpu.vector_store_idx %arg11[%get3A_459], %get3A_463 masked %eq3A_494 : memref<256xf32, #tpu.memory_space<vmem>>[vector<16xi32>], vector<16xf32>, vector<16xi1>
      %eq3A_495 = arith.constant 10 : i32
      %eq3A_496 = vector.broadcast %eq3A_495 : i32 to vector<16xi32>
      %eq3A_497 = arith.cmpi eq, %iota3A, %eq3A_496 : vector<16xi32>
      tpu.vector_store_idx %arg11[%get3A_459], %get3A_463 masked %eq3A_497 : memref<256xf32, #tpu.memory_space<vmem>>[vector<16xi32>], vector<16xf32>, vector<16xi1>
      %eq3A_498 = arith.constant 11 : i32
      %eq3A_499 = vector.broadcast %eq3A_498 : i32 to vector<16xi32>
      %eq3A_500 = arith.cmpi eq, %iota3A, %eq3A_499 : vector<16xi32>
      tpu.vector_store_idx %arg11[%get3A_459], %get3A_463 masked %eq3A_500 : memref<256xf32, #tpu.memory_space<vmem>>[vector<16xi32>], vector<16xf32>, vector<16xi1>
      %eq3A_501 = arith.constant 12 : i32
      %eq3A_502 = vector.broadcast %eq3A_501 : i32 to vector<16xi32>
      %eq3A_503 = arith.cmpi eq, %iota3A, %eq3A_502 : vector<16xi32>
      tpu.vector_store_idx %arg11[%get3A_459], %get3A_463 masked %eq3A_503 : memref<256xf32, #tpu.memory_space<vmem>>[vector<16xi32>], vector<16xf32>, vector<16xi1>
      %eq3A_504 = arith.constant 13 : i32
      %eq3A_505 = vector.broadcast %eq3A_504 : i32 to vector<16xi32>
      %eq3A_506 = arith.cmpi eq, %iota3A, %eq3A_505 : vector<16xi32>
      tpu.vector_store_idx %arg11[%get3A_459], %get3A_463 masked %eq3A_506 : memref<256xf32, #tpu.memory_space<vmem>>[vector<16xi32>], vector<16xf32>, vector<16xi1>
      %eq3A_507 = arith.constant 14 : i32
      %eq3A_508 = vector.broadcast %eq3A_507 : i32 to vector<16xi32>
      %eq3A_509 = arith.cmpi eq, %iota3A, %eq3A_508 : vector<16xi32>
      tpu.vector_store_idx %arg11[%get3A_459], %get3A_463 masked %eq3A_509 : memref<256xf32, #tpu.memory_space<vmem>>[vector<16xi32>], vector<16xf32>, vector<16xi1>
      %eq3A_510 = arith.constant 15 : i32
      %eq3A_511 = vector.broadcast %eq3A_510 : i32 to vector<16xi32>
      %eq3A_512 = arith.cmpi eq, %iota3A, %eq3A_511 : vector<16xi32>
      tpu.vector_store_idx %arg11[%get3A_459], %get3A_463 masked %eq3A_512 : memref<256xf32, #tpu.memory_space<vmem>>[vector<16xi32>], vector<16xf32>, vector<16xi1>
    }
    %scan3A_448 = arith.constant 16 : i32
    %scan3A_449 = arith.constant -1 : i32
    %scan3A_450 = arith.constant 0 : i32
    %scan3A_451 = arith.constant 16 : i32
    %scan3A_452 = arith.addi %scan3A_450, %scan3A_451 : i32
    %scan3A_453 = arith.constant 1 : i32
    %scan3A_454 = scf.for %scan3A_456 = %scan3A_450 to %scan3A_452 step %scan3A_453 iter_args(%scan3A_457 = %scan3A_449) -> (i32)  : i32 {
      %mul3A_458 = arith.constant 16 : i32
      %mul3A_459 = arith.muli %scan3A_456, %mul3A_458 : i32
      %get3A = arith.index_cast %mul3A_459 : i32 to index
      %get3A_460 = tpu.vector_load %arg10[%get3A] {strides = array<i32>} : memref<256xi32, #tpu.memory_space<vmem>>, vector<16xi32>,
      %broadcast_in_dim3A_461 = arith.constant true
      %broadcast_in_dim3A_462 = vector.broadcast %broadcast_in_dim3A_461 : i1 to vector<16xi1>
      %masked_cummax3A = arith.constant -2147483648 : i32
      %masked_cummax3A_463 = vector.broadcast %masked_cummax3A : i32 to vector<16xi32>
      %masked_cummax3A_464 = arith.xori %get3A_460, %masked_cummax3A_463 : vector<16xi32>
      %masked_cummax3A_465 = tpu.scan <max>, %masked_cummax3A_464 masked %broadcast_in_dim3A_462 : vector<16xi32>, vector<16xi1> -> vector<16xi32>
      %masked_cummax3A_466 = arith.xori %masked_cummax3A_465, %masked_cummax3A_463 : vector<16xi32>
      %max3A = vector.broadcast %scan3A_457 : i32 to vector<16xi32>
      %max3A_467 = arith.maxsi %masked_cummax3A_466, %max3A : vector<16xi32>
      %max3A_468 = arith.constant 0 : i32
      %max3A_469 = vector.broadcast %max3A_468 : i32 to vector<16xi32>
      %max3A_470 = arith.maxsi %max3A_467, %max3A_469 : vector<16xi32>
      %gather3A = tpu.vector_load_idx %arg11[%max3A_470] : memref<256xf32, #tpu.memory_space<vmem>>[vector<16xi32>], vector<16xf32>,
      %ge3A = arith.constant 0 : i32
      %ge3A_471 = vector.broadcast %ge3A : i32 to vector<16xi32>
      %ge3A_472 = arith.cmpi sge, %max3A_467, %ge3A_471 : vector<16xi32>
      %get3A_473 = arith.constant 0 : index
      %get3A_474 = tpu.vector_load %arg15[%get3A_473] {strides = array<i32>} : memref<16xf32, #tpu.memory_space<vmem>>, vector<16xf32>,
      %select_n3A = arith.select %ge3A_472, %gather3A, %get3A_474 : vector<16xi1>, vector<16xf32>
      %mul3A_475 = arith.constant 16 : i32
      %mul3A_476 = arith.muli %scan3A_456, %mul3A_475 : i32
      %swap3A_477 = arith.index_cast %mul3A_476 : i32 to index
      %swap3A_478 = tpu.vector_load %arg12[%swap3A_477] {strides = array<i32>} : memref<256xf32, #tpu.memory_space<vmem>>, vector<16xf32>,
      tpu.vector_store %arg12[%swap3A_477], %select_n3A {strides = array<i32>} : memref<256xf32, #tpu.memory_space<vmem>>, vector<16xf32>,
      %reduce_max3A = arith.constant true
      %reduce_max3A_479 = vector.broadcast %reduce_max3A : i1 to vector<16xi1>
      %reduce_max3A_480 = arith.constant -2147483648 : i32
      %reduce_max3A_481 = vector.broadcast %reduce_max3A_480 : i32 to vector<16xi32>
      %reduce_max3A_482 = arith.xori %max3A_467, %reduce_max3A_481 : vector<16xi32>
      %reduce_max3A_483 = tpu.scan <max>, %reduce_max3A_482 masked %reduce_max3A_479 : vector<16xi32>, vector<16xi1> -> vector<16xi32>
      %reduce_max3A_484 = arith.xori %reduce_max3A_483, %reduce_max3A_481 : vector<16xi32>
      %reduce_max3A_485 = vector.extract %reduce_max3A_484[15] : i32 from vector<16xi32>
      scf.yield %reduce_max3A_485 : i32
    }
    %scan3A_455 = arith.constant 16 : i32
    "tpu.region"() ({
      %run_scoped3A = tpu.sem_alloc : memref<!tpu.dma_semaphore, #tpu.memory_space<semaphore_mem>>
      %dma_start3A = arith.constant 0 : i32
      %dma_start3A_456 = tpu.memref_slice %arg5[%add3A_346, %dma_start3A] : memref<128x256xf32, #tpu.memory_space<hbm>> -> memref<1x256xf32, #tpu.memory_space<hbm>>
      %dma_start3A_457 = tpu.memref_squeeze %dma_start3A_456 : memref<1x256xf32, #tpu.memory_space<hbm>> -> memref<256xf32, #tpu.memory_space<hbm>>
      %dma_start3A_458 = arith.constant 0 : i32
      %dma_start3A_459 = tpu.memref_slice %arg5[%add3A_346, %dma_start3A_458] : memref<128x256xf32, #tpu.memory_space<hbm>> -> memref<1x256xf32, #tpu.memory_space<hbm>>
      %dma_start3A_460 = tpu.memref_squeeze %dma_start3A_459 : memref<1x256xf32, #tpu.memory_space<hbm>> -> memref<256xf32, #tpu.memory_space<hbm>>
      tpu.enqueue_dma source(%arg12 : memref<256xf32, #tpu.memory_space<vmem>>) target(%dma_start3A_460 : memref<256xf32, #tpu.memory_space<hbm>>) target_semaphore(%run_scoped3A : memref<!tpu.dma_semaphore, #tpu.memory_space<semaphore_mem>>)
      %dma_wait3A = arith.constant 0 : i32
      %dma_wait3A_461 = tpu.memref_slice %arg5[%add3A_346, %dma_wait3A] : memref<128x256xf32, #tpu.memory_space<hbm>> -> memref<1x256xf32, #tpu.memory_space<hbm>>
      %dma_wait3A_462 = tpu.memref_squeeze %dma_wait3A_461 : memref<1x256xf32, #tpu.memory_space<hbm>> -> memref<256xf32, #tpu.memory_space<hbm>>
      %dma_wait3A_463 = arith.constant 0 : i32
      %dma_wait3A_464 = tpu.memref_slice %arg5[%add3A_346, %dma_wait3A_463] : memref<128x256xf32, #tpu.memory_space<hbm>> -> memref<1x256xf32, #tpu.memory_space<hbm>>
      %dma_wait3A_465 = tpu.memref_squeeze %dma_wait3A_464 : memref<1x256xf32, #tpu.memory_space<hbm>> -> memref<256xf32, #tpu.memory_space<hbm>>
      tpu.wait_dma2 semaphore(%run_scoped3A : memref<!tpu.dma_semaphore, #tpu.memory_space<semaphore_mem>>) src(%arg12 : memref<256xf32, #tpu.memory_space<vmem>>) dst(%dma_wait3A_465 : memref<256xf32, #tpu.memory_space<hbm>>)
      tpu.yield
    }) : () -> ()
    "tpu.region"() ({
      %run_scoped3A = tpu.sem_alloc : memref<!tpu.dma_semaphore, #tpu.memory_space<semaphore_mem>>
      %dma_start3A = arith.constant 0 : i32
      %dma_start3A_456 = tpu.memref_slice %arg6[%add3A_346, %dma_start3A] : memref<128x256xf32, #tpu.memory_space<hbm>> -> memref<1x256xf32, #tpu.memory_space<hbm>>
      %dma_start3A_457 = tpu.memref_squeeze %dma_start3A_456 : memref<1x256xf32, #tpu.memory_space<hbm>> -> memref<256xf32, #tpu.memory_space<hbm>>
      %dma_start3A_458 = arith.constant 0 : i32
      %dma_start3A_459 = tpu.memref_slice %arg6[%add3A_346, %dma_start3A_458] : memref<128x256xf32, #tpu.memory_space<hbm>> -> memref<1x256xf32, #tpu.memory_space<hbm>>
      %dma_start3A_460 = tpu.memref_squeeze %dma_start3A_459 : memref<1x256xf32, #tpu.memory_space<hbm>> -> memref<256xf32, #tpu.memory_space<hbm>>
      tpu.enqueue_dma source(%arg13 : memref<256xf32, #tpu.memory_space<vmem>>) target(%dma_start3A_460 : memref<256xf32, #tpu.memory_space<hbm>>) target_semaphore(%run_scoped3A : memref<!tpu.dma_semaphore, #tpu.memory_space<semaphore_mem>>)
      %dma_wait3A = arith.constant 0 : i32
      %dma_wait3A_461 = tpu.memref_slice %arg6[%add3A_346, %dma_wait3A] : memref<128x256xf32, #tpu.memory_space<hbm>> -> memref<1x256xf32, #tpu.memory_space<hbm>>
      %dma_wait3A_462 = tpu.memref_squeeze %dma_wait3A_461 : memref<1x256xf32, #tpu.memory_space<hbm>> -> memref<256xf32, #tpu.memory_space<hbm>>
      %dma_wait3A_463 = arith.constant 0 : i32
      %dma_wait3A_464 = tpu.memref_slice %arg6[%add3A_346, %dma_wait3A_463] : memref<128x256xf32, #tpu.memory_space<hbm>> -> memref<1x256xf32, #tpu.memory_space<hbm>>
      %dma_wait3A_465 = tpu.memref_squeeze %dma_wait3A_464 : memref<1x256xf32, #tpu.memory_space<hbm>> -> memref<256xf32, #tpu.memory_space<hbm>>
      tpu.wait_dma2 semaphore(%run_scoped3A : memref<!tpu.dma_semaphore, #tpu.memory_space<semaphore_mem>>) src(%arg13 : memref<256xf32, #tpu.memory_space<vmem>>) dst(%dma_wait3A_465 : memref<256xf32, #tpu.memory_space<hbm>>)
      tpu.yield
    }) : () -> ()
    "tpu.region"() ({
      %run_scoped3A = tpu.sem_alloc : memref<!tpu.dma_semaphore, #tpu.memory_space<semaphore_mem>>
      %dma_start3A = arith.constant 0 : i32
      %dma_start3A_456 = tpu.memref_slice %arg7[%add3A_346, %dma_start3A] : memref<128x256xf32, #tpu.memory_space<hbm>> -> memref<1x256xf32, #tpu.memory_space<hbm>>
      %dma_start3A_457 = tpu.memref_squeeze %dma_start3A_456 : memref<1x256xf32, #tpu.memory_space<hbm>> -> memref<256xf32, #tpu.memory_space<hbm>>
      %dma_start3A_458 = arith.constant 0 : i32
      %dma_start3A_459 = tpu.memref_slice %arg7[%add3A_346, %dma_start3A_458] : memref<128x256xf32, #tpu.memory_space<hbm>> -> memref<1x256xf32, #tpu.memory_space<hbm>>
      %dma_start3A_460 = tpu.memref_squeeze %dma_start3A_459 : memref<1x256xf32, #tpu.memory_space<hbm>> -> memref<256xf32, #tpu.memory_space<hbm>>
      tpu.enqueue_dma source(%arg14 : memref<256xf32, #tpu.memory_space<vmem>>) target(%dma_start3A_460 : memref<256xf32, #tpu.memory_space<hbm>>) target_semaphore(%run_scoped3A : memref<!tpu.dma_semaphore, #tpu.memory_space<semaphore_mem>>)
      %dma_wait3A = arith.constant 0 : i32
      %dma_wait3A_461 = tpu.memref_slice %arg7[%add3A_346, %dma_wait3A] : memref<128x256xf32, #tpu.memory_space<hbm>> -> memref<1x256xf32, #tpu.memory_space<hbm>>
      %dma_wait3A_462 = tpu.memref_squeeze %dma_wait3A_461 : memref<1x256xf32, #tpu.memory_space<hbm>> -> memref<256xf32, #tpu.memory_space<hbm>>
      %dma_wait3A_463 = arith.constant 0 : i32
      %dma_wait3A_464 = tpu.memref_slice %arg7[%add3A_346, %dma_wait3A_463] : memref<128x256xf32, #tpu.memory_space<hbm>> -> memref<1x256xf32, #tpu.memory_space<hbm>>
      %dma_wait3A_465 = tpu.memref_squeeze %dma_wait3A_464 : memref<1x256xf32, #tpu.memory_space<hbm>> -> memref<256xf32, #tpu.memory_space<hbm>>
      tpu.wait_dma2 semaphore(%run_scoped3A : memref<!tpu.dma_semaphore, #tpu.memory_space<semaphore_mem>>) src(%arg14 : memref<256xf32, #tpu.memory_space<vmem>>) dst(%dma_wait3A_465 : memref<256xf32, #tpu.memory_space<hbm>>)
      tpu.yield
    }) : () -> ()
    return
  }
}

module attributes {stable_mosaic.version = 14 : i64} {
  func.func @_g_body(%arg0: memref<8x1x64xf32, #tpu.memory_space<vmem>>, %arg1: memref<8x1x64xf32, #tpu.memory_space<vmem>>, %arg2: memref<8x64x64xf32, #tpu.memory_space<vmem>>, %arg3: memref<8x1x64xf32, #tpu.memory_space<vmem>>, %arg4: memref<8x64x64xf32, #tpu.memory_space<vmem>>, %arg5: memref<8x1x64xf32, #tpu.memory_space<vmem>>, %arg6: memref<8x256x256xf32, #tpu.memory_space<vmem>>) attributes {dimension_semantics = [], scalar_prefetch = 0 : i64, scratch_operands = 0 : i64, tpu.core_type = #tpu.core_type<tc>} {
    %iota3A = tpu.iota {dimensions = array<i32: 0>} : vector<256x1xi32>
    %convert_element_type3A = arith.sitofp %iota3A : vector<256x1xi32> to vector<256x1xf32>
    %iota3A_0 = tpu.iota {dimensions = array<i32: 1>} : vector<256x64xi32>
    %eq3A = arith.constant 0 : i32
    %eq3A_1 = vector.broadcast %eq3A : i32 to vector<256x64xi32>
    %eq3A_2 = arith.cmpi eq, %iota3A_0, %eq3A_1 : vector<256x64xi32>
    %get3A = arith.constant 0 : index
    %get3A_3 = arith.constant 0 : index
    %get3A_4 = arith.constant 0 : index
    %get3A_5 = vector.load %arg0[%get3A, %get3A_3, %get3A_4] : memref<8x1x64xf32, #tpu.memory_space<vmem>>, vector<1x1x64xf32>
    %get3A_6 = vector.shape_cast %get3A_5 : vector<1x1x64xf32> to vector<1x64xf32>
    %mul3A = vector.broadcast %convert_element_type3A : vector<256x1xf32> to vector<256x64xf32>
    %mul3A_7 = vector.broadcast %get3A_6 : vector<1x64xf32> to vector<256x64xf32>
    %mul3A_8 = arith.mulf %mul3A, %mul3A_7 : vector<256x64xf32>
    %get3A_9 = arith.constant 0 : index
    %get3A_10 = arith.constant 0 : index
    %get3A_11 = arith.constant 0 : index
    %get3A_12 = vector.load %arg1[%get3A_9, %get3A_10, %get3A_11] : memref<8x1x64xf32, #tpu.memory_space<vmem>>, vector<1x1x64xf32>
    %get3A_13 = vector.shape_cast %get3A_12 : vector<1x1x64xf32> to vector<1x64xf32>
    %add3A = vector.broadcast %get3A_13 : vector<1x64xf32> to vector<256x64xf32>
    %add3A_14 = arith.addf %mul3A_8, %add3A : vector<256x64xf32>
    %sin3A = math.sin %add3A_14 : vector<256x64xf32>
    %select_n3A = arith.select %eq3A_2, %add3A_14, %sin3A : vector<256x64xi1>, vector<256x64xf32>
    %get3A_15 = arith.constant 0 : index
    %get3A_16 = arith.constant 0 : index
    %get3A_17 = arith.constant 0 : index
    %get3A_18 = vector.load %arg2[%get3A_15, %get3A_16, %get3A_17] : memref<8x64x64xf32, #tpu.memory_space<vmem>>, vector<1x64x64xf32>
    %get3A_19 = vector.shape_cast %get3A_18 : vector<1x64x64xf32> to vector<64x64xf32>
    %dot_general3A = arith.constant dense<0.000000e+00> : vector<256x64xf32>
    %dot_general3A_20 = tpu.matmul %select_n3A, %get3A_19, %dot_general3A {dimension_numbers = #tpu.dot_dimension_numbers<[1], [1], [0], [0], [0, 0, 1, 0], [], []>, transpose_lhs_hint = false} : vector<256x64xf32>, vector<64x64xf32>, vector<256x64xf32> -> vector<256x64xf32>
    %get3A_21 = arith.constant 0 : index
    %get3A_22 = arith.constant 0 : index
    %get3A_23 = arith.constant 0 : index
    %get3A_24 = vector.load %arg3[%get3A_21, %get3A_22, %get3A_23] : memref<8x1x64xf32, #tpu.memory_space<vmem>>, vector<1x1x64xf32>
    %get3A_25 = vector.shape_cast %get3A_24 : vector<1x1x64xf32> to vector<1x64xf32>
    %add3A_26 = vector.broadcast %get3A_25 : vector<1x64xf32> to vector<256x64xf32>
    %add3A_27 = arith.addf %dot_general3A_20, %add3A_26 : vector<256x64xf32>
    %get3A_28 = arith.constant 0 : index
    %get3A_29 = arith.constant 0 : index
    %get3A_30 = arith.constant 0 : index
    %get3A_31 = vector.load %arg4[%get3A_28, %get3A_29, %get3A_30] : memref<8x64x64xf32, #tpu.memory_space<vmem>>, vector<1x64x64xf32>
    %get3A_32 = vector.shape_cast %get3A_31 : vector<1x64x64xf32> to vector<64x64xf32>
    %dot_general3A_33 = arith.constant dense<0.000000e+00> : vector<256x64xf32>
    %dot_general3A_34 = tpu.matmul %select_n3A, %get3A_32, %dot_general3A_33 {dimension_numbers = #tpu.dot_dimension_numbers<[1], [1], [0], [0], [0, 0, 1, 0], [], []>, transpose_lhs_hint = false} : vector<256x64xf32>, vector<64x64xf32>, vector<256x64xf32> -> vector<256x64xf32>
    %get3A_35 = arith.constant 0 : index
    %get3A_36 = arith.constant 0 : index
    %get3A_37 = arith.constant 0 : index
    %get3A_38 = vector.load %arg5[%get3A_35, %get3A_36, %get3A_37] : memref<8x1x64xf32, #tpu.memory_space<vmem>>, vector<1x1x64xf32>
    %get3A_39 = vector.shape_cast %get3A_38 : vector<1x1x64xf32> to vector<1x64xf32>
    %add3A_40 = vector.broadcast %get3A_39 : vector<1x64xf32> to vector<256x64xf32>
    %add3A_41 = arith.addf %dot_general3A_34, %add3A_40 : vector<256x64xf32>
    %dot_general3A_42 = arith.constant dense<0.000000e+00> : vector<256x256xf32>
    %dot_general3A_43 = tpu.matmul %add3A_27, %add3A_41, %dot_general3A_42 {dimension_numbers = #tpu.dot_dimension_numbers<[1], [1], [0], [0], [0, 0, 1, 0], [], []>, transpose_lhs_hint = false} : vector<256x64xf32>, vector<256x64xf32>, vector<256x256xf32> -> vector<256x256xf32>
    %mul3A_44 = arith.constant 1.250000e-01 : f32
    %mul3A_45 = vector.broadcast %mul3A_44 : f32 to vector<256x256xf32>
    %mul3A_46 = arith.mulf %dot_general3A_43, %mul3A_45 : vector<256x256xf32>
    %swap3A = arith.constant 0 : index
    %swap3A_47 = arith.constant 0 : index
    %swap3A_48 = arith.constant 0 : index
    %swap3A_49 = vector.load %arg6[%swap3A, %swap3A_47, %swap3A_48] : memref<8x256x256xf32, #tpu.memory_space<vmem>>, vector<1x256x256xf32>
    %swap3A_50 = vector.shape_cast %swap3A_49 : vector<1x256x256xf32> to vector<256x256xf32>
    %swap3A_51 = vector.shape_cast %mul3A_46 : vector<256x256xf32> to vector<1x256x256xf32>
    tpu.vector_store %arg6[%swap3A, %swap3A_47, %swap3A_48], %swap3A_51 {strides = array<i32>} : memref<8x256x256xf32, #tpu.memory_space<vmem>>, vector<1x256x256xf32>,
    %get3A_52 = arith.constant 1 : index
    %get3A_53 = arith.constant 0 : index
    %get3A_54 = arith.constant 0 : index
    %get3A_55 = vector.load %arg0[%get3A_52, %get3A_53, %get3A_54] : memref<8x1x64xf32, #tpu.memory_space<vmem>>, vector<1x1x64xf32>
    %get3A_56 = vector.shape_cast %get3A_55 : vector<1x1x64xf32> to vector<1x64xf32>
    %mul3A_57 = vector.broadcast %convert_element_type3A : vector<256x1xf32> to vector<256x64xf32>
    %mul3A_58 = vector.broadcast %get3A_56 : vector<1x64xf32> to vector<256x64xf32>
    %mul3A_59 = arith.mulf %mul3A_57, %mul3A_58 : vector<256x64xf32>
    %get3A_60 = arith.constant 1 : index
    %get3A_61 = arith.constant 0 : index
    %get3A_62 = arith.constant 0 : index
    %get3A_63 = vector.load %arg1[%get3A_60, %get3A_61, %get3A_62] : memref<8x1x64xf32, #tpu.memory_space<vmem>>, vector<1x1x64xf32>
    %get3A_64 = vector.shape_cast %get3A_63 : vector<1x1x64xf32> to vector<1x64xf32>
    %add3A_65 = vector.broadcast %get3A_64 : vector<1x64xf32> to vector<256x64xf32>
    %add3A_66 = arith.addf %mul3A_59, %add3A_65 : vector<256x64xf32>
    %sin3A_67 = math.sin %add3A_66 : vector<256x64xf32>
    %select_n3A_68 = arith.select %eq3A_2, %add3A_66, %sin3A_67 : vector<256x64xi1>, vector<256x64xf32>
    %get3A_69 = arith.constant 1 : index
    %get3A_70 = arith.constant 0 : index
    %get3A_71 = arith.constant 0 : index
    %get3A_72 = vector.load %arg2[%get3A_69, %get3A_70, %get3A_71] : memref<8x64x64xf32, #tpu.memory_space<vmem>>, vector<1x64x64xf32>
    %get3A_73 = vector.shape_cast %get3A_72 : vector<1x64x64xf32> to vector<64x64xf32>
    %dot_general3A_74 = arith.constant dense<0.000000e+00> : vector<256x64xf32>
    %dot_general3A_75 = tpu.matmul %select_n3A_68, %get3A_73, %dot_general3A_74 {dimension_numbers = #tpu.dot_dimension_numbers<[1], [1], [0], [0], [0, 0, 1, 0], [], []>, transpose_lhs_hint = false} : vector<256x64xf32>, vector<64x64xf32>, vector<256x64xf32> -> vector<256x64xf32>
    %get3A_76 = arith.constant 1 : index
    %get3A_77 = arith.constant 0 : index
    %get3A_78 = arith.constant 0 : index
    %get3A_79 = vector.load %arg3[%get3A_76, %get3A_77, %get3A_78] : memref<8x1x64xf32, #tpu.memory_space<vmem>>, vector<1x1x64xf32>
    %get3A_80 = vector.shape_cast %get3A_79 : vector<1x1x64xf32> to vector<1x64xf32>
    %add3A_81 = vector.broadcast %get3A_80 : vector<1x64xf32> to vector<256x64xf32>
    %add3A_82 = arith.addf %dot_general3A_75, %add3A_81 : vector<256x64xf32>
    %get3A_83 = arith.constant 1 : index
    %get3A_84 = arith.constant 0 : index
    %get3A_85 = arith.constant 0 : index
    %get3A_86 = vector.load %arg4[%get3A_83, %get3A_84, %get3A_85] : memref<8x64x64xf32, #tpu.memory_space<vmem>>, vector<1x64x64xf32>
    %get3A_87 = vector.shape_cast %get3A_86 : vector<1x64x64xf32> to vector<64x64xf32>
    %dot_general3A_88 = arith.constant dense<0.000000e+00> : vector<256x64xf32>
    %dot_general3A_89 = tpu.matmul %select_n3A_68, %get3A_87, %dot_general3A_88 {dimension_numbers = #tpu.dot_dimension_numbers<[1], [1], [0], [0], [0, 0, 1, 0], [], []>, transpose_lhs_hint = false} : vector<256x64xf32>, vector<64x64xf32>, vector<256x64xf32> -> vector<256x64xf32>
    %get3A_90 = arith.constant 1 : index
    %get3A_91 = arith.constant 0 : index
    %get3A_92 = arith.constant 0 : index
    %get3A_93 = vector.load %arg5[%get3A_90, %get3A_91, %get3A_92] : memref<8x1x64xf32, #tpu.memory_space<vmem>>, vector<1x1x64xf32>
    %get3A_94 = vector.shape_cast %get3A_93 : vector<1x1x64xf32> to vector<1x64xf32>
    %add3A_95 = vector.broadcast %get3A_94 : vector<1x64xf32> to vector<256x64xf32>
    %add3A_96 = arith.addf %dot_general3A_89, %add3A_95 : vector<256x64xf32>
    %dot_general3A_97 = arith.constant dense<0.000000e+00> : vector<256x256xf32>
    %dot_general3A_98 = tpu.matmul %add3A_82, %add3A_96, %dot_general3A_97 {dimension_numbers = #tpu.dot_dimension_numbers<[1], [1], [0], [0], [0, 0, 1, 0], [], []>, transpose_lhs_hint = false} : vector<256x64xf32>, vector<256x64xf32>, vector<256x256xf32> -> vector<256x256xf32>
    %mul3A_99 = arith.constant 1.250000e-01 : f32
    %mul3A_100 = vector.broadcast %mul3A_99 : f32 to vector<256x256xf32>
    %mul3A_101 = arith.mulf %dot_general3A_98, %mul3A_100 : vector<256x256xf32>
    %swap3A_102 = arith.constant 1 : index
    %swap3A_103 = arith.constant 0 : index
    %swap3A_104 = arith.constant 0 : index
    %swap3A_105 = vector.load %arg6[%swap3A_102, %swap3A_103, %swap3A_104] : memref<8x256x256xf32, #tpu.memory_space<vmem>>, vector<1x256x256xf32>
    %swap3A_106 = vector.shape_cast %swap3A_105 : vector<1x256x256xf32> to vector<256x256xf32>
    %swap3A_107 = vector.shape_cast %mul3A_101 : vector<256x256xf32> to vector<1x256x256xf32>
    tpu.vector_store %arg6[%swap3A_102, %swap3A_103, %swap3A_104], %swap3A_107 {strides = array<i32>} : memref<8x256x256xf32, #tpu.memory_space<vmem>>, vector<1x256x256xf32>,
    %get3A_108 = arith.constant 2 : index
    %get3A_109 = arith.constant 0 : index
    %get3A_110 = arith.constant 0 : index
    %get3A_111 = vector.load %arg0[%get3A_108, %get3A_109, %get3A_110] : memref<8x1x64xf32, #tpu.memory_space<vmem>>, vector<1x1x64xf32>
    %get3A_112 = vector.shape_cast %get3A_111 : vector<1x1x64xf32> to vector<1x64xf32>
    %mul3A_113 = vector.broadcast %convert_element_type3A : vector<256x1xf32> to vector<256x64xf32>
    %mul3A_114 = vector.broadcast %get3A_112 : vector<1x64xf32> to vector<256x64xf32>
    %mul3A_115 = arith.mulf %mul3A_113, %mul3A_114 : vector<256x64xf32>
    %get3A_116 = arith.constant 2 : index
    %get3A_117 = arith.constant 0 : index
    %get3A_118 = arith.constant 0 : index
    %get3A_119 = vector.load %arg1[%get3A_116, %get3A_117, %get3A_118] : memref<8x1x64xf32, #tpu.memory_space<vmem>>, vector<1x1x64xf32>
    %get3A_120 = vector.shape_cast %get3A_119 : vector<1x1x64xf32> to vector<1x64xf32>
    %add3A_121 = vector.broadcast %get3A_120 : vector<1x64xf32> to vector<256x64xf32>
    %add3A_122 = arith.addf %mul3A_115, %add3A_121 : vector<256x64xf32>
    %sin3A_123 = math.sin %add3A_122 : vector<256x64xf32>
    %select_n3A_124 = arith.select %eq3A_2, %add3A_122, %sin3A_123 : vector<256x64xi1>, vector<256x64xf32>
    %get3A_125 = arith.constant 2 : index
    %get3A_126 = arith.constant 0 : index
    %get3A_127 = arith.constant 0 : index
    %get3A_128 = vector.load %arg2[%get3A_125, %get3A_126, %get3A_127] : memref<8x64x64xf32, #tpu.memory_space<vmem>>, vector<1x64x64xf32>
    %get3A_129 = vector.shape_cast %get3A_128 : vector<1x64x64xf32> to vector<64x64xf32>
    %dot_general3A_130 = arith.constant dense<0.000000e+00> : vector<256x64xf32>
    %dot_general3A_131 = tpu.matmul %select_n3A_124, %get3A_129, %dot_general3A_130 {dimension_numbers = #tpu.dot_dimension_numbers<[1], [1], [0], [0], [0, 0, 1, 0], [], []>, transpose_lhs_hint = false} : vector<256x64xf32>, vector<64x64xf32>, vector<256x64xf32> -> vector<256x64xf32>
    %get3A_132 = arith.constant 2 : index
    %get3A_133 = arith.constant 0 : index
    %get3A_134 = arith.constant 0 : index
    %get3A_135 = vector.load %arg3[%get3A_132, %get3A_133, %get3A_134] : memref<8x1x64xf32, #tpu.memory_space<vmem>>, vector<1x1x64xf32>
    %get3A_136 = vector.shape_cast %get3A_135 : vector<1x1x64xf32> to vector<1x64xf32>
    %add3A_137 = vector.broadcast %get3A_136 : vector<1x64xf32> to vector<256x64xf32>
    %add3A_138 = arith.addf %dot_general3A_131, %add3A_137 : vector<256x64xf32>
    %get3A_139 = arith.constant 2 : index
    %get3A_140 = arith.constant 0 : index
    %get3A_141 = arith.constant 0 : index
    %get3A_142 = vector.load %arg4[%get3A_139, %get3A_140, %get3A_141] : memref<8x64x64xf32, #tpu.memory_space<vmem>>, vector<1x64x64xf32>
    %get3A_143 = vector.shape_cast %get3A_142 : vector<1x64x64xf32> to vector<64x64xf32>
    %dot_general3A_144 = arith.constant dense<0.000000e+00> : vector<256x64xf32>
    %dot_general3A_145 = tpu.matmul %select_n3A_124, %get3A_143, %dot_general3A_144 {dimension_numbers = #tpu.dot_dimension_numbers<[1], [1], [0], [0], [0, 0, 1, 0], [], []>, transpose_lhs_hint = false} : vector<256x64xf32>, vector<64x64xf32>, vector<256x64xf32> -> vector<256x64xf32>
    %get3A_146 = arith.constant 2 : index
    %get3A_147 = arith.constant 0 : index
    %get3A_148 = arith.constant 0 : index
    %get3A_149 = vector.load %arg5[%get3A_146, %get3A_147, %get3A_148] : memref<8x1x64xf32, #tpu.memory_space<vmem>>, vector<1x1x64xf32>
    %get3A_150 = vector.shape_cast %get3A_149 : vector<1x1x64xf32> to vector<1x64xf32>
    %add3A_151 = vector.broadcast %get3A_150 : vector<1x64xf32> to vector<256x64xf32>
    %add3A_152 = arith.addf %dot_general3A_145, %add3A_151 : vector<256x64xf32>
    %dot_general3A_153 = arith.constant dense<0.000000e+00> : vector<256x256xf32>
    %dot_general3A_154 = tpu.matmul %add3A_138, %add3A_152, %dot_general3A_153 {dimension_numbers = #tpu.dot_dimension_numbers<[1], [1], [0], [0], [0, 0, 1, 0], [], []>, transpose_lhs_hint = false} : vector<256x64xf32>, vector<256x64xf32>, vector<256x256xf32> -> vector<256x256xf32>
    %mul3A_155 = arith.constant 1.250000e-01 : f32
    %mul3A_156 = vector.broadcast %mul3A_155 : f32 to vector<256x256xf32>
    %mul3A_157 = arith.mulf %dot_general3A_154, %mul3A_156 : vector<256x256xf32>
    %swap3A_158 = arith.constant 2 : index
    %swap3A_159 = arith.constant 0 : index
    %swap3A_160 = arith.constant 0 : index
    %swap3A_161 = vector.load %arg6[%swap3A_158, %swap3A_159, %swap3A_160] : memref<8x256x256xf32, #tpu.memory_space<vmem>>, vector<1x256x256xf32>
    %swap3A_162 = vector.shape_cast %swap3A_161 : vector<1x256x256xf32> to vector<256x256xf32>
    %swap3A_163 = vector.shape_cast %mul3A_157 : vector<256x256xf32> to vector<1x256x256xf32>
    tpu.vector_store %arg6[%swap3A_158, %swap3A_159, %swap3A_160], %swap3A_163 {strides = array<i32>} : memref<8x256x256xf32, #tpu.memory_space<vmem>>, vector<1x256x256xf32>,
    %get3A_164 = arith.constant 3 : index
    %get3A_165 = arith.constant 0 : index
    %get3A_166 = arith.constant 0 : index
    %get3A_167 = vector.load %arg0[%get3A_164, %get3A_165, %get3A_166] : memref<8x1x64xf32, #tpu.memory_space<vmem>>, vector<1x1x64xf32>
    %get3A_168 = vector.shape_cast %get3A_167 : vector<1x1x64xf32> to vector<1x64xf32>
    %mul3A_169 = vector.broadcast %convert_element_type3A : vector<256x1xf32> to vector<256x64xf32>
    %mul3A_170 = vector.broadcast %get3A_168 : vector<1x64xf32> to vector<256x64xf32>
    %mul3A_171 = arith.mulf %mul3A_169, %mul3A_170 : vector<256x64xf32>
    %get3A_172 = arith.constant 3 : index
    %get3A_173 = arith.constant 0 : index
    %get3A_174 = arith.constant 0 : index
    %get3A_175 = vector.load %arg1[%get3A_172, %get3A_173, %get3A_174] : memref<8x1x64xf32, #tpu.memory_space<vmem>>, vector<1x1x64xf32>
    %get3A_176 = vector.shape_cast %get3A_175 : vector<1x1x64xf32> to vector<1x64xf32>
    %add3A_177 = vector.broadcast %get3A_176 : vector<1x64xf32> to vector<256x64xf32>
    %add3A_178 = arith.addf %mul3A_171, %add3A_177 : vector<256x64xf32>
    %sin3A_179 = math.sin %add3A_178 : vector<256x64xf32>
    %select_n3A_180 = arith.select %eq3A_2, %add3A_178, %sin3A_179 : vector<256x64xi1>, vector<256x64xf32>
    %get3A_181 = arith.constant 3 : index
    %get3A_182 = arith.constant 0 : index
    %get3A_183 = arith.constant 0 : index
    %get3A_184 = vector.load %arg2[%get3A_181, %get3A_182, %get3A_183] : memref<8x64x64xf32, #tpu.memory_space<vmem>>, vector<1x64x64xf32>
    %get3A_185 = vector.shape_cast %get3A_184 : vector<1x64x64xf32> to vector<64x64xf32>
    %dot_general3A_186 = arith.constant dense<0.000000e+00> : vector<256x64xf32>
    %dot_general3A_187 = tpu.matmul %select_n3A_180, %get3A_185, %dot_general3A_186 {dimension_numbers = #tpu.dot_dimension_numbers<[1], [1], [0], [0], [0, 0, 1, 0], [], []>, transpose_lhs_hint = false} : vector<256x64xf32>, vector<64x64xf32>, vector<256x64xf32> -> vector<256x64xf32>
    %get3A_188 = arith.constant 3 : index
    %get3A_189 = arith.constant 0 : index
    %get3A_190 = arith.constant 0 : index
    %get3A_191 = vector.load %arg3[%get3A_188, %get3A_189, %get3A_190] : memref<8x1x64xf32, #tpu.memory_space<vmem>>, vector<1x1x64xf32>
    %get3A_192 = vector.shape_cast %get3A_191 : vector<1x1x64xf32> to vector<1x64xf32>
    %add3A_193 = vector.broadcast %get3A_192 : vector<1x64xf32> to vector<256x64xf32>
    %add3A_194 = arith.addf %dot_general3A_187, %add3A_193 : vector<256x64xf32>
    %get3A_195 = arith.constant 3 : index
    %get3A_196 = arith.constant 0 : index
    %get3A_197 = arith.constant 0 : index
    %get3A_198 = vector.load %arg4[%get3A_195, %get3A_196, %get3A_197] : memref<8x64x64xf32, #tpu.memory_space<vmem>>, vector<1x64x64xf32>
    %get3A_199 = vector.shape_cast %get3A_198 : vector<1x64x64xf32> to vector<64x64xf32>
    %dot_general3A_200 = arith.constant dense<0.000000e+00> : vector<256x64xf32>
    %dot_general3A_201 = tpu.matmul %select_n3A_180, %get3A_199, %dot_general3A_200 {dimension_numbers = #tpu.dot_dimension_numbers<[1], [1], [0], [0], [0, 0, 1, 0], [], []>, transpose_lhs_hint = false} : vector<256x64xf32>, vector<64x64xf32>, vector<256x64xf32> -> vector<256x64xf32>
    %get3A_202 = arith.constant 3 : index
    %get3A_203 = arith.constant 0 : index
    %get3A_204 = arith.constant 0 : index
    %get3A_205 = vector.load %arg5[%get3A_202, %get3A_203, %get3A_204] : memref<8x1x64xf32, #tpu.memory_space<vmem>>, vector<1x1x64xf32>
    %get3A_206 = vector.shape_cast %get3A_205 : vector<1x1x64xf32> to vector<1x64xf32>
    %add3A_207 = vector.broadcast %get3A_206 : vector<1x64xf32> to vector<256x64xf32>
    %add3A_208 = arith.addf %dot_general3A_201, %add3A_207 : vector<256x64xf32>
    %dot_general3A_209 = arith.constant dense<0.000000e+00> : vector<256x256xf32>
    %dot_general3A_210 = tpu.matmul %add3A_194, %add3A_208, %dot_general3A_209 {dimension_numbers = #tpu.dot_dimension_numbers<[1], [1], [0], [0], [0, 0, 1, 0], [], []>, transpose_lhs_hint = false} : vector<256x64xf32>, vector<256x64xf32>, vector<256x256xf32> -> vector<256x256xf32>
    %mul3A_211 = arith.constant 1.250000e-01 : f32
    %mul3A_212 = vector.broadcast %mul3A_211 : f32 to vector<256x256xf32>
    %mul3A_213 = arith.mulf %dot_general3A_210, %mul3A_212 : vector<256x256xf32>
    %swap3A_214 = arith.constant 3 : index
    %swap3A_215 = arith.constant 0 : index
    %swap3A_216 = arith.constant 0 : index
    %swap3A_217 = vector.load %arg6[%swap3A_214, %swap3A_215, %swap3A_216] : memref<8x256x256xf32, #tpu.memory_space<vmem>>, vector<1x256x256xf32>
    %swap3A_218 = vector.shape_cast %swap3A_217 : vector<1x256x256xf32> to vector<256x256xf32>
    %swap3A_219 = vector.shape_cast %mul3A_213 : vector<256x256xf32> to vector<1x256x256xf32>
    tpu.vector_store %arg6[%swap3A_214, %swap3A_215, %swap3A_216], %swap3A_219 {strides = array<i32>} : memref<8x256x256xf32, #tpu.memory_space<vmem>>, vector<1x256x256xf32>,
    %get3A_220 = arith.constant 4 : index
    %get3A_221 = arith.constant 0 : index
    %get3A_222 = arith.constant 0 : index
    %get3A_223 = vector.load %arg0[%get3A_220, %get3A_221, %get3A_222] : memref<8x1x64xf32, #tpu.memory_space<vmem>>, vector<1x1x64xf32>
    %get3A_224 = vector.shape_cast %get3A_223 : vector<1x1x64xf32> to vector<1x64xf32>
    %mul3A_225 = vector.broadcast %convert_element_type3A : vector<256x1xf32> to vector<256x64xf32>
    %mul3A_226 = vector.broadcast %get3A_224 : vector<1x64xf32> to vector<256x64xf32>
    %mul3A_227 = arith.mulf %mul3A_225, %mul3A_226 : vector<256x64xf32>
    %get3A_228 = arith.constant 4 : index
    %get3A_229 = arith.constant 0 : index
    %get3A_230 = arith.constant 0 : index
    %get3A_231 = vector.load %arg1[%get3A_228, %get3A_229, %get3A_230] : memref<8x1x64xf32, #tpu.memory_space<vmem>>, vector<1x1x64xf32>
    %get3A_232 = vector.shape_cast %get3A_231 : vector<1x1x64xf32> to vector<1x64xf32>
    %add3A_233 = vector.broadcast %get3A_232 : vector<1x64xf32> to vector<256x64xf32>
    %add3A_234 = arith.addf %mul3A_227, %add3A_233 : vector<256x64xf32>
    %sin3A_235 = math.sin %add3A_234 : vector<256x64xf32>
    %select_n3A_236 = arith.select %eq3A_2, %add3A_234, %sin3A_235 : vector<256x64xi1>, vector<256x64xf32>
    %get3A_237 = arith.constant 4 : index
    %get3A_238 = arith.constant 0 : index
    %get3A_239 = arith.constant 0 : index
    %get3A_240 = vector.load %arg2[%get3A_237, %get3A_238, %get3A_239] : memref<8x64x64xf32, #tpu.memory_space<vmem>>, vector<1x64x64xf32>
    %get3A_241 = vector.shape_cast %get3A_240 : vector<1x64x64xf32> to vector<64x64xf32>
    %dot_general3A_242 = arith.constant dense<0.000000e+00> : vector<256x64xf32>
    %dot_general3A_243 = tpu.matmul %select_n3A_236, %get3A_241, %dot_general3A_242 {dimension_numbers = #tpu.dot_dimension_numbers<[1], [1], [0], [0], [0, 0, 1, 0], [], []>, transpose_lhs_hint = false} : vector<256x64xf32>, vector<64x64xf32>, vector<256x64xf32> -> vector<256x64xf32>
    %get3A_244 = arith.constant 4 : index
    %get3A_245 = arith.constant 0 : index
    %get3A_246 = arith.constant 0 : index
    %get3A_247 = vector.load %arg3[%get3A_244, %get3A_245, %get3A_246] : memref<8x1x64xf32, #tpu.memory_space<vmem>>, vector<1x1x64xf32>
    %get3A_248 = vector.shape_cast %get3A_247 : vector<1x1x64xf32> to vector<1x64xf32>
    %add3A_249 = vector.broadcast %get3A_248 : vector<1x64xf32> to vector<256x64xf32>
    %add3A_250 = arith.addf %dot_general3A_243, %add3A_249 : vector<256x64xf32>
    %get3A_251 = arith.constant 4 : index
    %get3A_252 = arith.constant 0 : index
    %get3A_253 = arith.constant 0 : index
    %get3A_254 = vector.load %arg4[%get3A_251, %get3A_252, %get3A_253] : memref<8x64x64xf32, #tpu.memory_space<vmem>>, vector<1x64x64xf32>
    %get3A_255 = vector.shape_cast %get3A_254 : vector<1x64x64xf32> to vector<64x64xf32>
    %dot_general3A_256 = arith.constant dense<0.000000e+00> : vector<256x64xf32>
    %dot_general3A_257 = tpu.matmul %select_n3A_236, %get3A_255, %dot_general3A_256 {dimension_numbers = #tpu.dot_dimension_numbers<[1], [1], [0], [0], [0, 0, 1, 0], [], []>, transpose_lhs_hint = false} : vector<256x64xf32>, vector<64x64xf32>, vector<256x64xf32> -> vector<256x64xf32>
    %get3A_258 = arith.constant 4 : index
    %get3A_259 = arith.constant 0 : index
    %get3A_260 = arith.constant 0 : index
    %get3A_261 = vector.load %arg5[%get3A_258, %get3A_259, %get3A_260] : memref<8x1x64xf32, #tpu.memory_space<vmem>>, vector<1x1x64xf32>
    %get3A_262 = vector.shape_cast %get3A_261 : vector<1x1x64xf32> to vector<1x64xf32>
    %add3A_263 = vector.broadcast %get3A_262 : vector<1x64xf32> to vector<256x64xf32>
    %add3A_264 = arith.addf %dot_general3A_257, %add3A_263 : vector<256x64xf32>
    %dot_general3A_265 = arith.constant dense<0.000000e+00> : vector<256x256xf32>
    %dot_general3A_266 = tpu.matmul %add3A_250, %add3A_264, %dot_general3A_265 {dimension_numbers = #tpu.dot_dimension_numbers<[1], [1], [0], [0], [0, 0, 1, 0], [], []>, transpose_lhs_hint = false} : vector<256x64xf32>, vector<256x64xf32>, vector<256x256xf32> -> vector<256x256xf32>
    %mul3A_267 = arith.constant 1.250000e-01 : f32
    %mul3A_268 = vector.broadcast %mul3A_267 : f32 to vector<256x256xf32>
    %mul3A_269 = arith.mulf %dot_general3A_266, %mul3A_268 : vector<256x256xf32>
    %swap3A_270 = arith.constant 4 : index
    %swap3A_271 = arith.constant 0 : index
    %swap3A_272 = arith.constant 0 : index
    %swap3A_273 = vector.load %arg6[%swap3A_270, %swap3A_271, %swap3A_272] : memref<8x256x256xf32, #tpu.memory_space<vmem>>, vector<1x256x256xf32>
    %swap3A_274 = vector.shape_cast %swap3A_273 : vector<1x256x256xf32> to vector<256x256xf32>
    %swap3A_275 = vector.shape_cast %mul3A_269 : vector<256x256xf32> to vector<1x256x256xf32>
    tpu.vector_store %arg6[%swap3A_270, %swap3A_271, %swap3A_272], %swap3A_275 {strides = array<i32>} : memref<8x256x256xf32, #tpu.memory_space<vmem>>, vector<1x256x256xf32>,
    %get3A_276 = arith.constant 5 : index
    %get3A_277 = arith.constant 0 : index
    %get3A_278 = arith.constant 0 : index
    %get3A_279 = vector.load %arg0[%get3A_276, %get3A_277, %get3A_278] : memref<8x1x64xf32, #tpu.memory_space<vmem>>, vector<1x1x64xf32>
    %get3A_280 = vector.shape_cast %get3A_279 : vector<1x1x64xf32> to vector<1x64xf32>
    %mul3A_281 = vector.broadcast %convert_element_type3A : vector<256x1xf32> to vector<256x64xf32>
    %mul3A_282 = vector.broadcast %get3A_280 : vector<1x64xf32> to vector<256x64xf32>
    %mul3A_283 = arith.mulf %mul3A_281, %mul3A_282 : vector<256x64xf32>
    %get3A_284 = arith.constant 5 : index
    %get3A_285 = arith.constant 0 : index
    %get3A_286 = arith.constant 0 : index
    %get3A_287 = vector.load %arg1[%get3A_284, %get3A_285, %get3A_286] : memref<8x1x64xf32, #tpu.memory_space<vmem>>, vector<1x1x64xf32>
    %get3A_288 = vector.shape_cast %get3A_287 : vector<1x1x64xf32> to vector<1x64xf32>
    %add3A_289 = vector.broadcast %get3A_288 : vector<1x64xf32> to vector<256x64xf32>
    %add3A_290 = arith.addf %mul3A_283, %add3A_289 : vector<256x64xf32>
    %sin3A_291 = math.sin %add3A_290 : vector<256x64xf32>
    %select_n3A_292 = arith.select %eq3A_2, %add3A_290, %sin3A_291 : vector<256x64xi1>, vector<256x64xf32>
    %get3A_293 = arith.constant 5 : index
    %get3A_294 = arith.constant 0 : index
    %get3A_295 = arith.constant 0 : index
    %get3A_296 = vector.load %arg2[%get3A_293, %get3A_294, %get3A_295] : memref<8x64x64xf32, #tpu.memory_space<vmem>>, vector<1x64x64xf32>
    %get3A_297 = vector.shape_cast %get3A_296 : vector<1x64x64xf32> to vector<64x64xf32>
    %dot_general3A_298 = arith.constant dense<0.000000e+00> : vector<256x64xf32>
    %dot_general3A_299 = tpu.matmul %select_n3A_292, %get3A_297, %dot_general3A_298 {dimension_numbers = #tpu.dot_dimension_numbers<[1], [1], [0], [0], [0, 0, 1, 0], [], []>, transpose_lhs_hint = false} : vector<256x64xf32>, vector<64x64xf32>, vector<256x64xf32> -> vector<256x64xf32>
    %get3A_300 = arith.constant 5 : index
    %get3A_301 = arith.constant 0 : index
    %get3A_302 = arith.constant 0 : index
    %get3A_303 = vector.load %arg3[%get3A_300, %get3A_301, %get3A_302] : memref<8x1x64xf32, #tpu.memory_space<vmem>>, vector<1x1x64xf32>
    %get3A_304 = vector.shape_cast %get3A_303 : vector<1x1x64xf32> to vector<1x64xf32>
    %add3A_305 = vector.broadcast %get3A_304 : vector<1x64xf32> to vector<256x64xf32>
    %add3A_306 = arith.addf %dot_general3A_299, %add3A_305 : vector<256x64xf32>
    %get3A_307 = arith.constant 5 : index
    %get3A_308 = arith.constant 0 : index
    %get3A_309 = arith.constant 0 : index
    %get3A_310 = vector.load %arg4[%get3A_307, %get3A_308, %get3A_309] : memref<8x64x64xf32, #tpu.memory_space<vmem>>, vector<1x64x64xf32>
    %get3A_311 = vector.shape_cast %get3A_310 : vector<1x64x64xf32> to vector<64x64xf32>
    %dot_general3A_312 = arith.constant dense<0.000000e+00> : vector<256x64xf32>
    %dot_general3A_313 = tpu.matmul %select_n3A_292, %get3A_311, %dot_general3A_312 {dimension_numbers = #tpu.dot_dimension_numbers<[1], [1], [0], [0], [0, 0, 1, 0], [], []>, transpose_lhs_hint = false} : vector<256x64xf32>, vector<64x64xf32>, vector<256x64xf32> -> vector<256x64xf32>
    %get3A_314 = arith.constant 5 : index
    %get3A_315 = arith.constant 0 : index
    %get3A_316 = arith.constant 0 : index
    %get3A_317 = vector.load %arg5[%get3A_314, %get3A_315, %get3A_316] : memref<8x1x64xf32, #tpu.memory_space<vmem>>, vector<1x1x64xf32>
    %get3A_318 = vector.shape_cast %get3A_317 : vector<1x1x64xf32> to vector<1x64xf32>
    %add3A_319 = vector.broadcast %get3A_318 : vector<1x64xf32> to vector<256x64xf32>
    %add3A_320 = arith.addf %dot_general3A_313, %add3A_319 : vector<256x64xf32>
    %dot_general3A_321 = arith.constant dense<0.000000e+00> : vector<256x256xf32>
    %dot_general3A_322 = tpu.matmul %add3A_306, %add3A_320, %dot_general3A_321 {dimension_numbers = #tpu.dot_dimension_numbers<[1], [1], [0], [0], [0, 0, 1, 0], [], []>, transpose_lhs_hint = false} : vector<256x64xf32>, vector<256x64xf32>, vector<256x256xf32> -> vector<256x256xf32>
    %mul3A_323 = arith.constant 1.250000e-01 : f32
    %mul3A_324 = vector.broadcast %mul3A_323 : f32 to vector<256x256xf32>
    %mul3A_325 = arith.mulf %dot_general3A_322, %mul3A_324 : vector<256x256xf32>
    %swap3A_326 = arith.constant 5 : index
    %swap3A_327 = arith.constant 0 : index
    %swap3A_328 = arith.constant 0 : index
    %swap3A_329 = vector.load %arg6[%swap3A_326, %swap3A_327, %swap3A_328] : memref<8x256x256xf32, #tpu.memory_space<vmem>>, vector<1x256x256xf32>
    %swap3A_330 = vector.shape_cast %swap3A_329 : vector<1x256x256xf32> to vector<256x256xf32>
    %swap3A_331 = vector.shape_cast %mul3A_325 : vector<256x256xf32> to vector<1x256x256xf32>
    tpu.vector_store %arg6[%swap3A_326, %swap3A_327, %swap3A_328], %swap3A_331 {strides = array<i32>} : memref<8x256x256xf32, #tpu.memory_space<vmem>>, vector<1x256x256xf32>,
    %get3A_332 = arith.constant 6 : index
    %get3A_333 = arith.constant 0 : index
    %get3A_334 = arith.constant 0 : index
    %get3A_335 = vector.load %arg0[%get3A_332, %get3A_333, %get3A_334] : memref<8x1x64xf32, #tpu.memory_space<vmem>>, vector<1x1x64xf32>
    %get3A_336 = vector.shape_cast %get3A_335 : vector<1x1x64xf32> to vector<1x64xf32>
    %mul3A_337 = vector.broadcast %convert_element_type3A : vector<256x1xf32> to vector<256x64xf32>
    %mul3A_338 = vector.broadcast %get3A_336 : vector<1x64xf32> to vector<256x64xf32>
    %mul3A_339 = arith.mulf %mul3A_337, %mul3A_338 : vector<256x64xf32>
    %get3A_340 = arith.constant 6 : index
    %get3A_341 = arith.constant 0 : index
    %get3A_342 = arith.constant 0 : index
    %get3A_343 = vector.load %arg1[%get3A_340, %get3A_341, %get3A_342] : memref<8x1x64xf32, #tpu.memory_space<vmem>>, vector<1x1x64xf32>
    %get3A_344 = vector.shape_cast %get3A_343 : vector<1x1x64xf32> to vector<1x64xf32>
    %add3A_345 = vector.broadcast %get3A_344 : vector<1x64xf32> to vector<256x64xf32>
    %add3A_346 = arith.addf %mul3A_339, %add3A_345 : vector<256x64xf32>
    %sin3A_347 = math.sin %add3A_346 : vector<256x64xf32>
    %select_n3A_348 = arith.select %eq3A_2, %add3A_346, %sin3A_347 : vector<256x64xi1>, vector<256x64xf32>
    %get3A_349 = arith.constant 6 : index
    %get3A_350 = arith.constant 0 : index
    %get3A_351 = arith.constant 0 : index
    %get3A_352 = vector.load %arg2[%get3A_349, %get3A_350, %get3A_351] : memref<8x64x64xf32, #tpu.memory_space<vmem>>, vector<1x64x64xf32>
    %get3A_353 = vector.shape_cast %get3A_352 : vector<1x64x64xf32> to vector<64x64xf32>
    %dot_general3A_354 = arith.constant dense<0.000000e+00> : vector<256x64xf32>
    %dot_general3A_355 = tpu.matmul %select_n3A_348, %get3A_353, %dot_general3A_354 {dimension_numbers = #tpu.dot_dimension_numbers<[1], [1], [0], [0], [0, 0, 1, 0], [], []>, transpose_lhs_hint = false} : vector<256x64xf32>, vector<64x64xf32>, vector<256x64xf32> -> vector<256x64xf32>
    %get3A_356 = arith.constant 6 : index
    %get3A_357 = arith.constant 0 : index
    %get3A_358 = arith.constant 0 : index
    %get3A_359 = vector.load %arg3[%get3A_356, %get3A_357, %get3A_358] : memref<8x1x64xf32, #tpu.memory_space<vmem>>, vector<1x1x64xf32>
    %get3A_360 = vector.shape_cast %get3A_359 : vector<1x1x64xf32> to vector<1x64xf32>
    %add3A_361 = vector.broadcast %get3A_360 : vector<1x64xf32> to vector<256x64xf32>
    %add3A_362 = arith.addf %dot_general3A_355, %add3A_361 : vector<256x64xf32>
    %get3A_363 = arith.constant 6 : index
    %get3A_364 = arith.constant 0 : index
    %get3A_365 = arith.constant 0 : index
    %get3A_366 = vector.load %arg4[%get3A_363, %get3A_364, %get3A_365] : memref<8x64x64xf32, #tpu.memory_space<vmem>>, vector<1x64x64xf32>
    %get3A_367 = vector.shape_cast %get3A_366 : vector<1x64x64xf32> to vector<64x64xf32>
    %dot_general3A_368 = arith.constant dense<0.000000e+00> : vector<256x64xf32>
    %dot_general3A_369 = tpu.matmul %select_n3A_348, %get3A_367, %dot_general3A_368 {dimension_numbers = #tpu.dot_dimension_numbers<[1], [1], [0], [0], [0, 0, 1, 0], [], []>, transpose_lhs_hint = false} : vector<256x64xf32>, vector<64x64xf32>, vector<256x64xf32> -> vector<256x64xf32>
    %get3A_370 = arith.constant 6 : index
    %get3A_371 = arith.constant 0 : index
    %get3A_372 = arith.constant 0 : index
    %get3A_373 = vector.load %arg5[%get3A_370, %get3A_371, %get3A_372] : memref<8x1x64xf32, #tpu.memory_space<vmem>>, vector<1x1x64xf32>
    %get3A_374 = vector.shape_cast %get3A_373 : vector<1x1x64xf32> to vector<1x64xf32>
    %add3A_375 = vector.broadcast %get3A_374 : vector<1x64xf32> to vector<256x64xf32>
    %add3A_376 = arith.addf %dot_general3A_369, %add3A_375 : vector<256x64xf32>
    %dot_general3A_377 = arith.constant dense<0.000000e+00> : vector<256x256xf32>
    %dot_general3A_378 = tpu.matmul %add3A_362, %add3A_376, %dot_general3A_377 {dimension_numbers = #tpu.dot_dimension_numbers<[1], [1], [0], [0], [0, 0, 1, 0], [], []>, transpose_lhs_hint = false} : vector<256x64xf32>, vector<256x64xf32>, vector<256x256xf32> -> vector<256x256xf32>
    %mul3A_379 = arith.constant 1.250000e-01 : f32
    %mul3A_380 = vector.broadcast %mul3A_379 : f32 to vector<256x256xf32>
    %mul3A_381 = arith.mulf %dot_general3A_378, %mul3A_380 : vector<256x256xf32>
    %swap3A_382 = arith.constant 6 : index
    %swap3A_383 = arith.constant 0 : index
    %swap3A_384 = arith.constant 0 : index
    %swap3A_385 = vector.load %arg6[%swap3A_382, %swap3A_383, %swap3A_384] : memref<8x256x256xf32, #tpu.memory_space<vmem>>, vector<1x256x256xf32>
    %swap3A_386 = vector.shape_cast %swap3A_385 : vector<1x256x256xf32> to vector<256x256xf32>
    %swap3A_387 = vector.shape_cast %mul3A_381 : vector<256x256xf32> to vector<1x256x256xf32>
    tpu.vector_store %arg6[%swap3A_382, %swap3A_383, %swap3A_384], %swap3A_387 {strides = array<i32>} : memref<8x256x256xf32, #tpu.memory_space<vmem>>, vector<1x256x256xf32>,
    %get3A_388 = arith.constant 7 : index
    %get3A_389 = arith.constant 0 : index
    %get3A_390 = arith.constant 0 : index
    %get3A_391 = vector.load %arg0[%get3A_388, %get3A_389, %get3A_390] : memref<8x1x64xf32, #tpu.memory_space<vmem>>, vector<1x1x64xf32>
    %get3A_392 = vector.shape_cast %get3A_391 : vector<1x1x64xf32> to vector<1x64xf32>
    %mul3A_393 = vector.broadcast %convert_element_type3A : vector<256x1xf32> to vector<256x64xf32>
    %mul3A_394 = vector.broadcast %get3A_392 : vector<1x64xf32> to vector<256x64xf32>
    %mul3A_395 = arith.mulf %mul3A_393, %mul3A_394 : vector<256x64xf32>
    %get3A_396 = arith.constant 7 : index
    %get3A_397 = arith.constant 0 : index
    %get3A_398 = arith.constant 0 : index
    %get3A_399 = vector.load %arg1[%get3A_396, %get3A_397, %get3A_398] : memref<8x1x64xf32, #tpu.memory_space<vmem>>, vector<1x1x64xf32>
    %get3A_400 = vector.shape_cast %get3A_399 : vector<1x1x64xf32> to vector<1x64xf32>
    %add3A_401 = vector.broadcast %get3A_400 : vector<1x64xf32> to vector<256x64xf32>
    %add3A_402 = arith.addf %mul3A_395, %add3A_401 : vector<256x64xf32>
    %sin3A_403 = math.sin %add3A_402 : vector<256x64xf32>
    %select_n3A_404 = arith.select %eq3A_2, %add3A_402, %sin3A_403 : vector<256x64xi1>, vector<256x64xf32>
    %get3A_405 = arith.constant 7 : index
    %get3A_406 = arith.constant 0 : index
    %get3A_407 = arith.constant 0 : index
    %get3A_408 = vector.load %arg2[%get3A_405, %get3A_406, %get3A_407] : memref<8x64x64xf32, #tpu.memory_space<vmem>>, vector<1x64x64xf32>
    %get3A_409 = vector.shape_cast %get3A_408 : vector<1x64x64xf32> to vector<64x64xf32>
    %dot_general3A_410 = arith.constant dense<0.000000e+00> : vector<256x64xf32>
    %dot_general3A_411 = tpu.matmul %select_n3A_404, %get3A_409, %dot_general3A_410 {dimension_numbers = #tpu.dot_dimension_numbers<[1], [1], [0], [0], [0, 0, 1, 0], [], []>, transpose_lhs_hint = false} : vector<256x64xf32>, vector<64x64xf32>, vector<256x64xf32> -> vector<256x64xf32>
    %get3A_412 = arith.constant 7 : index
    %get3A_413 = arith.constant 0 : index
    %get3A_414 = arith.constant 0 : index
    %get3A_415 = vector.load %arg3[%get3A_412, %get3A_413, %get3A_414] : memref<8x1x64xf32, #tpu.memory_space<vmem>>, vector<1x1x64xf32>
    %get3A_416 = vector.shape_cast %get3A_415 : vector<1x1x64xf32> to vector<1x64xf32>
    %add3A_417 = vector.broadcast %get3A_416 : vector<1x64xf32> to vector<256x64xf32>
    %add3A_418 = arith.addf %dot_general3A_411, %add3A_417 : vector<256x64xf32>
    %get3A_419 = arith.constant 7 : index
    %get3A_420 = arith.constant 0 : index
    %get3A_421 = arith.constant 0 : index
    %get3A_422 = vector.load %arg4[%get3A_419, %get3A_420, %get3A_421] : memref<8x64x64xf32, #tpu.memory_space<vmem>>, vector<1x64x64xf32>
    %get3A_423 = vector.shape_cast %get3A_422 : vector<1x64x64xf32> to vector<64x64xf32>
    %dot_general3A_424 = arith.constant dense<0.000000e+00> : vector<256x64xf32>
    %dot_general3A_425 = tpu.matmul %select_n3A_404, %get3A_423, %dot_general3A_424 {dimension_numbers = #tpu.dot_dimension_numbers<[1], [1], [0], [0], [0, 0, 1, 0], [], []>, transpose_lhs_hint = false} : vector<256x64xf32>, vector<64x64xf32>, vector<256x64xf32> -> vector<256x64xf32>
    %get3A_426 = arith.constant 7 : index
    %get3A_427 = arith.constant 0 : index
    %get3A_428 = arith.constant 0 : index
    %get3A_429 = vector.load %arg5[%get3A_426, %get3A_427, %get3A_428] : memref<8x1x64xf32, #tpu.memory_space<vmem>>, vector<1x1x64xf32>
    %get3A_430 = vector.shape_cast %get3A_429 : vector<1x1x64xf32> to vector<1x64xf32>
    %add3A_431 = vector.broadcast %get3A_430 : vector<1x64xf32> to vector<256x64xf32>
    %add3A_432 = arith.addf %dot_general3A_425, %add3A_431 : vector<256x64xf32>
    %dot_general3A_433 = arith.constant dense<0.000000e+00> : vector<256x256xf32>
    %dot_general3A_434 = tpu.matmul %add3A_418, %add3A_432, %dot_general3A_433 {dimension_numbers = #tpu.dot_dimension_numbers<[1], [1], [0], [0], [0, 0, 1, 0], [], []>, transpose_lhs_hint = false} : vector<256x64xf32>, vector<256x64xf32>, vector<256x256xf32> -> vector<256x256xf32>
    %mul3A_435 = arith.constant 1.250000e-01 : f32
    %mul3A_436 = vector.broadcast %mul3A_435 : f32 to vector<256x256xf32>
    %mul3A_437 = arith.mulf %dot_general3A_434, %mul3A_436 : vector<256x256xf32>
    %swap3A_438 = arith.constant 7 : index
    %swap3A_439 = arith.constant 0 : index
    %swap3A_440 = arith.constant 0 : index
    %swap3A_441 = vector.load %arg6[%swap3A_438, %swap3A_439, %swap3A_440] : memref<8x256x256xf32, #tpu.memory_space<vmem>>, vector<1x256x256xf32>
    %swap3A_442 = vector.shape_cast %swap3A_441 : vector<1x256x256xf32> to vector<256x256xf32>
    %swap3A_443 = vector.shape_cast %mul3A_437 : vector<256x256xf32> to vector<1x256x256xf32>
    tpu.vector_store %arg6[%swap3A_438, %swap3A_439, %swap3A_440], %swap3A_443 {strides = array<i32>} : memref<8x256x256xf32, #tpu.memory_space<vmem>>, vector<1x256x256xf32>,
    return
  }
}

module attributes {stable_mosaic.version = 14 : i64} {
  func.func @_tc_body(%arg0: i32, %arg1: memref<16x256xf32, #tpu.memory_space<vmem>>, %arg2: memref<1x256x32xf32, #tpu.memory_space<vmem>>, %arg3: memref<8x256x256xf32, #tpu.memory_space<vmem>>, %arg4: memref<128x256xf32, #tpu.memory_space<vmem>>, %arg5: memref<128x128xf32, #tpu.memory_space<vmem>>, %arg6: memref<1x128xf32, #tpu.memory_space<vmem>>, %arg7: memref<128x8xf32, #tpu.memory_space<vmem>>, %arg8: memref<1x128xf32, #tpu.memory_space<vmem>>, %arg9: memref<128x256xf32, #tpu.memory_space<vmem>>, %arg10: memref<1x128xf32, #tpu.memory_space<vmem>>, %arg11: memref<128x128xf32, #tpu.memory_space<vmem>>, %arg12: memref<1x128xf32, #tpu.memory_space<vmem>>, %arg13: memref<256x128xf32, #tpu.memory_space<vmem>>, %arg14: memref<8x256x1xf32, #tpu.memory_space<vmem>>) attributes {dimension_semantics = [#tpu.dimension_semantics<arbitrary>], iteration_bounds = array<i64: 8>, scalar_prefetch = 0 : i64, scratch_operands = 1 : i64, tpu.core_type = #tpu.core_type<tc>, window_params = [{transform_indices = @transform_0, window_bounds = array<i64: 16, 256>}, {transform_indices = @transform_1, window_bounds = array<i64: 1, 256, 32>}, {pipeline_mode = #tpu.pipeline_mode<synchronous>, transform_indices = @transform_2, window_bounds = array<i64: 8, 256, 256>}, {pipeline_mode = #tpu.pipeline_mode<synchronous>, transform_indices = @transform_3, window_bounds = array<i64: 128, 256>}, {pipeline_mode = #tpu.pipeline_mode<synchronous>, transform_indices = @transform_4, window_bounds = array<i64: 128, 128>}, {pipeline_mode = #tpu.pipeline_mode<synchronous>, transform_indices = @transform_5, window_bounds = array<i64: 1, 128>}, {pipeline_mode = #tpu.pipeline_mode<synchronous>, transform_indices = @transform_6, window_bounds = array<i64: 128, 8>}, {pipeline_mode = #tpu.pipeline_mode<synchronous>, transform_indices = @transform_7, window_bounds = array<i64: 1, 128>}, {pipeline_mode = #tpu.pipeline_mode<synchronous>, transform_indices = @transform_8, window_bounds = array<i64: 128, 256>}, {pipeline_mode = #tpu.pipeline_mode<synchronous>, transform_indices = @transform_9, window_bounds = array<i64: 1, 128>}, {pipeline_mode = #tpu.pipeline_mode<synchronous>, transform_indices = @transform_10, window_bounds = array<i64: 128, 128>}, {pipeline_mode = #tpu.pipeline_mode<synchronous>, transform_indices = @transform_11, window_bounds = array<i64: 1, 128>}, {pipeline_mode = #tpu.pipeline_mode<synchronous>, transform_indices = @transform_12, window_bounds = array<i64: 256, 128>}]} {
    %eq3A = arith.constant 0 : i32
    %eq3A_0 = arith.cmpi eq, %arg0, %eq3A : i32
    %convert_element_type3A = arith.extui %eq3A_0 : i1 to i32
    %cond3A = arith.constant 0 : i32
    %cond3A_1 = arith.cmpi ne, %convert_element_type3A, %cond3A : i32
    scf.if %cond3A_1 {
      %broadcast_in_dim3A_424 = arith.constant 0.000000e+00 : f32
      %broadcast_in_dim3A_425 = vector.broadcast %broadcast_in_dim3A_424 : f32 to vector<8x256x1xf32>
      %swap3A_426 = arith.constant 0 : index
      %swap3A_427 = arith.constant 0 : index
      %swap3A_428 = arith.constant 0 : index
      %swap3A_429 = vector.load %arg14[%swap3A_426, %swap3A_427, %swap3A_428] : memref<8x256x1xf32, #tpu.memory_space<vmem>>, vector<8x256x1xf32>
      tpu.vector_store %arg14[%swap3A_426, %swap3A_427, %swap3A_428], %broadcast_in_dim3A_425 {strides = array<i32>} : memref<8x256x1xf32, #tpu.memory_space<vmem>>, vector<8x256x1xf32>,
    } else {
    }
    %get3A = arith.constant 0 : index
    %get3A_2 = arith.constant 0 : index
    %get3A_3 = arith.constant 0 : index
    %get3A_4 = vector.load %arg3[%get3A, %get3A_2, %get3A_3] : memref<8x256x256xf32, #tpu.memory_space<vmem>>, vector<8x256x256xf32>
    %reshape3A = vector.shape_cast %get3A_4 : vector<8x256x256xf32> to vector<2048x256xf32>
    %get3A_5 = arith.constant 0 : index
    %get3A_6 = arith.constant 0 : index
    %get3A_7 = vector.load %arg1[%get3A_5, %get3A_6] : memref<16x256xf32, #tpu.memory_space<vmem>>, vector<1x256xf32>
    %gt3A = arith.constant 0.000000e+00 : f32
    %gt3A_8 = vector.broadcast %gt3A : f32 to vector<1x256xf32>
    %gt3A_9 = arith.cmpf ogt, %get3A_7, %gt3A_8 : vector<1x256xf32>
    %jit3A = arith.constant 0xFF800000 : f32
    %broadcast_in_dim3A = vector.shape_cast %gt3A_9 : vector<1x256xi1> to vector<1x256xi1>
    %broadcast_in_dim3A_10 = vector.broadcast %broadcast_in_dim3A : vector<1x256xi1> to vector<2048x256xi1>
    %broadcast_in_dim3A_11 = vector.broadcast %jit3A : f32 to vector<2048x256xf32>
    %select_n3A = arith.select %broadcast_in_dim3A_10, %reshape3A, %broadcast_in_dim3A_11 : vector<2048x256xi1>, vector<2048x256xf32>
    %reduce_max3A = arith.constant dense<0xFF800000> : vector<2048xf32>
    %reduce_max3A_12 = vector.multi_reduction <maximumf>, %select_n3A, %reduce_max3A [1] : vector<2048x256xf32> to vector<2048xf32>
    %broadcast_in_dim3A_13 = vector.shape_cast %reduce_max3A_12 : vector<2048xf32> to vector<2048x1xf32>
    %sub3A = vector.broadcast %broadcast_in_dim3A_13 : vector<2048x1xf32> to vector<2048x256xf32>
    %sub3A_14 = arith.subf %select_n3A, %sub3A : vector<2048x256xf32>
    %exp3A = math.exp %sub3A_14 : vector<2048x256xf32>
    %get3A_15 = arith.constant 0 : index
    %get3A_16 = arith.constant 0 : index
    %get3A_17 = arith.constant 0 : index
    %get3A_18 = vector.load %arg2[%get3A_15, %get3A_16, %get3A_17] : memref<1x256x32xf32, #tpu.memory_space<vmem>>, vector<1x256x2xf32>
    %get3A_19 = vector.shape_cast %get3A_18 : vector<1x256x2xf32> to vector<256x2xf32>
    %dot_general3A = arith.constant dense<0.000000e+00> : vector<2048x2xf32>
    %dot_general3A_20 = tpu.matmul %exp3A, %get3A_19, %dot_general3A {dimension_numbers = #tpu.dot_dimension_numbers<[1], [0], [0], [1], [0, 0, 1, 1], [], []>, transpose_lhs_hint = false} : vector<2048x256xf32>, vector<256x2xf32>, vector<2048x2xf32> -> vector<2048x2xf32>
    %get3A_21 = arith.constant 1 : index
    %get3A_22 = arith.constant 0 : index
    %get3A_23 = vector.load %arg1[%get3A_21, %get3A_22] : memref<16x256xf32, #tpu.memory_space<vmem>>, vector<1x256xf32>
    %gt3A_24 = arith.constant 0.000000e+00 : f32
    %gt3A_25 = vector.broadcast %gt3A_24 : f32 to vector<1x256xf32>
    %gt3A_26 = arith.cmpf ogt, %get3A_23, %gt3A_25 : vector<1x256xf32>
    %jit3A_27 = arith.constant 0xFF800000 : f32
    %broadcast_in_dim3A_28 = vector.shape_cast %gt3A_26 : vector<1x256xi1> to vector<1x256xi1>
    %broadcast_in_dim3A_29 = vector.broadcast %broadcast_in_dim3A_28 : vector<1x256xi1> to vector<2048x256xi1>
    %broadcast_in_dim3A_30 = vector.broadcast %jit3A_27 : f32 to vector<2048x256xf32>
    %select_n3A_31 = arith.select %broadcast_in_dim3A_29, %reshape3A, %broadcast_in_dim3A_30 : vector<2048x256xi1>, vector<2048x256xf32>
    %reduce_max3A_32 = arith.constant dense<0xFF800000> : vector<2048xf32>
    %reduce_max3A_33 = vector.multi_reduction <maximumf>, %select_n3A_31, %reduce_max3A_32 [1] : vector<2048x256xf32> to vector<2048xf32>
    %broadcast_in_dim3A_34 = vector.shape_cast %reduce_max3A_33 : vector<2048xf32> to vector<2048x1xf32>
    %sub3A_35 = vector.broadcast %broadcast_in_dim3A_34 : vector<2048x1xf32> to vector<2048x256xf32>
    %sub3A_36 = arith.subf %select_n3A_31, %sub3A_35 : vector<2048x256xf32>
    %exp3A_37 = math.exp %sub3A_36 : vector<2048x256xf32>
    %get3A_38 = arith.constant 0 : index
    %get3A_39 = arith.constant 0 : index
    %get3A_40 = arith.constant 2 : index
    %get3A_41 = vector.load %arg2[%get3A_38, %get3A_39, %get3A_40] : memref<1x256x32xf32, #tpu.memory_space<vmem>>, vector<1x256x2xf32>
    %get3A_42 = vector.shape_cast %get3A_41 : vector<1x256x2xf32> to vector<256x2xf32>
    %dot_general3A_43 = arith.constant dense<0.000000e+00> : vector<2048x2xf32>
    %dot_general3A_44 = tpu.matmul %exp3A_37, %get3A_42, %dot_general3A_43 {dimension_numbers = #tpu.dot_dimension_numbers<[1], [0], [0], [1], [0, 0, 1, 1], [], []>, transpose_lhs_hint = false} : vector<2048x256xf32>, vector<256x2xf32>, vector<2048x2xf32> -> vector<2048x2xf32>
    %get3A_45 = arith.constant 2 : index
    %get3A_46 = arith.constant 0 : index
    %get3A_47 = vector.load %arg1[%get3A_45, %get3A_46] : memref<16x256xf32, #tpu.memory_space<vmem>>, vector<1x256xf32>
    %gt3A_48 = arith.constant 0.000000e+00 : f32
    %gt3A_49 = vector.broadcast %gt3A_48 : f32 to vector<1x256xf32>
    %gt3A_50 = arith.cmpf ogt, %get3A_47, %gt3A_49 : vector<1x256xf32>
    %jit3A_51 = arith.constant 0xFF800000 : f32
    %broadcast_in_dim3A_52 = vector.shape_cast %gt3A_50 : vector<1x256xi1> to vector<1x256xi1>
    %broadcast_in_dim3A_53 = vector.broadcast %broadcast_in_dim3A_52 : vector<1x256xi1> to vector<2048x256xi1>
    %broadcast_in_dim3A_54 = vector.broadcast %jit3A_51 : f32 to vector<2048x256xf32>
    %select_n3A_55 = arith.select %broadcast_in_dim3A_53, %reshape3A, %broadcast_in_dim3A_54 : vector<2048x256xi1>, vector<2048x256xf32>
    %reduce_max3A_56 = arith.constant dense<0xFF800000> : vector<2048xf32>
    %reduce_max3A_57 = vector.multi_reduction <maximumf>, %select_n3A_55, %reduce_max3A_56 [1] : vector<2048x256xf32> to vector<2048xf32>
    %broadcast_in_dim3A_58 = vector.shape_cast %reduce_max3A_57 : vector<2048xf32> to vector<2048x1xf32>
    %sub3A_59 = vector.broadcast %broadcast_in_dim3A_58 : vector<2048x1xf32> to vector<2048x256xf32>
    %sub3A_60 = arith.subf %select_n3A_55, %sub3A_59 : vector<2048x256xf32>
    %exp3A_61 = math.exp %sub3A_60 : vector<2048x256xf32>
    %get3A_62 = arith.constant 0 : index
    %get3A_63 = arith.constant 0 : index
    %get3A_64 = arith.constant 4 : index
    %get3A_65 = vector.load %arg2[%get3A_62, %get3A_63, %get3A_64] : memref<1x256x32xf32, #tpu.memory_space<vmem>>, vector<1x256x2xf32>
    %get3A_66 = vector.shape_cast %get3A_65 : vector<1x256x2xf32> to vector<256x2xf32>
    %dot_general3A_67 = arith.constant dense<0.000000e+00> : vector<2048x2xf32>
    %dot_general3A_68 = tpu.matmul %exp3A_61, %get3A_66, %dot_general3A_67 {dimension_numbers = #tpu.dot_dimension_numbers<[1], [0], [0], [1], [0, 0, 1, 1], [], []>, transpose_lhs_hint = false} : vector<2048x256xf32>, vector<256x2xf32>, vector<2048x2xf32> -> vector<2048x2xf32>
    %get3A_69 = arith.constant 3 : index
    %get3A_70 = arith.constant 0 : index
    %get3A_71 = vector.load %arg1[%get3A_69, %get3A_70] : memref<16x256xf32, #tpu.memory_space<vmem>>, vector<1x256xf32>
    %gt3A_72 = arith.constant 0.000000e+00 : f32
    %gt3A_73 = vector.broadcast %gt3A_72 : f32 to vector<1x256xf32>
    %gt3A_74 = arith.cmpf ogt, %get3A_71, %gt3A_73 : vector<1x256xf32>
    %jit3A_75 = arith.constant 0xFF800000 : f32
    %broadcast_in_dim3A_76 = vector.shape_cast %gt3A_74 : vector<1x256xi1> to vector<1x256xi1>
    %broadcast_in_dim3A_77 = vector.broadcast %broadcast_in_dim3A_76 : vector<1x256xi1> to vector<2048x256xi1>
    %broadcast_in_dim3A_78 = vector.broadcast %jit3A_75 : f32 to vector<2048x256xf32>
    %select_n3A_79 = arith.select %broadcast_in_dim3A_77, %reshape3A, %broadcast_in_dim3A_78 : vector<2048x256xi1>, vector<2048x256xf32>
    %reduce_max3A_80 = arith.constant dense<0xFF800000> : vector<2048xf32>
    %reduce_max3A_81 = vector.multi_reduction <maximumf>, %select_n3A_79, %reduce_max3A_80 [1] : vector<2048x256xf32> to vector<2048xf32>
    %broadcast_in_dim3A_82 = vector.shape_cast %reduce_max3A_81 : vector<2048xf32> to vector<2048x1xf32>
    %sub3A_83 = vector.broadcast %broadcast_in_dim3A_82 : vector<2048x1xf32> to vector<2048x256xf32>
    %sub3A_84 = arith.subf %select_n3A_79, %sub3A_83 : vector<2048x256xf32>
    %exp3A_85 = math.exp %sub3A_84 : vector<2048x256xf32>
    %get3A_86 = arith.constant 0 : index
    %get3A_87 = arith.constant 0 : index
    %get3A_88 = arith.constant 6 : index
    %get3A_89 = vector.load %arg2[%get3A_86, %get3A_87, %get3A_88] : memref<1x256x32xf32, #tpu.memory_space<vmem>>, vector<1x256x2xf32>
    %get3A_90 = vector.shape_cast %get3A_89 : vector<1x256x2xf32> to vector<256x2xf32>
    %dot_general3A_91 = arith.constant dense<0.000000e+00> : vector<2048x2xf32>
    %dot_general3A_92 = tpu.matmul %exp3A_85, %get3A_90, %dot_general3A_91 {dimension_numbers = #tpu.dot_dimension_numbers<[1], [0], [0], [1], [0, 0, 1, 1], [], []>, transpose_lhs_hint = false} : vector<2048x256xf32>, vector<256x2xf32>, vector<2048x2xf32> -> vector<2048x2xf32>
    %get3A_93 = arith.constant 4 : index
    %get3A_94 = arith.constant 0 : index
    %get3A_95 = vector.load %arg1[%get3A_93, %get3A_94] : memref<16x256xf32, #tpu.memory_space<vmem>>, vector<1x256xf32>
    %gt3A_96 = arith.constant 0.000000e+00 : f32
    %gt3A_97 = vector.broadcast %gt3A_96 : f32 to vector<1x256xf32>
    %gt3A_98 = arith.cmpf ogt, %get3A_95, %gt3A_97 : vector<1x256xf32>
    %jit3A_99 = arith.constant 0xFF800000 : f32
    %broadcast_in_dim3A_100 = vector.shape_cast %gt3A_98 : vector<1x256xi1> to vector<1x256xi1>
    %broadcast_in_dim3A_101 = vector.broadcast %broadcast_in_dim3A_100 : vector<1x256xi1> to vector<2048x256xi1>
    %broadcast_in_dim3A_102 = vector.broadcast %jit3A_99 : f32 to vector<2048x256xf32>
    %select_n3A_103 = arith.select %broadcast_in_dim3A_101, %reshape3A, %broadcast_in_dim3A_102 : vector<2048x256xi1>, vector<2048x256xf32>
    %reduce_max3A_104 = arith.constant dense<0xFF800000> : vector<2048xf32>
    %reduce_max3A_105 = vector.multi_reduction <maximumf>, %select_n3A_103, %reduce_max3A_104 [1] : vector<2048x256xf32> to vector<2048xf32>
    %broadcast_in_dim3A_106 = vector.shape_cast %reduce_max3A_105 : vector<2048xf32> to vector<2048x1xf32>
    %sub3A_107 = vector.broadcast %broadcast_in_dim3A_106 : vector<2048x1xf32> to vector<2048x256xf32>
    %sub3A_108 = arith.subf %select_n3A_103, %sub3A_107 : vector<2048x256xf32>
    %exp3A_109 = math.exp %sub3A_108 : vector<2048x256xf32>
    %get3A_110 = arith.constant 0 : index
    %get3A_111 = arith.constant 0 : index
    %get3A_112 = arith.constant 8 : index
    %get3A_113 = vector.load %arg2[%get3A_110, %get3A_111, %get3A_112] : memref<1x256x32xf32, #tpu.memory_space<vmem>>, vector<1x256x2xf32>
    %get3A_114 = vector.shape_cast %get3A_113 : vector<1x256x2xf32> to vector<256x2xf32>
    %dot_general3A_115 = arith.constant dense<0.000000e+00> : vector<2048x2xf32>
    %dot_general3A_116 = tpu.matmul %exp3A_109, %get3A_114, %dot_general3A_115 {dimension_numbers = #tpu.dot_dimension_numbers<[1], [0], [0], [1], [0, 0, 1, 1], [], []>, transpose_lhs_hint = false} : vector<2048x256xf32>, vector<256x2xf32>, vector<2048x2xf32> -> vector<2048x2xf32>
    %get3A_117 = arith.constant 5 : index
    %get3A_118 = arith.constant 0 : index
    %get3A_119 = vector.load %arg1[%get3A_117, %get3A_118] : memref<16x256xf32, #tpu.memory_space<vmem>>, vector<1x256xf32>
    %gt3A_120 = arith.constant 0.000000e+00 : f32
    %gt3A_121 = vector.broadcast %gt3A_120 : f32 to vector<1x256xf32>
    %gt3A_122 = arith.cmpf ogt, %get3A_119, %gt3A_121 : vector<1x256xf32>
    %jit3A_123 = arith.constant 0xFF800000 : f32
    %broadcast_in_dim3A_124 = vector.shape_cast %gt3A_122 : vector<1x256xi1> to vector<1x256xi1>
    %broadcast_in_dim3A_125 = vector.broadcast %broadcast_in_dim3A_124 : vector<1x256xi1> to vector<2048x256xi1>
    %broadcast_in_dim3A_126 = vector.broadcast %jit3A_123 : f32 to vector<2048x256xf32>
    %select_n3A_127 = arith.select %broadcast_in_dim3A_125, %reshape3A, %broadcast_in_dim3A_126 : vector<2048x256xi1>, vector<2048x256xf32>
    %reduce_max3A_128 = arith.constant dense<0xFF800000> : vector<2048xf32>
    %reduce_max3A_129 = vector.multi_reduction <maximumf>, %select_n3A_127, %reduce_max3A_128 [1] : vector<2048x256xf32> to vector<2048xf32>
    %broadcast_in_dim3A_130 = vector.shape_cast %reduce_max3A_129 : vector<2048xf32> to vector<2048x1xf32>
    %sub3A_131 = vector.broadcast %broadcast_in_dim3A_130 : vector<2048x1xf32> to vector<2048x256xf32>
    %sub3A_132 = arith.subf %select_n3A_127, %sub3A_131 : vector<2048x256xf32>
    %exp3A_133 = math.exp %sub3A_132 : vector<2048x256xf32>
    %get3A_134 = arith.constant 0 : index
    %get3A_135 = arith.constant 0 : index
    %get3A_136 = arith.constant 10 : index
    %get3A_137 = vector.load %arg2[%get3A_134, %get3A_135, %get3A_136] : memref<1x256x32xf32, #tpu.memory_space<vmem>>, vector<1x256x2xf32>
    %get3A_138 = vector.shape_cast %get3A_137 : vector<1x256x2xf32> to vector<256x2xf32>
    %dot_general3A_139 = arith.constant dense<0.000000e+00> : vector<2048x2xf32>
    %dot_general3A_140 = tpu.matmul %exp3A_133, %get3A_138, %dot_general3A_139 {dimension_numbers = #tpu.dot_dimension_numbers<[1], [0], [0], [1], [0, 0, 1, 1], [], []>, transpose_lhs_hint = false} : vector<2048x256xf32>, vector<256x2xf32>, vector<2048x2xf32> -> vector<2048x2xf32>
    %get3A_141 = arith.constant 6 : index
    %get3A_142 = arith.constant 0 : index
    %get3A_143 = vector.load %arg1[%get3A_141, %get3A_142] : memref<16x256xf32, #tpu.memory_space<vmem>>, vector<1x256xf32>
    %gt3A_144 = arith.constant 0.000000e+00 : f32
    %gt3A_145 = vector.broadcast %gt3A_144 : f32 to vector<1x256xf32>
    %gt3A_146 = arith.cmpf ogt, %get3A_143, %gt3A_145 : vector<1x256xf32>
    %jit3A_147 = arith.constant 0xFF800000 : f32
    %broadcast_in_dim3A_148 = vector.shape_cast %gt3A_146 : vector<1x256xi1> to vector<1x256xi1>
    %broadcast_in_dim3A_149 = vector.broadcast %broadcast_in_dim3A_148 : vector<1x256xi1> to vector<2048x256xi1>
    %broadcast_in_dim3A_150 = vector.broadcast %jit3A_147 : f32 to vector<2048x256xf32>
    %select_n3A_151 = arith.select %broadcast_in_dim3A_149, %reshape3A, %broadcast_in_dim3A_150 : vector<2048x256xi1>, vector<2048x256xf32>
    %reduce_max3A_152 = arith.constant dense<0xFF800000> : vector<2048xf32>
    %reduce_max3A_153 = vector.multi_reduction <maximumf>, %select_n3A_151, %reduce_max3A_152 [1] : vector<2048x256xf32> to vector<2048xf32>
    %broadcast_in_dim3A_154 = vector.shape_cast %reduce_max3A_153 : vector<2048xf32> to vector<2048x1xf32>
    %sub3A_155 = vector.broadcast %broadcast_in_dim3A_154 : vector<2048x1xf32> to vector<2048x256xf32>
    %sub3A_156 = arith.subf %select_n3A_151, %sub3A_155 : vector<2048x256xf32>
    %exp3A_157 = math.exp %sub3A_156 : vector<2048x256xf32>
    %get3A_158 = arith.constant 0 : index
    %get3A_159 = arith.constant 0 : index
    %get3A_160 = arith.constant 12 : index
    %get3A_161 = vector.load %arg2[%get3A_158, %get3A_159, %get3A_160] : memref<1x256x32xf32, #tpu.memory_space<vmem>>, vector<1x256x2xf32>
    %get3A_162 = vector.shape_cast %get3A_161 : vector<1x256x2xf32> to vector<256x2xf32>
    %dot_general3A_163 = arith.constant dense<0.000000e+00> : vector<2048x2xf32>
    %dot_general3A_164 = tpu.matmul %exp3A_157, %get3A_162, %dot_general3A_163 {dimension_numbers = #tpu.dot_dimension_numbers<[1], [0], [0], [1], [0, 0, 1, 1], [], []>, transpose_lhs_hint = false} : vector<2048x256xf32>, vector<256x2xf32>, vector<2048x2xf32> -> vector<2048x2xf32>
    %get3A_165 = arith.constant 7 : index
    %get3A_166 = arith.constant 0 : index
    %get3A_167 = vector.load %arg1[%get3A_165, %get3A_166] : memref<16x256xf32, #tpu.memory_space<vmem>>, vector<1x256xf32>
    %gt3A_168 = arith.constant 0.000000e+00 : f32
    %gt3A_169 = vector.broadcast %gt3A_168 : f32 to vector<1x256xf32>
    %gt3A_170 = arith.cmpf ogt, %get3A_167, %gt3A_169 : vector<1x256xf32>
    %jit3A_171 = arith.constant 0xFF800000 : f32
    %broadcast_in_dim3A_172 = vector.shape_cast %gt3A_170 : vector<1x256xi1> to vector<1x256xi1>
    %broadcast_in_dim3A_173 = vector.broadcast %broadcast_in_dim3A_172 : vector<1x256xi1> to vector<2048x256xi1>
    %broadcast_in_dim3A_174 = vector.broadcast %jit3A_171 : f32 to vector<2048x256xf32>
    %select_n3A_175 = arith.select %broadcast_in_dim3A_173, %reshape3A, %broadcast_in_dim3A_174 : vector<2048x256xi1>, vector<2048x256xf32>
    %reduce_max3A_176 = arith.constant dense<0xFF800000> : vector<2048xf32>
    %reduce_max3A_177 = vector.multi_reduction <maximumf>, %select_n3A_175, %reduce_max3A_176 [1] : vector<2048x256xf32> to vector<2048xf32>
    %broadcast_in_dim3A_178 = vector.shape_cast %reduce_max3A_177 : vector<2048xf32> to vector<2048x1xf32>
    %sub3A_179 = vector.broadcast %broadcast_in_dim3A_178 : vector<2048x1xf32> to vector<2048x256xf32>
    %sub3A_180 = arith.subf %select_n3A_175, %sub3A_179 : vector<2048x256xf32>
    %exp3A_181 = math.exp %sub3A_180 : vector<2048x256xf32>
    %get3A_182 = arith.constant 0 : index
    %get3A_183 = arith.constant 0 : index
    %get3A_184 = arith.constant 14 : index
    %get3A_185 = vector.load %arg2[%get3A_182, %get3A_183, %get3A_184] : memref<1x256x32xf32, #tpu.memory_space<vmem>>, vector<1x256x2xf32>
    %get3A_186 = vector.shape_cast %get3A_185 : vector<1x256x2xf32> to vector<256x2xf32>
    %dot_general3A_187 = arith.constant dense<0.000000e+00> : vector<2048x2xf32>
    %dot_general3A_188 = tpu.matmul %exp3A_181, %get3A_186, %dot_general3A_187 {dimension_numbers = #tpu.dot_dimension_numbers<[1], [0], [0], [1], [0, 0, 1, 1], [], []>, transpose_lhs_hint = false} : vector<2048x256xf32>, vector<256x2xf32>, vector<2048x2xf32> -> vector<2048x2xf32>
    %get3A_189 = arith.constant 8 : index
    %get3A_190 = arith.constant 0 : index
    %get3A_191 = vector.load %arg1[%get3A_189, %get3A_190] : memref<16x256xf32, #tpu.memory_space<vmem>>, vector<1x256xf32>
    %gt3A_192 = arith.constant 0.000000e+00 : f32
    %gt3A_193 = vector.broadcast %gt3A_192 : f32 to vector<1x256xf32>
    %gt3A_194 = arith.cmpf ogt, %get3A_191, %gt3A_193 : vector<1x256xf32>
    %jit3A_195 = arith.constant 0xFF800000 : f32
    %broadcast_in_dim3A_196 = vector.shape_cast %gt3A_194 : vector<1x256xi1> to vector<1x256xi1>
    %broadcast_in_dim3A_197 = vector.broadcast %broadcast_in_dim3A_196 : vector<1x256xi1> to vector<2048x256xi1>
    %broadcast_in_dim3A_198 = vector.broadcast %jit3A_195 : f32 to vector<2048x256xf32>
    %select_n3A_199 = arith.select %broadcast_in_dim3A_197, %reshape3A, %broadcast_in_dim3A_198 : vector<2048x256xi1>, vector<2048x256xf32>
    %reduce_max3A_200 = arith.constant dense<0xFF800000> : vector<2048xf32>
    %reduce_max3A_201 = vector.multi_reduction <maximumf>, %select_n3A_199, %reduce_max3A_200 [1] : vector<2048x256xf32> to vector<2048xf32>
    %broadcast_in_dim3A_202 = vector.shape_cast %reduce_max3A_201 : vector<2048xf32> to vector<2048x1xf32>
    %sub3A_203 = vector.broadcast %broadcast_in_dim3A_202 : vector<2048x1xf32> to vector<2048x256xf32>
    %sub3A_204 = arith.subf %select_n3A_199, %sub3A_203 : vector<2048x256xf32>
    %exp3A_205 = math.exp %sub3A_204 : vector<2048x256xf32>
    %get3A_206 = arith.constant 0 : index
    %get3A_207 = arith.constant 0 : index
    %get3A_208 = arith.constant 16 : index
    %get3A_209 = vector.load %arg2[%get3A_206, %get3A_207, %get3A_208] : memref<1x256x32xf32, #tpu.memory_space<vmem>>, vector<1x256x2xf32>
    %get3A_210 = vector.shape_cast %get3A_209 : vector<1x256x2xf32> to vector<256x2xf32>
    %dot_general3A_211 = arith.constant dense<0.000000e+00> : vector<2048x2xf32>
    %dot_general3A_212 = tpu.matmul %exp3A_205, %get3A_210, %dot_general3A_211 {dimension_numbers = #tpu.dot_dimension_numbers<[1], [0], [0], [1], [0, 0, 1, 1], [], []>, transpose_lhs_hint = false} : vector<2048x256xf32>, vector<256x2xf32>, vector<2048x2xf32> -> vector<2048x2xf32>
    %get3A_213 = arith.constant 9 : index
    %get3A_214 = arith.constant 0 : index
    %get3A_215 = vector.load %arg1[%get3A_213, %get3A_214] : memref<16x256xf32, #tpu.memory_space<vmem>>, vector<1x256xf32>
    %gt3A_216 = arith.constant 0.000000e+00 : f32
    %gt3A_217 = vector.broadcast %gt3A_216 : f32 to vector<1x256xf32>
    %gt3A_218 = arith.cmpf ogt, %get3A_215, %gt3A_217 : vector<1x256xf32>
    %jit3A_219 = arith.constant 0xFF800000 : f32
    %broadcast_in_dim3A_220 = vector.shape_cast %gt3A_218 : vector<1x256xi1> to vector<1x256xi1>
    %broadcast_in_dim3A_221 = vector.broadcast %broadcast_in_dim3A_220 : vector<1x256xi1> to vector<2048x256xi1>
    %broadcast_in_dim3A_222 = vector.broadcast %jit3A_219 : f32 to vector<2048x256xf32>
    %select_n3A_223 = arith.select %broadcast_in_dim3A_221, %reshape3A, %broadcast_in_dim3A_222 : vector<2048x256xi1>, vector<2048x256xf32>
    %reduce_max3A_224 = arith.constant dense<0xFF800000> : vector<2048xf32>
    %reduce_max3A_225 = vector.multi_reduction <maximumf>, %select_n3A_223, %reduce_max3A_224 [1] : vector<2048x256xf32> to vector<2048xf32>
    %broadcast_in_dim3A_226 = vector.shape_cast %reduce_max3A_225 : vector<2048xf32> to vector<2048x1xf32>
    %sub3A_227 = vector.broadcast %broadcast_in_dim3A_226 : vector<2048x1xf32> to vector<2048x256xf32>
    %sub3A_228 = arith.subf %select_n3A_223, %sub3A_227 : vector<2048x256xf32>
    %exp3A_229 = math.exp %sub3A_228 : vector<2048x256xf32>
    %get3A_230 = arith.constant 0 : index
    %get3A_231 = arith.constant 0 : index
    %get3A_232 = arith.constant 18 : index
    %get3A_233 = vector.load %arg2[%get3A_230, %get3A_231, %get3A_232] : memref<1x256x32xf32, #tpu.memory_space<vmem>>, vector<1x256x2xf32>
    %get3A_234 = vector.shape_cast %get3A_233 : vector<1x256x2xf32> to vector<256x2xf32>
    %dot_general3A_235 = arith.constant dense<0.000000e+00> : vector<2048x2xf32>
    %dot_general3A_236 = tpu.matmul %exp3A_229, %get3A_234, %dot_general3A_235 {dimension_numbers = #tpu.dot_dimension_numbers<[1], [0], [0], [1], [0, 0, 1, 1], [], []>, transpose_lhs_hint = false} : vector<2048x256xf32>, vector<256x2xf32>, vector<2048x2xf32> -> vector<2048x2xf32>
    %get3A_237 = arith.constant 10 : index
    %get3A_238 = arith.constant 0 : index
    %get3A_239 = vector.load %arg1[%get3A_237, %get3A_238] : memref<16x256xf32, #tpu.memory_space<vmem>>, vector<1x256xf32>
    %gt3A_240 = arith.constant 0.000000e+00 : f32
    %gt3A_241 = vector.broadcast %gt3A_240 : f32 to vector<1x256xf32>
    %gt3A_242 = arith.cmpf ogt, %get3A_239, %gt3A_241 : vector<1x256xf32>
    %jit3A_243 = arith.constant 0xFF800000 : f32
    %broadcast_in_dim3A_244 = vector.shape_cast %gt3A_242 : vector<1x256xi1> to vector<1x256xi1>
    %broadcast_in_dim3A_245 = vector.broadcast %broadcast_in_dim3A_244 : vector<1x256xi1> to vector<2048x256xi1>
    %broadcast_in_dim3A_246 = vector.broadcast %jit3A_243 : f32 to vector<2048x256xf32>
    %select_n3A_247 = arith.select %broadcast_in_dim3A_245, %reshape3A, %broadcast_in_dim3A_246 : vector<2048x256xi1>, vector<2048x256xf32>
    %reduce_max3A_248 = arith.constant dense<0xFF800000> : vector<2048xf32>
    %reduce_max3A_249 = vector.multi_reduction <maximumf>, %select_n3A_247, %reduce_max3A_248 [1] : vector<2048x256xf32> to vector<2048xf32>
    %broadcast_in_dim3A_250 = vector.shape_cast %reduce_max3A_249 : vector<2048xf32> to vector<2048x1xf32>
    %sub3A_251 = vector.broadcast %broadcast_in_dim3A_250 : vector<2048x1xf32> to vector<2048x256xf32>
    %sub3A_252 = arith.subf %select_n3A_247, %sub3A_251 : vector<2048x256xf32>
    %exp3A_253 = math.exp %sub3A_252 : vector<2048x256xf32>
    %get3A_254 = arith.constant 0 : index
    %get3A_255 = arith.constant 0 : index
    %get3A_256 = arith.constant 20 : index
    %get3A_257 = vector.load %arg2[%get3A_254, %get3A_255, %get3A_256] : memref<1x256x32xf32, #tpu.memory_space<vmem>>, vector<1x256x2xf32>
    %get3A_258 = vector.shape_cast %get3A_257 : vector<1x256x2xf32> to vector<256x2xf32>
    %dot_general3A_259 = arith.constant dense<0.000000e+00> : vector<2048x2xf32>
    %dot_general3A_260 = tpu.matmul %exp3A_253, %get3A_258, %dot_general3A_259 {dimension_numbers = #tpu.dot_dimension_numbers<[1], [0], [0], [1], [0, 0, 1, 1], [], []>, transpose_lhs_hint = false} : vector<2048x256xf32>, vector<256x2xf32>, vector<2048x2xf32> -> vector<2048x2xf32>
    %get3A_261 = arith.constant 11 : index
    %get3A_262 = arith.constant 0 : index
    %get3A_263 = vector.load %arg1[%get3A_261, %get3A_262] : memref<16x256xf32, #tpu.memory_space<vmem>>, vector<1x256xf32>
    %gt3A_264 = arith.constant 0.000000e+00 : f32
    %gt3A_265 = vector.broadcast %gt3A_264 : f32 to vector<1x256xf32>
    %gt3A_266 = arith.cmpf ogt, %get3A_263, %gt3A_265 : vector<1x256xf32>
    %jit3A_267 = arith.constant 0xFF800000 : f32
    %broadcast_in_dim3A_268 = vector.shape_cast %gt3A_266 : vector<1x256xi1> to vector<1x256xi1>
    %broadcast_in_dim3A_269 = vector.broadcast %broadcast_in_dim3A_268 : vector<1x256xi1> to vector<2048x256xi1>
    %broadcast_in_dim3A_270 = vector.broadcast %jit3A_267 : f32 to vector<2048x256xf32>
    %select_n3A_271 = arith.select %broadcast_in_dim3A_269, %reshape3A, %broadcast_in_dim3A_270 : vector<2048x256xi1>, vector<2048x256xf32>
    %reduce_max3A_272 = arith.constant dense<0xFF800000> : vector<2048xf32>
    %reduce_max3A_273 = vector.multi_reduction <maximumf>, %select_n3A_271, %reduce_max3A_272 [1] : vector<2048x256xf32> to vector<2048xf32>
    %broadcast_in_dim3A_274 = vector.shape_cast %reduce_max3A_273 : vector<2048xf32> to vector<2048x1xf32>
    %sub3A_275 = vector.broadcast %broadcast_in_dim3A_274 : vector<2048x1xf32> to vector<2048x256xf32>
    %sub3A_276 = arith.subf %select_n3A_271, %sub3A_275 : vector<2048x256xf32>
    %exp3A_277 = math.exp %sub3A_276 : vector<2048x256xf32>
    %get3A_278 = arith.constant 0 : index
    %get3A_279 = arith.constant 0 : index
    %get3A_280 = arith.constant 22 : index
    %get3A_281 = vector.load %arg2[%get3A_278, %get3A_279, %get3A_280] : memref<1x256x32xf32, #tpu.memory_space<vmem>>, vector<1x256x2xf32>
    %get3A_282 = vector.shape_cast %get3A_281 : vector<1x256x2xf32> to vector<256x2xf32>
    %dot_general3A_283 = arith.constant dense<0.000000e+00> : vector<2048x2xf32>
    %dot_general3A_284 = tpu.matmul %exp3A_277, %get3A_282, %dot_general3A_283 {dimension_numbers = #tpu.dot_dimension_numbers<[1], [0], [0], [1], [0, 0, 1, 1], [], []>, transpose_lhs_hint = false} : vector<2048x256xf32>, vector<256x2xf32>, vector<2048x2xf32> -> vector<2048x2xf32>
    %get3A_285 = arith.constant 12 : index
    %get3A_286 = arith.constant 0 : index
    %get3A_287 = vector.load %arg1[%get3A_285, %get3A_286] : memref<16x256xf32, #tpu.memory_space<vmem>>, vector<1x256xf32>
    %gt3A_288 = arith.constant 0.000000e+00 : f32
    %gt3A_289 = vector.broadcast %gt3A_288 : f32 to vector<1x256xf32>
    %gt3A_290 = arith.cmpf ogt, %get3A_287, %gt3A_289 : vector<1x256xf32>
    %jit3A_291 = arith.constant 0xFF800000 : f32
    %broadcast_in_dim3A_292 = vector.shape_cast %gt3A_290 : vector<1x256xi1> to vector<1x256xi1>
    %broadcast_in_dim3A_293 = vector.broadcast %broadcast_in_dim3A_292 : vector<1x256xi1> to vector<2048x256xi1>
    %broadcast_in_dim3A_294 = vector.broadcast %jit3A_291 : f32 to vector<2048x256xf32>
    %select_n3A_295 = arith.select %broadcast_in_dim3A_293, %reshape3A, %broadcast_in_dim3A_294 : vector<2048x256xi1>, vector<2048x256xf32>
    %reduce_max3A_296 = arith.constant dense<0xFF800000> : vector<2048xf32>
    %reduce_max3A_297 = vector.multi_reduction <maximumf>, %select_n3A_295, %reduce_max3A_296 [1] : vector<2048x256xf32> to vector<2048xf32>
    %broadcast_in_dim3A_298 = vector.shape_cast %reduce_max3A_297 : vector<2048xf32> to vector<2048x1xf32>
    %sub3A_299 = vector.broadcast %broadcast_in_dim3A_298 : vector<2048x1xf32> to vector<2048x256xf32>
    %sub3A_300 = arith.subf %select_n3A_295, %sub3A_299 : vector<2048x256xf32>
    %exp3A_301 = math.exp %sub3A_300 : vector<2048x256xf32>
    %get3A_302 = arith.constant 0 : index
    %get3A_303 = arith.constant 0 : index
    %get3A_304 = arith.constant 24 : index
    %get3A_305 = vector.load %arg2[%get3A_302, %get3A_303, %get3A_304] : memref<1x256x32xf32, #tpu.memory_space<vmem>>, vector<1x256x2xf32>
    %get3A_306 = vector.shape_cast %get3A_305 : vector<1x256x2xf32> to vector<256x2xf32>
    %dot_general3A_307 = arith.constant dense<0.000000e+00> : vector<2048x2xf32>
    %dot_general3A_308 = tpu.matmul %exp3A_301, %get3A_306, %dot_general3A_307 {dimension_numbers = #tpu.dot_dimension_numbers<[1], [0], [0], [1], [0, 0, 1, 1], [], []>, transpose_lhs_hint = false} : vector<2048x256xf32>, vector<256x2xf32>, vector<2048x2xf32> -> vector<2048x2xf32>
    %get3A_309 = arith.constant 13 : index
    %get3A_310 = arith.constant 0 : index
    %get3A_311 = vector.load %arg1[%get3A_309, %get3A_310] : memref<16x256xf32, #tpu.memory_space<vmem>>, vector<1x256xf32>
    %gt3A_312 = arith.constant 0.000000e+00 : f32
    %gt3A_313 = vector.broadcast %gt3A_312 : f32 to vector<1x256xf32>
    %gt3A_314 = arith.cmpf ogt, %get3A_311, %gt3A_313 : vector<1x256xf32>
    %jit3A_315 = arith.constant 0xFF800000 : f32
    %broadcast_in_dim3A_316 = vector.shape_cast %gt3A_314 : vector<1x256xi1> to vector<1x256xi1>
    %broadcast_in_dim3A_317 = vector.broadcast %broadcast_in_dim3A_316 : vector<1x256xi1> to vector<2048x256xi1>
    %broadcast_in_dim3A_318 = vector.broadcast %jit3A_315 : f32 to vector<2048x256xf32>
    %select_n3A_319 = arith.select %broadcast_in_dim3A_317, %reshape3A, %broadcast_in_dim3A_318 : vector<2048x256xi1>, vector<2048x256xf32>
    %reduce_max3A_320 = arith.constant dense<0xFF800000> : vector<2048xf32>
    %reduce_max3A_321 = vector.multi_reduction <maximumf>, %select_n3A_319, %reduce_max3A_320 [1] : vector<2048x256xf32> to vector<2048xf32>
    %broadcast_in_dim3A_322 = vector.shape_cast %reduce_max3A_321 : vector<2048xf32> to vector<2048x1xf32>
    %sub3A_323 = vector.broadcast %broadcast_in_dim3A_322 : vector<2048x1xf32> to vector<2048x256xf32>
    %sub3A_324 = arith.subf %select_n3A_319, %sub3A_323 : vector<2048x256xf32>
    %exp3A_325 = math.exp %sub3A_324 : vector<2048x256xf32>
    %get3A_326 = arith.constant 0 : index
    %get3A_327 = arith.constant 0 : index
    %get3A_328 = arith.constant 26 : index
    %get3A_329 = vector.load %arg2[%get3A_326, %get3A_327, %get3A_328] : memref<1x256x32xf32, #tpu.memory_space<vmem>>, vector<1x256x2xf32>
    %get3A_330 = vector.shape_cast %get3A_329 : vector<1x256x2xf32> to vector<256x2xf32>
    %dot_general3A_331 = arith.constant dense<0.000000e+00> : vector<2048x2xf32>
    %dot_general3A_332 = tpu.matmul %exp3A_325, %get3A_330, %dot_general3A_331 {dimension_numbers = #tpu.dot_dimension_numbers<[1], [0], [0], [1], [0, 0, 1, 1], [], []>, transpose_lhs_hint = false} : vector<2048x256xf32>, vector<256x2xf32>, vector<2048x2xf32> -> vector<2048x2xf32>
    %get3A_333 = arith.constant 14 : index
    %get3A_334 = arith.constant 0 : index
    %get3A_335 = vector.load %arg1[%get3A_333, %get3A_334] : memref<16x256xf32, #tpu.memory_space<vmem>>, vector<1x256xf32>
    %gt3A_336 = arith.constant 0.000000e+00 : f32
    %gt3A_337 = vector.broadcast %gt3A_336 : f32 to vector<1x256xf32>
    %gt3A_338 = arith.cmpf ogt, %get3A_335, %gt3A_337 : vector<1x256xf32>
    %jit3A_339 = arith.constant 0xFF800000 : f32
    %broadcast_in_dim3A_340 = vector.shape_cast %gt3A_338 : vector<1x256xi1> to vector<1x256xi1>
    %broadcast_in_dim3A_341 = vector.broadcast %broadcast_in_dim3A_340 : vector<1x256xi1> to vector<2048x256xi1>
    %broadcast_in_dim3A_342 = vector.broadcast %jit3A_339 : f32 to vector<2048x256xf32>
    %select_n3A_343 = arith.select %broadcast_in_dim3A_341, %reshape3A, %broadcast_in_dim3A_342 : vector<2048x256xi1>, vector<2048x256xf32>
    %reduce_max3A_344 = arith.constant dense<0xFF800000> : vector<2048xf32>
    %reduce_max3A_345 = vector.multi_reduction <maximumf>, %select_n3A_343, %reduce_max3A_344 [1] : vector<2048x256xf32> to vector<2048xf32>
    %broadcast_in_dim3A_346 = vector.shape_cast %reduce_max3A_345 : vector<2048xf32> to vector<2048x1xf32>
    %sub3A_347 = vector.broadcast %broadcast_in_dim3A_346 : vector<2048x1xf32> to vector<2048x256xf32>
    %sub3A_348 = arith.subf %select_n3A_343, %sub3A_347 : vector<2048x256xf32>
    %exp3A_349 = math.exp %sub3A_348 : vector<2048x256xf32>
    %get3A_350 = arith.constant 0 : index
    %get3A_351 = arith.constant 0 : index
    %get3A_352 = arith.constant 28 : index
    %get3A_353 = vector.load %arg2[%get3A_350, %get3A_351, %get3A_352] : memref<1x256x32xf32, #tpu.memory_space<vmem>>, vector<1x256x2xf32>
    %get3A_354 = vector.shape_cast %get3A_353 : vector<1x256x2xf32> to vector<256x2xf32>
    %dot_general3A_355 = arith.constant dense<0.000000e+00> : vector<2048x2xf32>
    %dot_general3A_356 = tpu.matmul %exp3A_349, %get3A_354, %dot_general3A_355 {dimension_numbers = #tpu.dot_dimension_numbers<[1], [0], [0], [1], [0, 0, 1, 1], [], []>, transpose_lhs_hint = false} : vector<2048x256xf32>, vector<256x2xf32>, vector<2048x2xf32> -> vector<2048x2xf32>
    %get3A_357 = arith.constant 15 : index
    %get3A_358 = arith.constant 0 : index
    %get3A_359 = vector.load %arg1[%get3A_357, %get3A_358] : memref<16x256xf32, #tpu.memory_space<vmem>>, vector<1x256xf32>
    %gt3A_360 = arith.constant 0.000000e+00 : f32
    %gt3A_361 = vector.broadcast %gt3A_360 : f32 to vector<1x256xf32>
    %gt3A_362 = arith.cmpf ogt, %get3A_359, %gt3A_361 : vector<1x256xf32>
    %jit3A_363 = arith.constant 0xFF800000 : f32
    %broadcast_in_dim3A_364 = vector.shape_cast %gt3A_362 : vector<1x256xi1> to vector<1x256xi1>
    %broadcast_in_dim3A_365 = vector.broadcast %broadcast_in_dim3A_364 : vector<1x256xi1> to vector<2048x256xi1>
    %broadcast_in_dim3A_366 = vector.broadcast %jit3A_363 : f32 to vector<2048x256xf32>
    %select_n3A_367 = arith.select %broadcast_in_dim3A_365, %reshape3A, %broadcast_in_dim3A_366 : vector<2048x256xi1>, vector<2048x256xf32>
    %reduce_max3A_368 = arith.constant dense<0xFF800000> : vector<2048xf32>
    %reduce_max3A_369 = vector.multi_reduction <maximumf>, %select_n3A_367, %reduce_max3A_368 [1] : vector<2048x256xf32> to vector<2048xf32>
    %broadcast_in_dim3A_370 = vector.shape_cast %reduce_max3A_369 : vector<2048xf32> to vector<2048x1xf32>
    %sub3A_371 = vector.broadcast %broadcast_in_dim3A_370 : vector<2048x1xf32> to vector<2048x256xf32>
    %sub3A_372 = arith.subf %select_n3A_367, %sub3A_371 : vector<2048x256xf32>
    %exp3A_373 = math.exp %sub3A_372 : vector<2048x256xf32>
    %get3A_374 = arith.constant 0 : index
    %get3A_375 = arith.constant 0 : index
    %get3A_376 = arith.constant 30 : index
    %get3A_377 = vector.load %arg2[%get3A_374, %get3A_375, %get3A_376] : memref<1x256x32xf32, #tpu.memory_space<vmem>>, vector<1x256x2xf32>
    %get3A_378 = vector.shape_cast %get3A_377 : vector<1x256x2xf32> to vector<256x2xf32>
    %dot_general3A_379 = arith.constant dense<0.000000e+00> : vector<2048x2xf32>
    %dot_general3A_380 = tpu.matmul %exp3A_373, %get3A_378, %dot_general3A_379 {dimension_numbers = #tpu.dot_dimension_numbers<[1], [0], [0], [1], [0, 0, 1, 1], [], []>, transpose_lhs_hint = false} : vector<2048x256xf32>, vector<256x2xf32>, vector<2048x2xf32> -> vector<2048x2xf32>
    %concatenate3A = tpu.concatenate %dot_general3A_20, %dot_general3A_44, %dot_general3A_68, %dot_general3A_92, %dot_general3A_116, %dot_general3A_140, %dot_general3A_164, %dot_general3A_188, %dot_general3A_212, %dot_general3A_236, %dot_general3A_260, %dot_general3A_284, %dot_general3A_308, %dot_general3A_332, %dot_general3A_356, %dot_general3A_380 in 1 : vector<2048x2xf32>, vector<2048x2xf32>, vector<2048x2xf32>, vector<2048x2xf32>, vector<2048x2xf32>, vector<2048x2xf32>, vector<2048x2xf32>, vector<2048x2xf32>, vector<2048x2xf32>, vector<2048x2xf32>, vector<2048x2xf32>, vector<2048x2xf32>, vector<2048x2xf32>, vector<2048x2xf32>, vector<2048x2xf32>, vector<2048x2xf32> -> vector<2048x32xf32>
    %slice3A = vector.extract_strided_slice %concatenate3A {offsets = [0, 1], sizes = [2048, 31], strides = [1, 1]} : vector<2048x32xf32> to vector<2048x31xf32>
    %slice3A_381 = vector.extract_strided_slice %concatenate3A {offsets = [0, 0], sizes = [2048, 1], strides = [1, 1]} : vector<2048x32xf32> to vector<2048x1xf32>
    %concatenate3A_382 = tpu.concatenate %slice3A, %slice3A_381 in 1 : vector<2048x31xf32>, vector<2048x1xf32> -> vector<2048x32xf32>
    %div3A = arith.divf %concatenate3A, %concatenate3A_382 : vector<2048x32xf32>
    %iota3A = tpu.iota {dimensions = array<i32: 1>} : vector<1x32xi32>
    %jit3A_383 = arith.constant 2 : i32
    %eq3A_384 = arith.constant 0 : i32
    %eq3A_385 = arith.cmpi eq, %jit3A_383, %eq3A_384 : i32
    %jit3A_386 = arith.constant 1 : i32
    %select_n3A_387 = arith.select %eq3A_385, %jit3A_386, %jit3A_383 : i32
    %rem3A = vector.broadcast %select_n3A_387 : i32 to vector<1x32xi32>
    %rem3A_388 = arith.remsi %iota3A, %rem3A : vector<1x32xi32>
    %ne3A = arith.constant 0 : i32
    %ne3A_389 = vector.broadcast %ne3A : i32 to vector<1x32xi32>
    %ne3A_390 = arith.cmpi ne, %rem3A_388, %ne3A_389 : vector<1x32xi32>
    %lt3A = arith.constant 0 : i32
    %lt3A_391 = vector.broadcast %lt3A : i32 to vector<1x32xi32>
    %lt3A_392 = arith.cmpi slt, %rem3A_388, %lt3A_391 : vector<1x32xi32>
    %lt3A_393 = arith.constant 0 : i32
    %lt3A_394 = arith.cmpi slt, %select_n3A_387, %lt3A_393 : i32
    %ne3A_395 = vector.broadcast %lt3A_394 : i1 to vector<1x32xi1>
    %ne3A_396 = vector.broadcast %ne3A_395 : vector<1x32xi1> to vector<1x32xi1>
    %ne3A_397 = arith.xori %lt3A_392, %ne3A_396 : vector<1x32xi1>
    %and3A = arith.andi %ne3A_397, %ne3A_390 : vector<1x32xi1>
    %add3A = vector.broadcast %select_n3A_387 : i32 to vector<1x32xi32>
    %add3A_398 = arith.addi %rem3A_388, %add3A : vector<1x32xi32>
    %select_n3A_399 = arith.select %and3A, %add3A_398, %rem3A_388 : vector<1x32xi1>, vector<1x32xi32>
    %eq3A_400 = arith.constant 0 : i32
    %eq3A_401 = vector.broadcast %eq3A_400 : i32 to vector<1x32xi32>
    %eq3A_402 = arith.cmpi eq, %select_n3A_399, %eq3A_401 : vector<1x32xi32>
    %jit3A_403 = arith.constant 0.000000e+00 : f32
    %broadcast_in_dim3A_404 = vector.shape_cast %eq3A_402 : vector<1x32xi1> to vector<1x32xi1>
    %broadcast_in_dim3A_405 = vector.broadcast %broadcast_in_dim3A_404 : vector<1x32xi1> to vector<2048x32xi1>
    %broadcast_in_dim3A_406 = vector.broadcast %jit3A_403 : f32 to vector<2048x32xf32>
    %select_n3A_407 = arith.select %broadcast_in_dim3A_405, %div3A, %broadcast_in_dim3A_406 : vector<2048x32xi1>, vector<2048x32xf32>
    %reduce_sum3A = arith.constant dense<0.000000e+00> : vector<2048xf32>
    %reduce_sum3A_408 = vector.multi_reduction <add>, %select_n3A_407, %reduce_sum3A [1] : vector<2048x32xf32> to vector<2048xf32>
    %broadcast_in_dim3A_409 = vector.shape_cast %reduce_sum3A_408 : vector<2048xf32> to vector<2048x1xf32>
    %get3A_410 = arith.constant 0 : index
    %get3A_411 = arith.constant 0 : index
    %get3A_412 = arith.constant 0 : index
    %get3A_413 = vector.load %arg14[%get3A_410, %get3A_411, %get3A_412] : memref<8x256x1xf32, #tpu.memory_space<vmem>>, vector<8x256x1xf32>
    %reshape3A_414 = vector.shape_cast %broadcast_in_dim3A_409 : vector<2048x1xf32> to vector<8x256x1xf32>
    %add3A_415 = arith.addf %get3A_413, %reshape3A_414 : vector<8x256x1xf32>
    %swap3A = arith.constant 0 : index
    %swap3A_416 = arith.constant 0 : index
    %swap3A_417 = arith.constant 0 : index
    %swap3A_418 = vector.load %arg14[%swap3A, %swap3A_416, %swap3A_417] : memref<8x256x1xf32, #tpu.memory_space<vmem>>, vector<8x256x1xf32>
    tpu.vector_store %arg14[%swap3A, %swap3A_416, %swap3A_417], %add3A_415 {strides = array<i32>} : memref<8x256x1xf32, #tpu.memory_space<vmem>>, vector<8x256x1xf32>,
    %eq3A_419 = arith.constant 7 : i32
    %eq3A_420 = arith.cmpi eq, %arg0, %eq3A_419 : i32
    %convert_element_type3A_421 = arith.extui %eq3A_420 : i1 to i32
    %cond3A_422 = arith.constant 0 : i32
    %cond3A_423 = arith.cmpi ne, %convert_element_type3A_421, %cond3A_422 : i32
    scf.if %cond3A_423 {
      %get3A_424 = arith.constant 0 : index
      %get3A_425 = arith.constant 0 : index
      %get3A_426 = arith.constant 0 : index
      %get3A_427 = vector.load %arg14[%get3A_424, %get3A_425, %get3A_426] : memref<8x256x1xf32, #tpu.memory_space<vmem>>, vector<1x256x1xf32>
      %get3A_428 = vector.shape_cast %get3A_427 : vector<1x256x1xf32> to vector<256x1xf32>
      %get3A_429 = arith.constant 1 : index
      %get3A_430 = arith.constant 0 : index
      %get3A_431 = arith.constant 0 : index
      %get3A_432 = vector.load %arg14[%get3A_429, %get3A_430, %get3A_431] : memref<8x256x1xf32, #tpu.memory_space<vmem>>, vector<1x256x1xf32>
      %get3A_433 = vector.shape_cast %get3A_432 : vector<1x256x1xf32> to vector<256x1xf32>
      %get3A_434 = arith.constant 2 : index
      %get3A_435 = arith.constant 0 : index
      %get3A_436 = arith.constant 0 : index
      %get3A_437 = vector.load %arg14[%get3A_434, %get3A_435, %get3A_436] : memref<8x256x1xf32, #tpu.memory_space<vmem>>, vector<1x256x1xf32>
      %get3A_438 = vector.shape_cast %get3A_437 : vector<1x256x1xf32> to vector<256x1xf32>
      %get3A_439 = arith.constant 3 : index
      %get3A_440 = arith.constant 0 : index
      %get3A_441 = arith.constant 0 : index
      %get3A_442 = vector.load %arg14[%get3A_439, %get3A_440, %get3A_441] : memref<8x256x1xf32, #tpu.memory_space<vmem>>, vector<1x256x1xf32>
      %get3A_443 = vector.shape_cast %get3A_442 : vector<1x256x1xf32> to vector<256x1xf32>
      %get3A_444 = arith.constant 4 : index
      %get3A_445 = arith.constant 0 : index
      %get3A_446 = arith.constant 0 : index
      %get3A_447 = vector.load %arg14[%get3A_444, %get3A_445, %get3A_446] : memref<8x256x1xf32, #tpu.memory_space<vmem>>, vector<1x256x1xf32>
      %get3A_448 = vector.shape_cast %get3A_447 : vector<1x256x1xf32> to vector<256x1xf32>
      %get3A_449 = arith.constant 5 : index
      %get3A_450 = arith.constant 0 : index
      %get3A_451 = arith.constant 0 : index
      %get3A_452 = vector.load %arg14[%get3A_449, %get3A_450, %get3A_451] : memref<8x256x1xf32, #tpu.memory_space<vmem>>, vector<1x256x1xf32>
      %get3A_453 = vector.shape_cast %get3A_452 : vector<1x256x1xf32> to vector<256x1xf32>
      %get3A_454 = arith.constant 6 : index
      %get3A_455 = arith.constant 0 : index
      %get3A_456 = arith.constant 0 : index
      %get3A_457 = vector.load %arg14[%get3A_454, %get3A_455, %get3A_456] : memref<8x256x1xf32, #tpu.memory_space<vmem>>, vector<1x256x1xf32>
      %get3A_458 = vector.shape_cast %get3A_457 : vector<1x256x1xf32> to vector<256x1xf32>
      %get3A_459 = arith.constant 7 : index
      %get3A_460 = arith.constant 0 : index
      %get3A_461 = arith.constant 0 : index
      %get3A_462 = vector.load %arg14[%get3A_459, %get3A_460, %get3A_461] : memref<8x256x1xf32, #tpu.memory_space<vmem>>, vector<1x256x1xf32>
      %get3A_463 = vector.shape_cast %get3A_462 : vector<1x256x1xf32> to vector<256x1xf32>
      %concatenate3A_464 = tpu.concatenate %get3A_428, %get3A_433, %get3A_438, %get3A_443, %get3A_448, %get3A_453, %get3A_458, %get3A_463 in 1 : vector<256x1xf32>, vector<256x1xf32>, vector<256x1xf32>, vector<256x1xf32>, vector<256x1xf32>, vector<256x1xf32>, vector<256x1xf32>, vector<256x1xf32> -> vector<256x8xf32>
      %mul3A = arith.constant 7.812500e-03 : f32
      %mul3A_465 = vector.broadcast %mul3A : f32 to vector<256x8xf32>
      %mul3A_466 = arith.mulf %concatenate3A_464, %mul3A_465 : vector<256x8xf32>
      %get3A_467 = arith.constant 0 : index
      %get3A_468 = arith.constant 0 : index
      %get3A_469 = vector.load %arg7[%get3A_467, %get3A_468] : memref<128x8xf32, #tpu.memory_space<vmem>>, vector<128x8xf32>
      %dot_general3A_470 = arith.constant dense<0.000000e+00> : vector<256x128xf32>
      %dot_general3A_471 = tpu.matmul %mul3A_466, %get3A_469, %dot_general3A_470 {dimension_numbers = #tpu.dot_dimension_numbers<[1], [1], [0], [0], [0, 0, 1, 0], [], []>, transpose_lhs_hint = false} : vector<256x8xf32>, vector<128x8xf32>, vector<256x128xf32> -> vector<256x128xf32>
      %get3A_472 = arith.constant 0 : index
      %get3A_473 = arith.constant 0 : index
      %get3A_474 = vector.load %arg8[%get3A_472, %get3A_473] : memref<1x128xf32, #tpu.memory_space<vmem>>, vector<1x128xf32>
      %add3A_475 = vector.broadcast %get3A_474 : vector<1x128xf32> to vector<256x128xf32>
      %add3A_476 = arith.addf %dot_general3A_471, %add3A_475 : vector<256x128xf32>
      %get3A_477 = arith.constant 0 : index
      %get3A_478 = arith.constant 0 : index
      %get3A_479 = vector.load %arg4[%get3A_477, %get3A_478] : memref<128x256xf32, #tpu.memory_space<vmem>>, vector<128x256xf32>
      %get3A_480 = arith.constant 0 : index
      %get3A_481 = arith.constant 0 : index
      %get3A_482 = vector.load %arg5[%get3A_480, %get3A_481] : memref<128x128xf32, #tpu.memory_space<vmem>>, vector<128x128xf32>
      %dot_general3A_483 = arith.constant dense<0.000000e+00> : vector<256x128xf32>
      %dot_general3A_484 = tpu.matmul %get3A_479, %get3A_482, %dot_general3A_483 {dimension_numbers = #tpu.dot_dimension_numbers<[0], [1], [1], [0], [0, 1, 1, 0], [], []>, transpose_lhs_hint = false} : vector<128x256xf32>, vector<128x128xf32>, vector<256x128xf32> -> vector<256x128xf32>
      %get3A_485 = arith.constant 0 : index
      %get3A_486 = arith.constant 0 : index
      %get3A_487 = vector.load %arg6[%get3A_485, %get3A_486] : memref<1x128xf32, #tpu.memory_space<vmem>>, vector<1x128xf32>
      %add3A_488 = vector.broadcast %get3A_487 : vector<1x128xf32> to vector<256x128xf32>
      %add3A_489 = arith.addf %dot_general3A_484, %add3A_488 : vector<256x128xf32>
      %get3A_490 = arith.constant 0 : index
      %get3A_491 = arith.constant 0 : index
      %get3A_492 = vector.load %arg9[%get3A_490, %get3A_491] : memref<128x256xf32, #tpu.memory_space<vmem>>, vector<128x128xf32>
      %get3A_493 = arith.constant 0 : index
      %get3A_494 = arith.constant 128 : index
      %get3A_495 = vector.load %arg9[%get3A_493, %get3A_494] : memref<128x256xf32, #tpu.memory_space<vmem>>, vector<128x128xf32>
      %dot_general3A_496 = arith.constant dense<0.000000e+00> : vector<256x128xf32>
      %dot_general3A_497 = tpu.matmul %add3A_489, %get3A_492, %dot_general3A_496 {dimension_numbers = #tpu.dot_dimension_numbers<[1], [1], [0], [0], [0, 0, 1, 0], [], []>, transpose_lhs_hint = false} : vector<256x128xf32>, vector<128x128xf32>, vector<256x128xf32> -> vector<256x128xf32>
      %dot_general3A_498 = arith.constant dense<0.000000e+00> : vector<256x128xf32>
      %dot_general3A_499 = tpu.matmul %add3A_476, %get3A_495, %dot_general3A_498 {dimension_numbers = #tpu.dot_dimension_numbers<[1], [1], [0], [0], [0, 0, 1, 0], [], []>, transpose_lhs_hint = false} : vector<256x128xf32>, vector<128x128xf32>, vector<256x128xf32> -> vector<256x128xf32>
      %add3A_500 = arith.addf %dot_general3A_497, %dot_general3A_499 : vector<256x128xf32>
      %get3A_501 = arith.constant 0 : index
      %get3A_502 = arith.constant 0 : index
      %get3A_503 = vector.load %arg10[%get3A_501, %get3A_502] : memref<1x128xf32, #tpu.memory_space<vmem>>, vector<1x128xf32>
      %add3A_504 = vector.broadcast %get3A_503 : vector<1x128xf32> to vector<256x128xf32>
      %add3A_505 = arith.addf %add3A_500, %add3A_504 : vector<256x128xf32>
      %max3A = arith.constant 0.000000e+00 : f32
      %max3A_506 = vector.broadcast %max3A : f32 to vector<256x128xf32>
      %max3A_507 = arith.maximumf %add3A_505, %max3A_506 : vector<256x128xf32>
      %get3A_508 = arith.constant 0 : index
      %get3A_509 = arith.constant 0 : index
      %get3A_510 = vector.load %arg11[%get3A_508, %get3A_509] : memref<128x128xf32, #tpu.memory_space<vmem>>, vector<128x128xf32>
      %dot_general3A_511 = arith.constant dense<0.000000e+00> : vector<256x128xf32>
      %dot_general3A_512 = tpu.matmul %max3A_507, %get3A_510, %dot_general3A_511 {dimension_numbers = #tpu.dot_dimension_numbers<[1], [1], [0], [0], [0, 0, 1, 0], [], []>, transpose_lhs_hint = false} : vector<256x128xf32>, vector<128x128xf32>, vector<256x128xf32> -> vector<256x128xf32>
      %get3A_513 = arith.constant 0 : index
      %get3A_514 = arith.constant 0 : index
      %get3A_515 = vector.load %arg12[%get3A_513, %get3A_514] : memref<1x128xf32, #tpu.memory_space<vmem>>, vector<1x128xf32>
      %add3A_516 = vector.broadcast %get3A_515 : vector<1x128xf32> to vector<256x128xf32>
      %add3A_517 = arith.addf %dot_general3A_512, %add3A_516 : vector<256x128xf32>
      %logistic3A = arith.negf %add3A_517 : vector<256x128xf32>
      %logistic3A_518 = math.exp %logistic3A : vector<256x128xf32>
      %logistic3A_519 = arith.constant 1.000000e+00 : f32
      %logistic3A_520 = vector.broadcast %logistic3A_519 : f32 to vector<256x128xf32>
      %logistic3A_521 = arith.addf %logistic3A_520, %logistic3A_518 : vector<256x128xf32>
      %logistic3A_522 = arith.divf %logistic3A_520, %logistic3A_521 : vector<256x128xf32>
      %mul3A_523 = arith.mulf %logistic3A_522, %add3A_489 : vector<256x128xf32>
      %sub3A_524 = arith.constant 1.000000e+00 : f32
      %sub3A_525 = vector.broadcast %sub3A_524 : f32 to vector<256x128xf32>
      %sub3A_526 = arith.subf %sub3A_525, %logistic3A_522 : vector<256x128xf32>
      %mul3A_527 = arith.mulf %sub3A_526, %add3A_476 : vector<256x128xf32>
      %add3A_528 = arith.addf %mul3A_523, %mul3A_527 : vector<256x128xf32>
      %swap3A_529 = arith.constant 0 : index
      %swap3A_530 = arith.constant 0 : index
      %swap3A_531 = vector.load %arg13[%swap3A_529, %swap3A_530] : memref<256x128xf32, #tpu.memory_space<vmem>>, vector<256x128xf32>
      tpu.vector_store %arg13[%swap3A_529, %swap3A_530], %add3A_528 {strides = array<i32>} : memref<256x128xf32, #tpu.memory_space<vmem>>, vector<256x128xf32>,
    } else {
    }
    return
  }
  func.func @transform_0(%arg0: i32) -> (i32, i32) {
    %c0_i32 = arith.constant 0 : i32
    %c0_i32_0 = arith.constant 0 : i32
    return %arg0, %c0_i32 : i32, i32
  }
  func.func @transform_1(%arg0: i32) -> (i32, i32, i32) {
    %c0_i32 = arith.constant 0 : i32
    %c0_i32_0 = arith.constant 0 : i32
    %c0_i32_1 = arith.constant 0 : i32
    return %arg0, %c0_i32, %c0_i32_0 : i32, i32, i32
  }
  func.func @transform_2(%arg0: i32) -> (i32, i32, i32) {
    %c0_i32 = arith.constant 0 : i32
    %c0_i32_0 = arith.constant 0 : i32
    %c0_i32_1 = arith.constant 0 : i32
    %c0_i32_2 = arith.constant 0 : i32
    return %c0_i32, %c0_i32_0, %c0_i32_1 : i32, i32, i32
  }
  func.func @transform_3(%arg0: i32) -> (i32, i32) {
    %c0_i32 = arith.constant 0 : i32
    %c0_i32_0 = arith.constant 0 : i32
    %c0_i32_1 = arith.constant 0 : i32
    return %c0_i32, %c0_i32_0 : i32, i32
  }
  func.func @transform_4(%arg0: i32) -> (i32, i32) {
    %c0_i32 = arith.constant 0 : i32
    %c0_i32_0 = arith.constant 0 : i32
    %c0_i32_1 = arith.constant 0 : i32
    return %c0_i32, %c0_i32_0 : i32, i32
  }
  func.func @transform_5(%arg0: i32) -> (i32, i32) {
    %c0_i32 = arith.constant 0 : i32
    %c0_i32_0 = arith.constant 0 : i32
    %c0_i32_1 = arith.constant 0 : i32
    return %c0_i32, %c0_i32_0 : i32, i32
  }
  func.func @transform_6(%arg0: i32) -> (i32, i32) {
    %c0_i32 = arith.constant 0 : i32
    %c0_i32_0 = arith.constant 0 : i32
    %c0_i32_1 = arith.constant 0 : i32
    return %c0_i32, %c0_i32_0 : i32, i32
  }
  func.func @transform_7(%arg0: i32) -> (i32, i32) {
    %c0_i32 = arith.constant 0 : i32
    %c0_i32_0 = arith.constant 0 : i32
    %c0_i32_1 = arith.constant 0 : i32
    return %c0_i32, %c0_i32_0 : i32, i32
  }
  func.func @transform_8(%arg0: i32) -> (i32, i32) {
    %c0_i32 = arith.constant 0 : i32
    %c0_i32_0 = arith.constant 0 : i32
    %c0_i32_1 = arith.constant 0 : i32
    return %c0_i32, %c0_i32_0 : i32, i32
  }
  func.func @transform_9(%arg0: i32) -> (i32, i32) {
    %c0_i32 = arith.constant 0 : i32
    %c0_i32_0 = arith.constant 0 : i32
    %c0_i32_1 = arith.constant 0 : i32
    return %c0_i32, %c0_i32_0 : i32, i32
  }
  func.func @transform_10(%arg0: i32) -> (i32, i32) {
    %c0_i32 = arith.constant 0 : i32
    %c0_i32_0 = arith.constant 0 : i32
    %c0_i32_1 = arith.constant 0 : i32
    return %c0_i32, %c0_i32_0 : i32, i32
  }
  func.func @transform_11(%arg0: i32) -> (i32, i32) {
    %c0_i32 = arith.constant 0 : i32
    %c0_i32_0 = arith.constant 0 : i32
    %c0_i32_1 = arith.constant 0 : i32
    return %c0_i32, %c0_i32_0 : i32, i32
  }
  func.func @transform_12(%arg0: i32) -> (i32, i32) {
    %c0_i32 = arith.constant 0 : i32
    %c0_i32_0 = arith.constant 0 : i32
    %c0_i32_1 = arith.constant 0 : i32
    return %c0_i32, %c0_i32_0 : i32, i32
  }
}

</mosaic_0001>

<sc_bundles>
// kernel: kernel.5.cloned.1.call-start
scs
__scs_entry_jumppad:
0x0: {  	(pc) =	sbr.rel $0x88, $3  }
0x1: {  	(tag) =	ssettag $0x0;
	lr =	simm.s32 $0x1  }
0x2: {  	[smem:$0x3F90] =	sst lr;
	_ =	strace $0xD0000000  }
0x3: {  	_ = 	snop  }
0x4: {  	_ = 	snop  }
0x5: {  	_ = 	snop  }
0x6: {  	_ = 	snop  }
0x7: {  	_ = 	snop  }
__scs_overlays_trampoline_lowered:
0x8: {  	[smem:$0x3F9F] =	sst s0  }
0x9: {  	[smem:$0x3FA0] =	sst s1  }
0xa: {  	[smem:$0x3FA1] =	sst s2  }
0xb: {  	[smem:$0x3FA2] =	sst s3  }
0xc: {  	[smem:$0x3FA3] =	sst s4  }
0xd: {  	[smem:$0x3FA4] =	sst s5  }
0xe: {  	[smem:$0x3FA5] =	sst s6  }
0xf: {  	[smem:$0x3FA6] =	sst s7  }
0x10: {  	[smem:$0x3FA7] =	sst s8  }
0x11: {  	[smem:$0x3FA8] =	sst s9;
	s0 =	simm.s32 @!p0 $0x0  }
0x12: {  	s1 =	sld [smem:$0x3F8E];
	s0 =	simm.s32 @p0 $0x1  }
0x13: {  	[smem:$0x3FA9] =	sst s0;
	s0 =	simm.s32 @!p1 $0x0  }
0x14: {  	s2 =	sld [smem:$0x3F8D];
	s0 =	simm.s32 @p1 $0x1  }
0x15: {  	[smem:$0x3FAA] =	sst s0;
	s0 =	simm.s32 @!p2 $0x0  }
0x16: {  	s3 =	sld [smem:$0x3FDB];
	s0 =	simm.s32 @p2 $0x1  }
0x17: {  	s4 =	simm.s32 $0x1BF5;
	[smem:$0x3FAC] =	sst s0  }
0x18: {  	s0 =	sld [smem:$0x3F8F];
	_ =	swait.ge [sflag:s4], $0x0  }
0x19: {  	s7 =	sld [smem:$0x3F90]  }
0x1a: {  	s8 =	sadd.s32 $0xFFFFE003, lr  }
0x1b: {  	s9 =	sadd.s32 $0xFFFFFEF7, lr;
	s5 =	simm.s32 $0xFFFFFFFF;
	p2 =	slt.u32 s8, $0xFFFFF086  }
0x1c: {  	p1 =	slt.u32 s9, $0xF7A;
	s5 =	simm.s32 @!p2 $0x0  }
0x1d: {  	s5 =	simm.s32 @p1 $0x1;
	p0 =	seq.s32 s7, s2  }
0x1e: {  	s7 =	smul.u32 @!p0 $0xF7A, s2;
	p2 =	seq.s32 @!p0 s5, $0x0  }
0x1f: {  	s9 =	smul.u32 $0xF7A, s1;
	s8 =	simm.s32 @!p0 $0x1BF5;
	p2 =	por !p2, p0  }
0x20: {  	[sflag:s8] =	ssyncset.s32 @!p0 $0xFFFFF086;
	s6 =	sadd.s32 @!p0 s3, s7;
	s7 =	simm.s32 @!p0 $0x108  }
0x21: {  	s3 =	sadd.s32 s3, s9;
	s6 =	sadd.s32 @!p0 $0x88, s6;
	s7 =	simm.s32 @p2 $0x1082  }
0x22: {  	[simem:s7], [sflag:s8] =	dma.local @!p0 [hbm:s6], $0xF7A  }
0x23: {  	s9 =	sor.u32 $0xD0000000, s2;
	s6 =	simm.s32 $0x108;
	_ =	swait.ge @!p0 [sflag:s8], $0x0  }
0x24: {  	s3 =	sadd.s32 $0x88, s3;
	s6 =	simm.s32 @!p1 $0x1082;
	[sflag:s4] =	ssyncset.s32 $0xFFFFF086  }
0x25: {  	[simem:s6], [sflag:s4] =	dma.local [hbm:s3], $0xF7A  }
0x26: {  	[smem:$0x3F90] =	sst s1;
	(tag) =	ssettag s2;
	_ =	strace s9  }
0x27: {  	s1 =	sld [smem:$0x3FA0]  }
0x28: {  	s2 =	sld [smem:$0x3FA1]  }
0x29: {  	s4 =	sld [smem:$0x3FA3]  }
0x2a: {  	p0 =	seq.s32 s5, $0x0;
	s5 =	sld [smem:$0x3FA4]  }
0x2b: {  	s6 =	sld [smem:$0x3FA5]  }
0x2c: {  	s7 =	sld [smem:$0x3FA6]  }
0x2d: {  	s3 =	simm.s32 $0x108;
	s8 =	sld [smem:$0x3FA7]  }
0x2e: {  	s3 =	simm.s32 @!p0 $0x1082;
	s9 =	sld [smem:$0x3FA8]  }
0x2f: {  	lr =	sadd.s32 s0, s3;
	s0 =	sld [smem:$0x3F9F]  }
0x30: {  	s3 =	sld [smem:$0x3FA2]  }
0x31: {  	[smem:$0x3FAB] =	sst s10  }
0x32: {  	s10 =	sld [smem:$0x3FA9];
	_ =	sdelay $0x3  }
0x33: {  	p0 =	seq.s32 s10, $0x1;
	s10 =	sld [smem:$0x3FAB];
	_ =	sdelay $0x3  }
0x34: {  	[smem:$0x3FAB] =	sst s10  }
0x35: {  	s10 =	sld [smem:$0x3FAA];
	_ =	sdelay $0x3  }
0x36: {  	p1 =	seq.s32 s10, $0x1;
	s10 =	sld [smem:$0x3FAB];
	_ =	sdelay $0x3  }
0x37: {  	[smem:$0x3FAB] =	sst s10  }
0x38: {  	s10 =	sld [smem:$0x3FAC]  }
0x39: {  	_ = 	snop;
	(pc) =	sbr.ind lr, $3  }
0x3a: {  	_ = 	snop  }
0x3b: {  	_ = 	snop  }
0x3c: {  	p2 =	seq.s32 s10, $0x1;
	s10 =	sld [smem:$0x3FAB]  }
0x3d: {  	_ =	shalt  }
0x3e: {  	_ =	shalt  }
0x3f: {  	_ =	shalt  }
0x40: {  	_ =	shalt  }
0x41: {  	_ =	shalt  }
0x42: {  	_ =	shalt  }
0x43: {  	_ =	shalt  }
0x44: {  	_ =	shalt  }
0x45: {  	_ =	shalt  }
0x46: {  	_ =	shalt  }
0x47: {  	_ =	shalt  }
0x48: {  	_ =	shalt  }
0x49: {  	_ =	shalt  }
0x4a: {  	_ =	shalt  }
0x4b: {  	_ =	shalt  }
0x4c: {  	_ =	shalt  }
0x4d: {  	_ =	shalt  }
0x4e: {  	_ =	shalt  }
0x4f: {  	_ =	shalt  }
0x50: {  	_ =	shalt  }
0x51: {  	_ =	shalt  }
0x52: {  	_ =	shalt  }
0x53: {  	_ =	shalt  }
0x54: {  	_ =	shalt  }
0x55: {  	_ =	shalt  }
0x56: {  	_ =	shalt  }
0x57: {  	_ =	shalt  }
0x58: {  	_ =	shalt  }
0x59: {  	_ =	shalt  }
0x5a: {  	_ =	shalt  }
0x5b: {  	_ =	shalt  }
0x5c: {  	_ =	shalt  }
0x5d: {  	_ =	shalt  }
0x5e: {  	_ =	shalt  }
0x5f: {  	_ =	shalt  }
0x60: {  	_ =	shalt  }
0x61: {  	_ =	shalt  }
0x62: {  	_ =	shalt  }
0x63: {  	_ =	shalt  }
0x64: {  	_ =	shalt  }
0x65: {  	_ =	shalt  }
0x66: {  	_ =	shalt  }
0x67: {  	_ =	shalt  }
0x68: {  	_ =	shalt  }
0x69: {  	_ =	shalt  }
0x6a: {  	_ =	shalt  }
0x6b: {  	_ =	shalt  }
0x6c: {  	_ =	shalt  }
0x6d: {  	_ =	shalt  }
0x6e: {  	_ =	shalt  }
0x6f: {  	_ =	shalt  }
0x70: {  	_ =	shalt  }
0x71: {  	_ =	shalt  }
0x72: {  	_ =	shalt  }
0x73: {  	_ =	shalt  }
0x74: {  	_ =	shalt  }
0x75: {  	_ =	shalt  }
0x76: {  	_ =	shalt  }
0x77: {  	_ =	shalt  }
0x78: {  	_ =	shalt  }
0x79: {  	_ =	shalt  }
0x7a: {  	_ =	shalt  }
0x7b: {  	_ =	shalt  }
0x7c: {  	_ =	shalt  }
0x7d: {  	_ =	shalt  }
0x7e: {  	_ =	shalt  }
0x7f: {  	_ =	shalt  }
0x80: {  	_ =	shalt  }
0x81: {  	_ =	shalt  }
0x82: {  	_ =	shalt  }
0x83: {  	_ =	shalt  }
0x84: {  	_ =	shalt  }
0x85: {  	_ =	shalt  }
0x86: {  	_ =	shalt  }
0x87: {  	_ =	shalt  }
.Lfunc_end0:
.L_simem_size_0:
called_computation_lowered:
.L_overlay_start_0:
0x88: {  	s2 =	sld [smem:$0x3FD9]  }
0x89: {  	s3 =	sld [smem:$0x3FFE];
	_ =	sdelay $0x1  }
0x8a: {  	s1 =	srdreg.scid  }
0x8b: {  	s0 =	sand.u32 $0x1, s1  }
0x8c: {  	s17 =	sshll.u32 s0, $0xA;
	s2 =	sadd.s32 s3, s2  }
0x8d: {  	s2 =	sadd.s32 s2, s17  }
0x8e: {  	[smem:$0x3FB7] =	sst s2  }
0x8f: {  	_ = 	snop  }
0x90: {  	s2 =	sld [smem:$0x3FC9]  }
0x91: {  	s18 =	sld [smem:$0x3FD0];
	(tm) =	ssettm $0x1  }
0x92: {  	s4 =	sld [smem:$0x3FFB];
	_ =	sdelay $0x3  }
0x93: {  	_ =	strace s4  }
0x94: {  	s4 =	sld [smem:$0x3FFC];
	_ =	sdelay $0x3  }
0x95: {  	_ =	strace s4  }
0x96: {  	s4 =	sld [smem:$0x3FFD];
	_ =	sdelay $0x3  }
0x97: {  	_ =	strace s4  }
0x98: {  	_ =	strace $0x8FFFFFFF  }
0x99: {  	s19 =	sld [smem:$0x3FDB];
	_ =	sdelay $0x1  }
0x9a: {  	s5 =	simm.s32 $_scs_section_size  }
0x9b: {  	s6 =	simm.s32 $_size__tile_overlayer_lowered;
	s7 =	simm.s32 $_tile_overlayer_lowered  }
0x9c: {  	s22 =	simm.s32 $0x1BFF;
	s21 =	sshll.u32 s7, $0x1;
	s4 =	sadd.s32 s5, s19  }
0x9d: {  	s8 =	simm.s32 $0x0;
	s20 =	sshll.u32 s6, $0x1;
	s6 =	sadd.s32 s21, s4  }
0x9e: {  	[timem:s8], [sflag:s22] =	dma.local [hbm:s6], s20  }
0x9f: {  	_ =	swait.ge [sflag:s22], s20  }
0xa0: {  	s5 =	ssub.s32 $0x0, s20;
	[sflag:s22] =	ssyncset.done $0x0  }
0xa1: {  	[sflag:s22] =	ssyncadd.s32 s5;
	_ =	sdelay $0x1  }
0xa2: {  	s23 =	simm.s32 $0x1B8B  }
0xa3: {  	_ =	swait.ge [sflag:s23], $0x1  }
0xa4: {  	[sflag:s23] =	ssyncset.done $0x0  }
0xa5: {  	s25 =	simm.s32 $0x1B8E;
	s24 =	sld [smem:$0x3FFE];
	[sflag:s23] =	ssyncadd.s32 $0xFFFFFFFF  }
0xa6: {  	s26 =	simm.s32 $execute0_lowered;
	[smem:$0x3FD2] =	sst s25  }
0xa7: {  	s6 =	sshll.u32 s26, $0x1;
	_ =	strace $0x80000046;
	[dreg:$0x1] =	wrdreg $0xFFFFFFFF  }
0xa8: {  	s28 =	simm.s32 $_size_execute0_lowered;
	s4 =	sadd.s32 s4, s6;
	[dreg:$0x0] =	wrdreg $0x0  }
0xa9: {  	s6 =	sshll.u32 s28, $0x1;
	[dreg:$0x2] =	wrdreg s4  }
0xaa: {  	[dreg:$0x3] =	wrdreg s6  }
0xab: {  	[dreg:$0x4] =	wrdreg $0xC0  }
0xac: {  	_ =	task [dreg:s8], $0x5FFFF  }
0xad: {  	[dreg:$0x1] =	wrdreg $0xFFFFFFFF  }
0xae: {  	[dreg:$0x0] =	wrdreg $0x60  }
0xaf: {  	[dreg:$0x2] =	wrdreg s2  }
0xb0: {  	[dreg:$0x3] =	wrdreg s18  }
0xb1: {  	[dreg:$0x4] =	wrdreg s24  }
0xb2: {  	[dreg:$0x5] =	wrdreg $0x9  }
0xb3: {  	_ =	task.clear_ibuf [dreg:s8], $0x6FFFF;
	_ =	strace $0x90000046  }
0xb4: {  	s29 =	simm.s32 $0x9;
	_ =	strace $0x80000048  }
0xb5: {  	_ =	swait.ge [sflag:s29], $0x1  }
0xb6: {  	[sflag:s29] =	ssyncadd.s32 $0xFFFFFFFF  }
0xb7: {  	_ =	strace $0x90000048  }
0xb8: {  	_ =	sfence  }
0xb9: {  	s30 =	sld [smem:$0x0];
	_ =	sdelay $0x2  }
0xba: {  	s31 =	sshll.u32 s1, $0xD;
	s1 =	sshrl.u32 s1, $0x2  }
0xbb: {  	s3 =	sand.u32 $0x4000, s31;
	s1 =	sadd.s32 s1, s30  }
0xbc: {  	s0 =	sor.u32 s3, s0;
	s1 =	sshll.u32 s1, $0x11  }
0xbd: {  	s0 =	sor.u32 s1, s0  }
0xbe: {  	s0 =	sadd.s32 $0x8F2B, s0  }
0xbf: {  	[sflag:s0] =	ssyncadd.remote.s32 $0x1  }
0xc0: {  	_ =	sfence.sel $0xFFFF  }
0xc1: {  	[dreg:$0x0] =	wrdreg $0xFFFFFFFF;
	(pc) =	sbr.abs _section_cstart, $3  }
0xc2: {  	[dreg:$0x1] =	wrdreg $0xFFFFFFFF  }
0xc3: {  	_ =	task.clear_ibuf [dreg:s8], $0x2FFFF;
	_ =	strace $0x9FFFFFFF  }
0xc4: {  	(tm) =	ssettm $0x7FFFFFFF  }
0xc5: {  	_ =	shalt  }
tec
execute0_lowered:
.L_overlay_start_1:
0x0: {  	(tag) =	ssettag $0x1  }
0x1: {  	s0 =	rddreg [dreg:$0x0]  }
0x2: {  	s1 =	rddreg [dreg:$0x1]  }
0x3: {  	s2 =	rddreg [dreg:$0x2];
	s3 =	simm.s32 $0x0;
	s5 =	srdreg.scid  }
0x4: {  	s10 =	stileid.u32;
	s29 =	simm.s32 $0x80;
	s30 =	simm.s32 $0x400  }
0x5: {  	s31 =	simm.s32 $0x1;
	[smem:$0x7FF] =	sst s3;
	s26 =	sadd.s32 $0x2600, s2  }
0x6: {  	s4 =	sadd.s32 $0x4E00, s2;
	s6 =	sadd.s32 $0x3E00, s2;
	s5 =	sand.u32 $0x1, s5  }
0x7: {  	s2 =	sadd.s32 $0x2E00, s2;
	s8 =	sshll.u32 s10, $0xB;
	s14 =	sshll.u32 s10, $0xA  }
0x8: {  	s3 =	simm.s32 $0x600;
	s7 =	sshll.u32 s5, $0x9;
	s5 =	ssub.s32 $0x2, s5  }
0x9: {  	s9 =	sor.u32 s7, s8;
	s17 =	sshrl.u32 s5, $0x1;
	s11 =	sor.u32 s7, s14  }
0xa: {  	s21 =	sor.u32 $0x80, s7;
	s15 =	sor.u32 $0x100, s7;
	s7 =	sor.u32 $0x180, s7  }
0xb: {  	s9 =	sshrl.u32 s9, $0x3;
	s5 =	ssub.s32 s5, s17;
	s19 =	sshrl.u32 s11, $0x3  }
0xc: {  	s24 =	sor.u32 s8, s21;
	s16 =	sor.u32 s8, s15;
	s15 =	sor.u32 s14, s15  }
0xd: {  	s8 =	sor.u32 s8, s7;
	s7 =	sor.u32 s14, s7;
	s18 =	sadd.s32 s1, s9  }
0xe: {  	s20 =	sadd.s32 s0, s9;
	s10 =	sadd.s32 s26, s19;
	[dreg:$0x4] =	wrdreg s18  }
0xf: {  	s22 =	sadd.s32 s4, s9;
	s23 =	sadd.s32 s6, s9;
	[dreg:$0x5] =	wrdreg s20  }
0x10: {  	s9 =	sadd.s32 s2, s9;
	s13 =	sshrl.u32 s24, $0x3;
	[dreg:$0x6] =	wrdreg s10  }
0x11: {  	s15 =	sshrl.u32 s15, $0x3;
	s7 =	sshrl.u32 s7, $0x3;
	[dreg:$0x7] =	wrdreg s22  }
0x12: {  	s28 =	smax.u32 s5, $0x1;
	s24 =	simm.s32 $0x100;
	[dreg:$0x8] =	wrdreg s23  }
0x13: {  	s5 =	simm.s32 $0x0;
	[dreg:$0x9] =	wrdreg s9;
	s10 =	sor.u32 s14, s21  }
0x14: {  	s25 =	sadd.s32 s1, s13;
	s9 =	sadd.s32 s0, s13;
	s11 =	sadd.s32 s4, s13  }
0x15: {  	s12 =	sadd.s32 s6, s13;
	s13 =	sadd.s32 s2, s13;
	s20 =	sshrl.u32 s16, $0x3  }
0x16: {  	s15 =	sadd.s32 s26, s15;
	s16 =	sadd.s32 s26, s7;
	[dreg:$0xa] =	wrdreg s25  }
0x17: {  	v0 =	vimm.s32 $0xFFFFFFFF;
	v1 =	vimm.f32 $0.0e+00;
	v2 =	vimm.f32 $1.000000000e+00;
	s10 =	sshrl.u32 s10, $0x3;
	s14 =	sadd.s32 s1, s20;
	s17 =	sadd.s32 s0, s20  }
0x18: {  	vm0 =	vcmask $0x704;
	vm1 =	vcmask $0xB08;
	vm2 =	vcmask $0xF0C;
	s18 =	sadd.s32 s4, s20;
	s19 =	sadd.s32 s6, s20;
	s20 =	sadd.s32 s2, s20  }
0x19: {  	vm3 =	vcmask $0x1310;
	vm4 =	vcmask $0x1714;
	vm5 =	vcmask $0x1B18;
	s10 =	sadd.s32 s26, s10;
	s26 =	sshrl.u32 s8, $0x3;
	_ =	strace $0x80000047  }
0x1a: {  	vm6 =	vcmask $0x1F1C;
	vm7 =	vcmask $0x2320;
	vm8 =	vcmask $0x2724;
	s21 =	sadd.s32 s1, s26;
	s22 =	sadd.s32 s0, s26;
	s23 =	sadd.s32 s4, s26  }
0x1b: {  	vm9 =	vcmask $0x2B28;
	vm10 =	vcmask $0x2F2C;
	vm11 =	vcmask $0x3330;
	s25 =	sadd.s32 s6, s26;
	s26 =	sadd.s32 s2, s26;
	s1 =	simm.s32 $0x700  }
0x1c: {  	vm12 =	vcmask $0x3734;
	vm13 =	vcmask $0x3B38;
	vm14 =	vcmask $0x3F3C;
	s0 =	simm.s32 $0x200;
	s2 =	simm.s32 $0x500;
	s4 =	simm.s32 $0x300  }
.LBB2_1:
0x1d: {  	s6 =	simm.s32 $0x0;
	s7 =	rddreg [dreg:$0x4]  }
0x1e: {  	[tilespmem:s6], [sflag:$0x1] =	stream.strided.gather [hbm4b:s7+s29], $0x100, s30, s29, $0x38;
	[tilespmem:$0x780] =	vst v63  }
0x1f: {  	_ =	swait.ge [sflag:s31], $0x100  }
0x20: {  	[sflag:s31] =	ssyncset.done $0x0  }
0x21: {  	s8 =	rddreg [dreg:$0x5];
	[sflag:s31] =	ssyncadd.s32 $0xFFFFFF00  }
0x22: {  	[tilespmem:s24], [sflag:$0x1] =	stream.strided.gather [hbm4b:s8+s29], $0x100, s30, s29, $0x38;
	[tilespmem:$0x780] =	vst v63  }
0x23: {  	_ =	swait.ge [sflag:s31], $0x100  }
0x24: {  	[sflag:s31] =	ssyncset.done $0x0  }
0x25: {  	s8 =	rddreg [dreg:$0x6];
	[sflag:s31] =	ssyncadd.s32 $0xFFFFFF00  }
0x26: {  	[tilespmem:s1], [sflag:$0x1] =	stream.linear.gather [hbm4b:s8+s6], $0x80, $0x38;
	[tilespmem:$0x780] =	vst v63  }
0x27: {  	_ =	swait.ge [sflag:s31], $0x80  }
0x28: {  	[sflag:s31] =	ssyncset.done $0x0  }
0x29: {  	[sflag:s31] =	ssyncadd.s32 $0xFFFFFF80  }
0x2a: {  	[tilespmem:$0x200] =	vst v0  }
0x2b: {  	[tilespmem:$0x500] =	vst v1  }
0x2c: {  	[tilespmem:$0x600] =	vst v1  }
0x2d: {  	[tilespmem:$0x210] =	vst v0  }
0x2e: {  	[tilespmem:$0x510] =	vst v1  }
0x2f: {  	[tilespmem:$0x610] =	vst v1  }
0x30: {  	[tilespmem:$0x220] =	vst v0  }
0x31: {  	[tilespmem:$0x520] =	vst v1  }
0x32: {  	[tilespmem:$0x620] =	vst v1  }
0x33: {  	[tilespmem:$0x230] =	vst v0  }
0x34: {  	[tilespmem:$0x530] =	vst v1  }
0x35: {  	[tilespmem:$0x630] =	vst v1  }
0x36: {  	[tilespmem:$0x240] =	vst v0  }
0x37: {  	[tilespmem:$0x540] =	vst v1  }
0x38: {  	[tilespmem:$0x640] =	vst v1  }
0x39: {  	[tilespmem:$0x250] =	vst v0  }
0x3a: {  	[tilespmem:$0x550] =	vst v1  }
0x3b: {  	[tilespmem:$0x650] =	vst v1  }
0x3c: {  	[tilespmem:$0x260] =	vst v0  }
0x3d: {  	[tilespmem:$0x560] =	vst v1  }
0x3e: {  	[tilespmem:$0x660] =	vst v1  }
0x3f: {  	[tilespmem:$0x270] =	vst v0  }
0x40: {  	[tilespmem:$0x570] =	vst v1  }
0x41: {  	[tilespmem:$0x670] =	vst v1  }
0x42: {  	[tilespmem:$0x280] =	vst v0  }
0x43: {  	[tilespmem:$0x580] =	vst v1  }
0x44: {  	[tilespmem:$0x680] =	vst v1  }
0x45: {  	[tilespmem:$0x290] =	vst v0  }
0x46: {  	[tilespmem:$0x590] =	vst v1  }
0x47: {  	[tilespmem:$0x690] =	vst v1  }
0x48: {  	[tilespmem:$0x2A0] =	vst v0  }
0x49: {  	[tilespmem:$0x5A0] =	vst v1  }
0x4a: {  	[tilespmem:$0x6A0] =	vst v1  }
0x4b: {  	[tilespmem:$0x2B0] =	vst v0  }
0x4c: {  	[tilespmem:$0x5B0] =	vst v1  }
0x4d: {  	[tilespmem:$0x6B0] =	vst v1  }
0x4e: {  	[tilespmem:$0x2C0] =	vst v0  }
0x4f: {  	[tilespmem:$0x5C0] =	vst v1  }
0x50: {  	[tilespmem:$0x6C0] =	vst v1  }
0x51: {  	[tilespmem:$0x2D0] =	vst v0  }
0x52: {  	[tilespmem:$0x5D0] =	vst v1  }
0x53: {  	[tilespmem:$0x6D0] =	vst v1  }
0x54: {  	[tilespmem:$0x2E0] =	vst v0  }
0x55: {  	[tilespmem:$0x5E0] =	vst v1  }
0x56: {  	[tilespmem:$0x6E0] =	vst v1  }
0x57: {  	[tilespmem:$0x2F0] =	vst v0  }
0x58: {  	[tilespmem:$0x5F0] =	vst v1  }
0x59: {  	s6 =	simm.s32 $0x0;
	[tilespmem:$0x6F0] =	vst v1  }
.LBB2_2:
0x5a: {  	s7 =	sshra.s32 s6, $0x2  }
0x5b: {  	v3 =	vld [tilespmem:s7+$0x0];
	_ =	sdelay $0x4  }
0x5c: {  	v4 =	vld [tilespmem:s7+$0x100];
	_ =	sdelay $0x2  }
0x5d: {  	[tilespmem:v3+s0+$0x0] =	vst.idx.msk $0xffff, v3  }
0x5e: {  	[tilespmem:v3+s2+$0x0] =	vst.idx.add.f32.msk $0xffff, v2  }
0x5f: {  	[tilespmem:v3+s3+$0x0] =	vst.idx.add.f32.msk $0xffff, v4  }
0x60: {  	[tilespmem:v3+s4+$0x0] =	vst.idx.msk $0x1, v4  }
0x61: {  	[tilespmem:v3+s4+$0x0] =	vst.idx.msk vm0, v4  }
0x62: {  	[tilespmem:v3+s4+$0x0] =	vst.idx.msk vm1, v4  }
0x63: {  	[tilespmem:v3+s4+$0x0] =	vst.idx.msk vm2, v4  }
0x64: {  	[tilespmem:v3+s4+$0x0] =	vst.idx.msk vm3, v4  }
0x65: {  	[tilespmem:v3+s4+$0x0] =	vst.idx.msk vm4, v4  }
0x66: {  	[tilespmem:v3+s4+$0x0] =	vst.idx.msk vm5, v4  }
0x67: {  	[tilespmem:v3+s4+$0x0] =	vst.idx.msk vm6, v4  }
0x68: {  	[tilespmem:v3+s4+$0x0] =	vst.idx.msk vm7, v4  }
0x69: {  	[tilespmem:v3+s4+$0x0] =	vst.idx.msk vm8, v4  }
0x6a: {  	p0 =	sne.s32 s6, $0x3C0;
	[tilespmem:v3+s4+$0x0] =	vst.idx.msk vm9, v4  }
.Ltmp0:
0x6b: {  	[tilespmem:v3+s4+$0x0] =	vst.idx.msk vm10, v4;
	(pc) =	sbr.rel @p0 .LBB2_2-.Ltmp0, $4  }
0x6c: {  	[tilespmem:v3+s4+$0x0] =	vst.idx.msk vm11, v4  }
0x6d: {  	[tilespmem:v3+s4+$0x0] =	vst.idx.msk vm12, v4  }
0x6e: {  	[tilespmem:v3+s4+$0x0] =	vst.idx.msk vm13, v4  }
0x6f: {  	s6 =	sadd.s32 $0x40, s6;
	[tilespmem:v3+s4+$0x0] =	vst.idx.msk vm14, v4  }
0x70: {  	s6 =	simm.s32 $0x0  }
0x71: {  	v3 =	vld [tilespmem:s6+$0x200];
	_ =	sdelay $0x4  }
0x72: {  	v3 =	vxor.u32 $0x80000000, v3  }
0x73: {  	(xrf0) =	vmax.scan.msk.u32 $0xffff, v3;
	_ =	sdelay $0x5  }
0x74: {  	v3, _, _ =	vpop (xrf0)  }
0x75: {  	s7 =	simm.s32 $0xFFFFFFFF;
	v3 =	vxor.u32 $0x80000000, v3  }
0x76: {  	vm15 =	vgt.s32 v3, s7  }
0x77: {  	v3 =	vnsel vm15, s7, v3  }
0x78: {  	v4 =	vxor.u32 $0x80000000, v3  }
0x79: {  	vm15 =	vlt.s32 v3, $0x0;
	(xrf0) =	vmax.scan.msk.u32 $0xffff, v4  }
0x7a: {  	v3 =	vsel vm15, $0x0, v3;
	_ =	sdelay $0x3  }
0x7b: {  	v4 =	vld [tilespmem:$0x700]  }
0x7c: {  	v3 =	vld.idx.msk [tilespmem:v3+s4+$0x0], $0xffff;
	v5, _, _ =	vpop (xrf0)  }
0x7d: {  	(v2sf) =	vpush v5, $0xF;
	_ =	sdelay $0x1  }
0x7e: {  	s8 =	simm.s32 $0x10;
	s7 =	simm.s32 $0x80  }
.LBB2_4:
0x7f: {  	p0 =	sne.s32 s7, $0x3C0;
	v5 =	vld [tilespmem:s8+$0x200]  }
0x80: {  	v3 =	vsel vm15, v4, v3  }
0x81: {  	[tilespmem:s6+$0x400] =	vst v3;
	s6 =	smov.u32 s8;
	_ =	sdelay $0x2  }
0x82: {  	v3 =	vxor.u32 $0x80000000, v5  }
0x83: {  	(xrf0) =	vmax.scan.msk.u32 $0xffff, v3;
	_ =	sdelay $0x5  }
0x84: {  	v3, _, _ =	vpop (xrf0);
	s8 =	spop (v2sf)  }
0x85: {  	v3 =	vxor.u32 $0x80000000, v3;
	s8 =	sxor.u32 $0x80000000, s8  }
0x86: {  	vm15 =	vgt.s32 v3, s8  }
0x87: {  	v3 =	vnsel vm15, s8, v3  }
0x88: {  	vm15 =	vlt.s32 v3, $0x0;
	v4 =	vxor.u32 $0x80000000, v3  }
0x89: {  	v3 =	vsel vm15, $0x0, v3;
	(xrf0) =	vmax.scan.msk.u32 $0xffff, v4;
	_ =	sdelay $0x4  }
.Ltmp1:
0x8a: {  	v3 =	vld.idx.msk [tilespmem:v3+s4+$0x0], $0xffff;
	(pc) =	sbr.rel @p0 .LBB2_4-.Ltmp1, $3  }
0x8b: {  	v4 =	vld [tilespmem:$0x700];
	v5, _, _ =	vpop (xrf0)  }
0x8c: {  	(v2sf) =	vpush v5, $0xF;
	_ =	sdelay $0x1  }
0x8d: {  	s8 =	sshra.s32 s7, $0x2;
	s7 =	sadd.s32 $0x40, s7  }
0x8e: {  	v5 =	vld [tilespmem:s8+$0x200];
	_ =	sdelay $0x4  }
0x8f: {  	v5 =	vxor.u32 $0x80000000, v5  }
0x90: {  	(xrf0) =	vmax.scan.msk.u32 $0xffff, v5;
	_ =	sdelay $0x5  }
0x91: {  	v5, _, _ =	vpop (xrf0);
	s7 =	spop (v2sf)  }
0x92: {  	v5 =	vxor.u32 $0x80000000, v5;
	s7 =	sxor.u32 $0x80000000, s7  }
0x93: {  	vm0 =	vgt.s32 v5, s7  }
0x94: {  	v5 =	vnsel vm0, s7, v5  }
0x95: {  	v6 =	vxor.u32 $0x80000000, v5  }
0x96: {  	(xrf0) =	vmax.scan.msk.u32 $0xffff, v6;
	_ =	sdelay $0x5  }
0x97: {  	v6, _, _ =	vpop (xrf0)  }
0x98: {  	(v2sf) =	vpush v6, $0xF  }
0x99: {  	vm0 =	vlt.s32 v5, $0x0  }
0x9a: {  	v5 =	vsel vm0, $0x0, v5;
	_ =	sdelay $0x1  }
0x9b: {  	v3 =	vsel vm15, v4, v3  }
0x9c: {  	[tilespmem:s6+$0x400] =	vst v3  }
0x9d: {  	v63 =	vld [tilespmem:$0x700]  }
0x9e: {  	v3 =	vld.idx.msk [tilespmem:v5+s4+$0x0], $0xffff;
	_ =	sdelay $0x4  }
0x9f: {  	v3 =	vsel vm0, v63, v3  }
0xa0: {  	s6 =	rddreg [dreg:$0x7];
	[tilespmem:s8+$0x400] =	vst v3  }
0xa1: {  	[hbm4b:s6+s29] =	stream.strided.scatter [tilespmem:s30], [sflag:$0x1], $0x100, s30, s29, $0x38;
	[tilespmem:$0x780] =	vst v63  }
0xa2: {  	s7 =	spop (v2sf)  }
0xa3: {  	_ =	swait.ge [sflag:s31], $0x100  }
0xa4: {  	[sflag:s31] =	ssyncset.done $0x0  }
0xa5: {  	s8 =	rddreg [dreg:$0x8];
	[sflag:s31] =	ssyncadd.s32 $0xFFFFFF00  }
0xa6: {  	[hbm4b:s8+s29] =	stream.strided.scatter [tilespmem:s2], [sflag:$0x1], $0x100, s30, s29, $0x38;
	[tilespmem:$0x780] =	vst v63  }
0xa7: {  	_ =	swait.ge [sflag:s31], $0x100  }
0xa8: {  	[sflag:s31] =	ssyncset.done $0x0  }
0xa9: {  	s7 =	rddreg [dreg:$0x9];
	[sflag:s31] =	ssyncadd.s32 $0xFFFFFF00  }
0xaa: {  	[hbm4b:s7+s29] =	stream.strided.scatter [tilespmem:s3], [sflag:$0x1], $0x100, s30, s29, $0x38;
	[tilespmem:$0x780] =	vst v63  }
0xab: {  	_ =	swait.ge [sflag:s31], $0x100  }
0xac: {  	[sflag:s31] =	ssyncset.done $0x0  }
0xad: {  	s6 =	simm.s32 $0x0;
	s8 =	rddreg [dreg:$0xa];
	[sflag:s31] =	ssyncadd.s32 $0xFFFFFF00  }
0xae: {  	[tilespmem:s6], [sflag:$0x1] =	stream.strided.gather [hbm4b:s8+s29], $0x100, s30, s29, $0x38;
	[tilespmem:$0x780] =	vst v63  }
0xaf: {  	_ =	swait.ge [sflag:s31], $0x100  }
0xb0: {  	[sflag:s31] =	ssyncset.done $0x0  }
0xb1: {  	[sflag:s31] =	ssyncadd.s32 $0xFFFFFF00  }
0xb2: {  	[tilespmem:s24], [sflag:$0x1] =	stream.strided.gather [hbm4b:s9+s29], $0x100, s30, s29, $0x38;
	[tilespmem:$0x780] =	vst v63  }
0xb3: {  	_ =	swait.ge [sflag:s31], $0x100  }
0xb4: {  	[sflag:s31] =	ssyncset.done $0x0  }
0xb5: {  	[sflag:s31] =	ssyncadd.s32 $0xFFFFFF00  }
0xb6: {  	[tilespmem:s1], [sflag:$0x1] =	stream.linear.gather [hbm4b:s10+s6], $0x80, $0x38;
	[tilespmem:$0x780] =	vst v63  }
0xb7: {  	_ =	swait.ge [sflag:s31], $0x80  }
0xb8: {  	[sflag:s31] =	ssyncset.done $0x0  }
0xb9: {  	[sflag:s31] =	ssyncadd.s32 $0xFFFFFF80  }
0xba: {  	[tilespmem:$0x200] =	vst v0  }
0xbb: {  	[tilespmem:$0x500] =	vst v1  }
0xbc: {  	[tilespmem:$0x600] =	vst v1  }
0xbd: {  	[tilespmem:$0x210] =	vst v0  }
0xbe: {  	[tilespmem:$0x510] =	vst v1  }
0xbf: {  	[tilespmem:$0x610] =	vst v1  }
0xc0: {  	[tilespmem:$0x220] =	vst v0  }
0xc1: {  	[tilespmem:$0x520] =	vst v1  }
0xc2: {  	[tilespmem:$0x620] =	vst v1  }
0xc3: {  	[tilespmem:$0x230] =	vst v0  }
0xc4: {  	[tilespmem:$0x530] =	vst v1  }
0xc5: {  	[tilespmem:$0x630] =	vst v1  }
0xc6: {  	[tilespmem:$0x240] =	vst v0  }
0xc7: {  	[tilespmem:$0x540] =	vst v1  }
0xc8: {  	[tilespmem:$0x640] =	vst v1  }
0xc9: {  	[tilespmem:$0x250] =	vst v0  }
0xca: {  	[tilespmem:$0x550] =	vst v1  }
0xcb: {  	[tilespmem:$0x650] =	vst v1  }
0xcc: {  	[tilespmem:$0x260] =	vst v0  }
0xcd: {  	[tilespmem:$0x560] =	vst v1  }
0xce: {  	[tilespmem:$0x660] =	vst v1  }
0xcf: {  	[tilespmem:$0x270] =	vst v0  }
0xd0: {  	[tilespmem:$0x570] =	vst v1  }
0xd1: {  	[tilespmem:$0x670] =	vst v1  }
0xd2: {  	[tilespmem:$0x280] =	vst v0  }
0xd3: {  	[tilespmem:$0x580] =	vst v1  }
0xd4: {  	[tilespmem:$0x680] =	vst v1  }
0xd5: {  	[tilespmem:$0x290] =	vst v0  }
0xd6: {  	[tilespmem:$0x590] =	vst v1  }
0xd7: {  	[tilespmem:$0x690] =	vst v1  }
0xd8: {  	[tilespmem:$0x2A0] =	vst v0  }
0xd9: {  	[tilespmem:$0x5A0] =	vst v1  }
0xda: {  	[tilespmem:$0x6A0] =	vst v1  }
0xdb: {  	[tilespmem:$0x2B0] =	vst v0  }
0xdc: {  	[tilespmem:$0x5B0] =	vst v1  }
0xdd: {  	[tilespmem:$0x6B0] =	vst v1  }
0xde: {  	[tilespmem:$0x2C0] =	vst v0  }
0xdf: {  	[tilespmem:$0x5C0] =	vst v1  }
0xe0: {  	[tilespmem:$0x6C0] =	vst v1  }
0xe1: {  	[tilespmem:$0x2D0] =	vst v0  }
0xe2: {  	[tilespmem:$0x5D0] =	vst v1  }
0xe3: {  	[tilespmem:$0x6D0] =	vst v1  }
0xe4: {  	[tilespmem:$0x2E0] =	vst v0  }
0xe5: {  	[tilespmem:$0x5E0] =	vst v1  }
0xe6: {  	[tilespmem:$0x6E0] =	vst v1  }
0xe7: {  	[tilespmem:$0x2F0] =	vst v0  }
0xe8: {  	[tilespmem:$0x5F0] =	vst v1  }
0xe9: {  	vm0 =	vcmask $0x704;
	[tilespmem:$0x6F0] =	vst v1  }
.LBB2_6:
0xea: {  	s7 =	sshra.s32 s6, $0x2  }
0xeb: {  	v3 =	vld [tilespmem:s7+$0x0];
	_ =	sdelay $0x4  }
0xec: {  	v4 =	vld [tilespmem:s7+$0x100];
	_ =	sdelay $0x2  }
0xed: {  	[tilespmem:v3+s0+$0x0] =	vst.idx.msk $0xffff, v3  }
0xee: {  	[tilespmem:v3+s2+$0x0] =	vst.idx.add.f32.msk $0xffff, v2  }
0xef: {  	[tilespmem:v3+s3+$0x0] =	vst.idx.add.f32.msk $0xffff, v4  }
0xf0: {  	[tilespmem:v3+s4+$0x0] =	vst.idx.msk $0x1, v4  }
0xf1: {  	[tilespmem:v3+s4+$0x0] =	vst.idx.msk vm0, v4  }
0xf2: {  	[tilespmem:v3+s4+$0x0] =	vst.idx.msk vm1, v4  }
0xf3: {  	[tilespmem:v3+s4+$0x0] =	vst.idx.msk vm2, v4  }
0xf4: {  	[tilespmem:v3+s4+$0x0] =	vst.idx.msk vm3, v4  }
0xf5: {  	[tilespmem:v3+s4+$0x0] =	vst.idx.msk vm4, v4  }
0xf6: {  	[tilespmem:v3+s4+$0x0] =	vst.idx.msk vm5, v4  }
0xf7: {  	[tilespmem:v3+s4+$0x0] =	vst.idx.msk vm6, v4  }
0xf8: {  	[tilespmem:v3+s4+$0x0] =	vst.idx.msk vm7, v4  }
0xf9: {  	[tilespmem:v3+s4+$0x0] =	vst.idx.msk vm8, v4  }
0xfa: {  	p0 =	sne.s32 s6, $0x3C0;
	[tilespmem:v3+s4+$0x0] =	vst.idx.msk vm9, v4  }
.Ltmp2:
0xfb: {  	[tilespmem:v3+s4+$0x0] =	vst.idx.msk vm10, v4;
	(pc) =	sbr.rel @p0 .LBB2_6-.Ltmp2, $4  }
0xfc: {  	[tilespmem:v3+s4+$0x0] =	vst.idx.msk vm11, v4  }
0xfd: {  	[tilespmem:v3+s4+$0x0] =	vst.idx.msk vm12, v4  }
0xfe: {  	[tilespmem:v3+s4+$0x0] =	vst.idx.msk vm13, v4  }
0xff: {  	s6 =	sadd.s32 $0x40, s6;
	[tilespmem:v3+s4+$0x0] =	vst.idx.msk vm14, v4  }
0x100: {  	s6 =	simm.s32 $0x0  }
0x101: {  	v3 =	vld [tilespmem:s6+$0x200];
	_ =	sdelay $0x4  }
0x102: {  	v3 =	vxor.u32 $0x80000000, v3  }
0x103: {  	(xrf0) =	vmax.scan.msk.u32 $0xffff, v3;
	_ =	sdelay $0x5  }
0x104: {  	v3, _, _ =	vpop (xrf0)  }
0x105: {  	s7 =	simm.s32 $0xFFFFFFFF;
	v3 =	vxor.u32 $0x80000000, v3  }
0x106: {  	vm0 =	vgt.s32 v3, s7  }
0x107: {  	v3 =	vnsel vm0, s7, v3  }
0x108: {  	v4 =	vxor.u32 $0x80000000, v3  }
0x109: {  	vm15 =	vlt.s32 v3, $0x0;
	(xrf0) =	vmax.scan.msk.u32 $0xffff, v4  }
0x10a: {  	v3 =	vsel vm15, $0x0, v3;
	_ =	sdelay $0x3  }
0x10b: {  	v4 =	vld [tilespmem:$0x700]  }
0x10c: {  	v3 =	vld.idx.msk [tilespmem:v3+s4+$0x0], $0xffff;
	v5, _, _ =	vpop (xrf0)  }
0x10d: {  	(v2sf) =	vpush v5, $0xF;
	_ =	sdelay $0x1  }
0x10e: {  	s8 =	simm.s32 $0x10;
	s7 =	simm.s32 $0x80  }
.LBB2_8:
0x10f: {  	p0 =	sne.s32 s7, $0x3C0;
	v5 =	vld [tilespmem:s8+$0x200]  }
0x110: {  	v3 =	vsel vm15, v4, v3  }
0x111: {  	[tilespmem:s6+$0x400] =	vst v3;
	s6 =	smov.u32 s8;
	_ =	sdelay $0x2  }
0x112: {  	v3 =	vxor.u32 $0x80000000, v5  }
0x113: {  	(xrf0) =	vmax.scan.msk.u32 $0xffff, v3;
	_ =	sdelay $0x5  }
0x114: {  	v3, _, _ =	vpop (xrf0);
	s8 =	spop (v2sf)  }
0x115: {  	v3 =	vxor.u32 $0x80000000, v3;
	s8 =	sxor.u32 $0x80000000, s8  }
0x116: {  	vm0 =	vgt.s32 v3, s8  }
0x117: {  	v3 =	vnsel vm0, s8, v3  }
0x118: {  	vm15 =	vlt.s32 v3, $0x0;
	v4 =	vxor.u32 $0x80000000, v3  }
0x119: {  	v3 =	vsel vm15, $0x0, v3;
	(xrf0) =	vmax.scan.msk.u32 $0xffff, v4;
	_ =	sdelay $0x4  }
.Ltmp3:
0x11a: {  	v3 =	vld.idx.msk [tilespmem:v3+s4+$0x0], $0xffff;
	(pc) =	sbr.rel @p0 .LBB2_8-.Ltmp3, $3  }
0x11b: {  	v4 =	vld [tilespmem:$0x700];
	v5, _, _ =	vpop (xrf0)  }
0x11c: {  	(v2sf) =	vpush v5, $0xF;
	_ =	sdelay $0x1  }
0x11d: {  	s8 =	sshra.s32 s7, $0x2;
	s7 =	sadd.s32 $0x40, s7  }
0x11e: {  	v5 =	vld [tilespmem:s8+$0x200];
	_ =	sdelay $0x4  }
0x11f: {  	v5 =	vxor.u32 $0x80000000, v5  }
0x120: {  	(xrf0) =	vmax.scan.msk.u32 $0xffff, v5;
	_ =	sdelay $0x5  }
0x121: {  	v5, _, _ =	vpop (xrf0);
	s7 =	spop (v2sf)  }
0x122: {  	v5 =	vxor.u32 $0x80000000, v5;
	s7 =	sxor.u32 $0x80000000, s7  }
0x123: {  	vm0 =	vgt.s32 v5, s7  }
0x124: {  	v5 =	vnsel vm0, s7, v5  }
0x125: {  	v6 =	vxor.u32 $0x80000000, v5  }
0x126: {  	(xrf0) =	vmax.scan.msk.u32 $0xffff, v6;
	_ =	sdelay $0x5  }
0x127: {  	v6, _, _ =	vpop (xrf0)  }
0x128: {  	(v2sf) =	vpush v6, $0xF  }
0x129: {  	vm0 =	vlt.s32 v5, $0x0  }
0x12a: {  	v5 =	vsel vm0, $0x0, v5;
	_ =	sdelay $0x1  }
0x12b: {  	v3 =	vsel vm15, v4, v3  }
0x12c: {  	[tilespmem:s6+$0x400] =	vst v3  }
0x12d: {  	v63 =	vld [tilespmem:$0x700]  }
0x12e: {  	v3 =	vld.idx.msk [tilespmem:v5+s4+$0x0], $0xffff;
	_ =	sdelay $0x4  }
0x12f: {  	v3 =	vsel vm0, v63, v3  }
0x130: {  	[tilespmem:s8+$0x400] =	vst v3  }
0x131: {  	[hbm4b:s11+s29] =	stream.strided.scatter [tilespmem:s30], [sflag:$0x1], $0x100, s30, s29, $0x38;
	[tilespmem:$0x780] =	vst v63  }
0x132: {  	s8 =	spop (v2sf)  }
0x133: {  	_ =	swait.ge [sflag:s31], $0x100  }
0x134: {  	[sflag:s31] =	ssyncset.done $0x0  }
0x135: {  	[sflag:s31] =	ssyncadd.s32 $0xFFFFFF00  }
0x136: {  	[hbm4b:s12+s29] =	stream.strided.scatter [tilespmem:s2], [sflag:$0x1], $0x100, s30, s29, $0x38;
	[tilespmem:$0x780] =	vst v63  }
0x137: {  	_ =	swait.ge [sflag:s31], $0x100  }
0x138: {  	[sflag:s31] =	ssyncset.done $0x0  }
0x139: {  	[sflag:s31] =	ssyncadd.s32 $0xFFFFFF00  }
0x13a: {  	[hbm4b:s13+s29] =	stream.strided.scatter [tilespmem:s3], [sflag:$0x1], $0x100, s30, s29, $0x38;
	[tilespmem:$0x780] =	vst v63  }
0x13b: {  	_ =	swait.ge [sflag:s31], $0x100  }
0x13c: {  	[sflag:s31] =	ssyncset.done $0x0  }
0x13d: {  	s6 =	simm.s32 $0x0;
	[sflag:s31] =	ssyncadd.s32 $0xFFFFFF00  }
0x13e: {  	[tilespmem:s6], [sflag:$0x1] =	stream.strided.gather [hbm4b:s14+s29], $0x100, s30, s29, $0x38;
	[tilespmem:$0x780] =	vst v63  }
0x13f: {  	_ =	swait.ge [sflag:s31], $0x100  }
0x140: {  	[sflag:s31] =	ssyncset.done $0x0  }
0x141: {  	[sflag:s31] =	ssyncadd.s32 $0xFFFFFF00  }
0x142: {  	[tilespmem:s24], [sflag:$0x1] =	stream.strided.gather [hbm4b:s17+s29], $0x100, s30, s29, $0x38;
	[tilespmem:$0x780] =	vst v63  }
0x143: {  	_ =	swait.ge [sflag:s31], $0x100  }
0x144: {  	[sflag:s31] =	ssyncset.done $0x0  }
0x145: {  	[sflag:s31] =	ssyncadd.s32 $0xFFFFFF00  }
0x146: {  	[tilespmem:s1], [sflag:$0x1] =	stream.linear.gather [hbm4b:s15+s6], $0x80, $0x38;
	[tilespmem:$0x780] =	vst v63  }
0x147: {  	_ =	swait.ge [sflag:s31], $0x80  }
0x148: {  	[sflag:s31] =	ssyncset.done $0x0  }
0x149: {  	[sflag:s31] =	ssyncadd.s32 $0xFFFFFF80  }
0x14a: {  	[tilespmem:$0x200] =	vst v0  }
0x14b: {  	[tilespmem:$0x500] =	vst v1  }
0x14c: {  	[tilespmem:$0x600] =	vst v1  }
0x14d: {  	[tilespmem:$0x210] =	vst v0  }
0x14e: {  	[tilespmem:$0x510] =	vst v1  }
0x14f: {  	[tilespmem:$0x610] =	vst v1  }
0x150: {  	[tilespmem:$0x220] =	vst v0  }
0x151: {  	[tilespmem:$0x520] =	vst v1  }
0x152: {  	[tilespmem:$0x620] =	vst v1  }
0x153: {  	[tilespmem:$0x230] =	vst v0  }
0x154: {  	[tilespmem:$0x530] =	vst v1  }
0x155: {  	[tilespmem:$0x630] =	vst v1  }
0x156: {  	[tilespmem:$0x240] =	vst v0  }
0x157: {  	[tilespmem:$0x540] =	vst v1  }
0x158: {  	[tilespmem:$0x640] =	vst v1  }
0x159: {  	[tilespmem:$0x250] =	vst v0  }
0x15a: {  	[tilespmem:$0x550] =	vst v1  }
0x15b: {  	[tilespmem:$0x650] =	vst v1  }
0x15c: {  	[tilespmem:$0x260] =	vst v0  }
0x15d: {  	[tilespmem:$0x560] =	vst v1  }
0x15e: {  	[tilespmem:$0x660] =	vst v1  }
0x15f: {  	[tilespmem:$0x270] =	vst v0  }
0x160: {  	[tilespmem:$0x570] =	vst v1  }
0x161: {  	[tilespmem:$0x670] =	vst v1  }
0x162: {  	[tilespmem:$0x280] =	vst v0  }
0x163: {  	[tilespmem:$0x580] =	vst v1  }
0x164: {  	[tilespmem:$0x680] =	vst v1  }
0x165: {  	[tilespmem:$0x290] =	vst v0  }
0x166: {  	[tilespmem:$0x590] =	vst v1  }
0x167: {  	[tilespmem:$0x690] =	vst v1  }
0x168: {  	[tilespmem:$0x2A0] =	vst v0  }
0x169: {  	[tilespmem:$0x5A0] =	vst v1  }
0x16a: {  	[tilespmem:$0x6A0] =	vst v1  }
0x16b: {  	[tilespmem:$0x2B0] =	vst v0  }
0x16c: {  	[tilespmem:$0x5B0] =	vst v1  }
0x16d: {  	[tilespmem:$0x6B0] =	vst v1  }
0x16e: {  	[tilespmem:$0x2C0] =	vst v0  }
0x16f: {  	[tilespmem:$0x5C0] =	vst v1  }
0x170: {  	[tilespmem:$0x6C0] =	vst v1  }
0x171: {  	[tilespmem:$0x2D0] =	vst v0  }
0x172: {  	[tilespmem:$0x5D0] =	vst v1  }
0x173: {  	[tilespmem:$0x6D0] =	vst v1  }
0x174: {  	[tilespmem:$0x2E0] =	vst v0  }
0x175: {  	[tilespmem:$0x5E0] =	vst v1  }
0x176: {  	[tilespmem:$0x6E0] =	vst v1  }
0x177: {  	[tilespmem:$0x2F0] =	vst v0  }
0x178: {  	[tilespmem:$0x5F0] =	vst v1  }
0x179: {  	vm0 =	vcmask $0x704;
	[tilespmem:$0x6F0] =	vst v1  }
.LBB2_10:
0x17a: {  	s7 =	sshra.s32 s6, $0x2  }
0x17b: {  	v3 =	vld [tilespmem:s7+$0x0];
	_ =	sdelay $0x4  }
0x17c: {  	v4 =	vld [tilespmem:s7+$0x100];
	_ =	sdelay $0x2  }
0x17d: {  	[tilespmem:v3+s0+$0x0] =	vst.idx.msk $0xffff, v3  }
0x17e: {  	[tilespmem:v3+s2+$0x0] =	vst.idx.add.f32.msk $0xffff, v2  }
0x17f: {  	[tilespmem:v3+s3+$0x0] =	vst.idx.add.f32.msk $0xffff, v4  }
0x180: {  	[tilespmem:v3+s4+$0x0] =	vst.idx.msk $0x1, v4  }
0x181: {  	[tilespmem:v3+s4+$0x0] =	vst.idx.msk vm0, v4  }
0x182: {  	[tilespmem:v3+s4+$0x0] =	vst.idx.msk vm1, v4  }
0x183: {  	[tilespmem:v3+s4+$0x0] =	vst.idx.msk vm2, v4  }
0x184: {  	[tilespmem:v3+s4+$0x0] =	vst.idx.msk vm3, v4  }
0x185: {  	[tilespmem:v3+s4+$0x0] =	vst.idx.msk vm4, v4  }
0x186: {  	[tilespmem:v3+s4+$0x0] =	vst.idx.msk vm5, v4  }
0x187: {  	[tilespmem:v3+s4+$0x0] =	vst.idx.msk vm6, v4  }
0x188: {  	[tilespmem:v3+s4+$0x0] =	vst.idx.msk vm7, v4  }
0x189: {  	[tilespmem:v3+s4+$0x0] =	vst.idx.msk vm8, v4  }
0x18a: {  	p0 =	sne.s32 s6, $0x3C0;
	[tilespmem:v3+s4+$0x0] =	vst.idx.msk vm9, v4  }
.Ltmp4:
0x18b: {  	[tilespmem:v3+s4+$0x0] =	vst.idx.msk vm10, v4;
	(pc) =	sbr.rel @p0 .LBB2_10-.Ltmp4, $4  }
0x18c: {  	[tilespmem:v3+s4+$0x0] =	vst.idx.msk vm11, v4  }
0x18d: {  	[tilespmem:v3+s4+$0x0] =	vst.idx.msk vm12, v4  }
0x18e: {  	[tilespmem:v3+s4+$0x0] =	vst.idx.msk vm13, v4  }
0x18f: {  	s6 =	sadd.s32 $0x40, s6;
	[tilespmem:v3+s4+$0x0] =	vst.idx.msk vm14, v4  }
0x190: {  	s6 =	simm.s32 $0x0  }
0x191: {  	v3 =	vld [tilespmem:s6+$0x200];
	_ =	sdelay $0x4  }
0x192: {  	v3 =	vxor.u32 $0x80000000, v3  }
0x193: {  	(xrf0) =	vmax.scan.msk.u32 $0xffff, v3;
	_ =	sdelay $0x5  }
0x194: {  	v3, _, _ =	vpop (xrf0)  }
0x195: {  	s7 =	simm.s32 $0xFFFFFFFF;
	v3 =	vxor.u32 $0x80000000, v3  }
0x196: {  	vm0 =	vgt.s32 v3, s7  }
0x197: {  	v3 =	vnsel vm0, s7, v3  }
0x198: {  	v4 =	vxor.u32 $0x80000000, v3  }
0x199: {  	vm15 =	vlt.s32 v3, $0x0;
	(xrf0) =	vmax.scan.msk.u32 $0xffff, v4  }
0x19a: {  	v3 =	vsel vm15, $0x0, v3;
	_ =	sdelay $0x3  }
0x19b: {  	v4 =	vld [tilespmem:$0x700]  }
0x19c: {  	v3 =	vld.idx.msk [tilespmem:v3+s4+$0x0], $0xffff;
	v5, _, _ =	vpop (xrf0)  }
0x19d: {  	(v2sf) =	vpush v5, $0xF;
	_ =	sdelay $0x1  }
0x19e: {  	s8 =	simm.s32 $0x10;
	s7 =	simm.s32 $0x80  }
.LBB2_12:
0x19f: {  	p0 =	sne.s32 s7, $0x3C0;
	v5 =	vld [tilespmem:s8+$0x200]  }
0x1a0: {  	v3 =	vsel vm15, v4, v3  }
0x1a1: {  	[tilespmem:s6+$0x400] =	vst v3;
	s6 =	smov.u32 s8;
	_ =	sdelay $0x2  }
0x1a2: {  	v3 =	vxor.u32 $0x80000000, v5  }
0x1a3: {  	(xrf0) =	vmax.scan.msk.u32 $0xffff, v3;
	_ =	sdelay $0x5  }
0x1a4: {  	v3, _, _ =	vpop (xrf0);
	s8 =	spop (v2sf)  }
0x1a5: {  	v3 =	vxor.u32 $0x80000000, v3;
	s8 =	sxor.u32 $0x80000000, s8  }
0x1a6: {  	vm0 =	vgt.s32 v3, s8  }
0x1a7: {  	v3 =	vnsel vm0, s8, v3  }
0x1a8: {  	vm15 =	vlt.s32 v3, $0x0;
	v4 =	vxor.u32 $0x80000000, v3  }
0x1a9: {  	v3 =	vsel vm15, $0x0, v3;
	(xrf0) =	vmax.scan.msk.u32 $0xffff, v4;
	_ =	sdelay $0x4  }
.Ltmp5:
0x1aa: {  	v3 =	vld.idx.msk [tilespmem:v3+s4+$0x0], $0xffff;
	(pc) =	sbr.rel @p0 .LBB2_12-.Ltmp5, $3  }
0x1ab: {  	v4 =	vld [tilespmem:$0x700];
	v5, _, _ =	vpop (xrf0)  }
0x1ac: {  	(v2sf) =	vpush v5, $0xF;
	_ =	sdelay $0x1  }
0x1ad: {  	s8 =	sshra.s32 s7, $0x2;
	s7 =	sadd.s32 $0x40, s7  }
0x1ae: {  	v5 =	vld [tilespmem:s8+$0x200];
	_ =	sdelay $0x4  }
0x1af: {  	v5 =	vxor.u32 $0x80000000, v5  }
0x1b0: {  	(xrf0) =	vmax.scan.msk.u32 $0xffff, v5;
	_ =	sdelay $0x5  }
0x1b1: {  	v5, _, _ =	vpop (xrf0);
	s7 =	spop (v2sf)  }
0x1b2: {  	v5 =	vxor.u32 $0x80000000, v5;
	s7 =	sxor.u32 $0x80000000, s7  }
0x1b3: {  	vm0 =	vgt.s32 v5, s7  }
0x1b4: {  	v5 =	vnsel vm0, s7, v5  }
0x1b5: {  	v6 =	vxor.u32 $0x80000000, v5  }
0x1b6: {  	(xrf0) =	vmax.scan.msk.u32 $0xffff, v6;
	_ =	sdelay $0x5  }
0x1b7: {  	v6, _, _ =	vpop (xrf0)  }
0x1b8: {  	(v2sf) =	vpush v6, $0xF  }
0x1b9: {  	vm0 =	vlt.s32 v5, $0x0  }
0x1ba: {  	v5 =	vsel vm0, $0x0, v5;
	_ =	sdelay $0x1  }
0x1bb: {  	v3 =	vsel vm15, v4, v3  }
0x1bc: {  	[tilespmem:s6+$0x400] =	vst v3  }
0x1bd: {  	v63 =	vld [tilespmem:$0x700]  }
0x1be: {  	v3 =	vld.idx.msk [tilespmem:v5+s4+$0x0], $0xffff;
	_ =	sdelay $0x4  }
0x1bf: {  	v3 =	vsel vm0, v63, v3  }
0x1c0: {  	[tilespmem:s8+$0x400] =	vst v3  }
0x1c1: {  	[hbm4b:s18+s29] =	stream.strided.scatter [tilespmem:s30], [sflag:$0x1], $0x100, s30, s29, $0x38;
	[tilespmem:$0x780] =	vst v63  }
0x1c2: {  	s8 =	spop (v2sf)  }
0x1c3: {  	_ =	swait.ge [sflag:s31], $0x100  }
0x1c4: {  	[sflag:s31] =	ssyncset.done $0x0  }
0x1c5: {  	[sflag:s31] =	ssyncadd.s32 $0xFFFFFF00  }
0x1c6: {  	[hbm4b:s19+s29] =	stream.strided.scatter [tilespmem:s2], [sflag:$0x1], $0x100, s30, s29, $0x38;
	[tilespmem:$0x780] =	vst v63  }
0x1c7: {  	_ =	swait.ge [sflag:s31], $0x100  }
0x1c8: {  	[sflag:s31] =	ssyncset.done $0x0  }
0x1c9: {  	[sflag:s31] =	ssyncadd.s32 $0xFFFFFF00  }
0x1ca: {  	[hbm4b:s20+s29] =	stream.strided.scatter [tilespmem:s3], [sflag:$0x1], $0x100, s30, s29, $0x38;
	[tilespmem:$0x780] =	vst v63  }
0x1cb: {  	_ =	swait.ge [sflag:s31], $0x100  }
0x1cc: {  	[sflag:s31] =	ssyncset.done $0x0  }
0x1cd: {  	s6 =	simm.s32 $0x0;
	[sflag:s31] =	ssyncadd.s32 $0xFFFFFF00  }
0x1ce: {  	[tilespmem:s6], [sflag:$0x1] =	stream.strided.gather [hbm4b:s21+s29], $0x100, s30, s29, $0x38;
	[tilespmem:$0x780] =	vst v63  }
0x1cf: {  	_ =	swait.ge [sflag:s31], $0x100  }
0x1d0: {  	[sflag:s31] =	ssyncset.done $0x0  }
0x1d1: {  	[sflag:s31] =	ssyncadd.s32 $0xFFFFFF00  }
0x1d2: {  	[tilespmem:s24], [sflag:$0x1] =	stream.strided.gather [hbm4b:s22+s29], $0x100, s30, s29, $0x38;
	[tilespmem:$0x780] =	vst v63  }
0x1d3: {  	_ =	swait.ge [sflag:s31], $0x100  }
0x1d4: {  	[sflag:s31] =	ssyncset.done $0x0  }
0x1d5: {  	[sflag:s31] =	ssyncadd.s32 $0xFFFFFF00  }
0x1d6: {  	[tilespmem:s1], [sflag:$0x1] =	stream.linear.gather [hbm4b:s16+s6], $0x80, $0x38;
	[tilespmem:$0x780] =	vst v63  }
0x1d7: {  	_ =	swait.ge [sflag:s31], $0x80  }
0x1d8: {  	[sflag:s31] =	ssyncset.done $0x0  }
0x1d9: {  	[sflag:s31] =	ssyncadd.s32 $0xFFFFFF80  }
0x1da: {  	[tilespmem:$0x200] =	vst v0  }
0x1db: {  	[tilespmem:$0x500] =	vst v1  }
0x1dc: {  	[tilespmem:$0x600] =	vst v1  }
0x1dd: {  	[tilespmem:$0x210] =	vst v0  }
0x1de: {  	[tilespmem:$0x510] =	vst v1  }
0x1df: {  	[tilespmem:$0x610] =	vst v1  }
0x1e0: {  	[tilespmem:$0x220] =	vst v0  }
0x1e1: {  	[tilespmem:$0x520] =	vst v1  }
0x1e2: {  	[tilespmem:$0x620] =	vst v1  }
0x1e3: {  	[tilespmem:$0x230] =	vst v0  }
0x1e4: {  	[tilespmem:$0x530] =	vst v1  }
0x1e5: {  	[tilespmem:$0x630] =	vst v1  }
0x1e6: {  	[tilespmem:$0x240] =	vst v0  }
0x1e7: {  	[tilespmem:$0x540] =	vst v1  }
0x1e8: {  	[tilespmem:$0x640] =	vst v1  }
0x1e9: {  	[tilespmem:$0x250] =	vst v0  }
0x1ea: {  	[tilespmem:$0x550] =	vst v1  }
0x1eb: {  	[tilespmem:$0x650] =	vst v1  }
0x1ec: {  	[tilespmem:$0x260] =	vst v0  }
0x1ed: {  	[tilespmem:$0x560] =	vst v1  }
0x1ee: {  	[tilespmem:$0x660] =	vst v1  }
0x1ef: {  	[tilespmem:$0x270] =	vst v0  }
0x1f0: {  	[tilespmem:$0x570] =	vst v1  }
0x1f1: {  	[tilespmem:$0x670] =	vst v1  }
0x1f2: {  	[tilespmem:$0x280] =	vst v0  }
0x1f3: {  	[tilespmem:$0x580] =	vst v1  }
0x1f4: {  	[tilespmem:$0x680] =	vst v1  }
0x1f5: {  	[tilespmem:$0x290] =	vst v0  }
0x1f6: {  	[tilespmem:$0x590] =	vst v1  }
0x1f7: {  	[tilespmem:$0x690] =	vst v1  }
0x1f8: {  	[tilespmem:$0x2A0] =	vst v0  }
0x1f9: {  	[tilespmem:$0x5A0] =	vst v1  }
0x1fa: {  	[tilespmem:$0x6A0] =	vst v1  }
0x1fb: {  	[tilespmem:$0x2B0] =	vst v0  }
0x1fc: {  	[tilespmem:$0x5B0] =	vst v1  }
0x1fd: {  	[tilespmem:$0x6B0] =	vst v1  }
0x1fe: {  	[tilespmem:$0x2C0] =	vst v0  }
0x1ff: {  	[tilespmem:$0x5C0] =	vst v1  }
0x200: {  	[tilespmem:$0x6C0] =	vst v1  }
0x201: {  	[tilespmem:$0x2D0] =	vst v0  }
0x202: {  	[tilespmem:$0x5D0] =	vst v1  }
0x203: {  	[tilespmem:$0x6D0] =	vst v1  }
0x204: {  	[tilespmem:$0x2E0] =	vst v0  }
0x205: {  	[tilespmem:$0x5E0] =	vst v1  }
0x206: {  	[tilespmem:$0x6E0] =	vst v1  }
0x207: {  	[tilespmem:$0x2F0] =	vst v0  }
0x208: {  	[tilespmem:$0x5F0] =	vst v1  }
0x209: {  	vm0 =	vcmask $0x704;
	[tilespmem:$0x6F0] =	vst v1  }
.LBB2_14:
0x20a: {  	s7 =	sshra.s32 s6, $0x2  }
0x20b: {  	v3 =	vld [tilespmem:s7+$0x0];
	_ =	sdelay $0x4  }
0x20c: {  	v4 =	vld [tilespmem:s7+$0x100];
	_ =	sdelay $0x2  }
0x20d: {  	[tilespmem:v3+s0+$0x0] =	vst.idx.msk $0xffff, v3  }
0x20e: {  	[tilespmem:v3+s2+$0x0] =	vst.idx.add.f32.msk $0xffff, v2  }
0x20f: {  	[tilespmem:v3+s3+$0x0] =	vst.idx.add.f32.msk $0xffff, v4  }
0x210: {  	[tilespmem:v3+s4+$0x0] =	vst.idx.msk $0x1, v4  }
0x211: {  	[tilespmem:v3+s4+$0x0] =	vst.idx.msk vm0, v4  }
0x212: {  	[tilespmem:v3+s4+$0x0] =	vst.idx.msk vm1, v4  }
0x213: {  	[tilespmem:v3+s4+$0x0] =	vst.idx.msk vm2, v4  }
0x214: {  	[tilespmem:v3+s4+$0x0] =	vst.idx.msk vm3, v4  }
0x215: {  	[tilespmem:v3+s4+$0x0] =	vst.idx.msk vm4, v4  }
0x216: {  	[tilespmem:v3+s4+$0x0] =	vst.idx.msk vm5, v4  }
0x217: {  	[tilespmem:v3+s4+$0x0] =	vst.idx.msk vm6, v4  }
0x218: {  	[tilespmem:v3+s4+$0x0] =	vst.idx.msk vm7, v4  }
0x219: {  	[tilespmem:v3+s4+$0x0] =	vst.idx.msk vm8, v4  }
0x21a: {  	p0 =	sne.s32 s6, $0x3C0;
	[tilespmem:v3+s4+$0x0] =	vst.idx.msk vm9, v4  }
.Ltmp6:
0x21b: {  	[tilespmem:v3+s4+$0x0] =	vst.idx.msk vm10, v4;
	(pc) =	sbr.rel @p0 .LBB2_14-.Ltmp6, $4  }
0x21c: {  	[tilespmem:v3+s4+$0x0] =	vst.idx.msk vm11, v4  }
0x21d: {  	[tilespmem:v3+s4+$0x0] =	vst.idx.msk vm12, v4  }
0x21e: {  	[tilespmem:v3+s4+$0x0] =	vst.idx.msk vm13, v4  }
0x21f: {  	s6 =	sadd.s32 $0x40, s6;
	[tilespmem:v3+s4+$0x0] =	vst.idx.msk vm14, v4  }
0x220: {  	s6 =	simm.s32 $0x0  }
0x221: {  	v3 =	vld [tilespmem:s6+$0x200];
	_ =	sdelay $0x4  }
0x222: {  	v3 =	vxor.u32 $0x80000000, v3  }
0x223: {  	(xrf0) =	vmax.scan.msk.u32 $0xffff, v3;
	_ =	sdelay $0x5  }
0x224: {  	v3, _, _ =	vpop (xrf0)  }
0x225: {  	s7 =	simm.s32 $0xFFFFFFFF;
	v3 =	vxor.u32 $0x80000000, v3  }
0x226: {  	vm0 =	vgt.s32 v3, s7  }
0x227: {  	v3 =	vnsel vm0, s7, v3  }
0x228: {  	v4 =	vxor.u32 $0x80000000, v3  }
0x229: {  	vm15 =	vlt.s32 v3, $0x0;
	(xrf0) =	vmax.scan.msk.u32 $0xffff, v4  }
0x22a: {  	v3 =	vsel vm15, $0x0, v3;
	_ =	sdelay $0x3  }
0x22b: {  	v4 =	vld [tilespmem:$0x700]  }
0x22c: {  	v3 =	vld.idx.msk [tilespmem:v3+s4+$0x0], $0xffff;
	v5, _, _ =	vpop (xrf0)  }
0x22d: {  	(v2sf) =	vpush v5, $0xF;
	_ =	sdelay $0x1  }
0x22e: {  	s8 =	simm.s32 $0x10;
	s7 =	simm.s32 $0x80  }
.LBB2_16:
0x22f: {  	p0 =	sne.s32 s7, $0x3C0;
	v5 =	vld [tilespmem:s8+$0x200]  }
0x230: {  	v3 =	vsel vm15, v4, v3  }
0x231: {  	[tilespmem:s6+$0x400] =	vst v3;
	s6 =	smov.u32 s8;
	_ =	sdelay $0x2  }
0x232: {  	v3 =	vxor.u32 $0x80000000, v5  }
0x233: {  	(xrf0) =	vmax.scan.msk.u32 $0xffff, v3;
	_ =	sdelay $0x5  }
0x234: {  	v3, _, _ =	vpop (xrf0);
	s8 =	spop (v2sf)  }
0x235: {  	v3 =	vxor.u32 $0x80000000, v3;
	s8 =	sxor.u32 $0x80000000, s8  }
0x236: {  	vm0 =	vgt.s32 v3, s8  }
0x237: {  	v3 =	vnsel vm0, s8, v3  }
0x238: {  	vm15 =	vlt.s32 v3, $0x0;
	v4 =	vxor.u32 $0x80000000, v3  }
0x239: {  	v3 =	vsel vm15, $0x0, v3;
	(xrf0) =	vmax.scan.msk.u32 $0xffff, v4;
	_ =	sdelay $0x4  }
.Ltmp7:
0x23a: {  	v3 =	vld.idx.msk [tilespmem:v3+s4+$0x0], $0xffff;
	(pc) =	sbr.rel @p0 .LBB2_16-.Ltmp7, $3  }
0x23b: {  	v4 =	vld [tilespmem:$0x700];
	v5, _, _ =	vpop (xrf0)  }
0x23c: {  	(v2sf) =	vpush v5, $0xF;
	_ =	sdelay $0x1  }
0x23d: {  	s8 =	sshra.s32 s7, $0x2;
	s7 =	sadd.s32 $0x40, s7  }
0x23e: {  	v5 =	vld [tilespmem:s8+$0x200];
	_ =	sdelay $0x4  }
0x23f: {  	v5 =	vxor.u32 $0x80000000, v5  }
0x240: {  	(xrf0) =	vmax.scan.msk.u32 $0xffff, v5;
	_ =	sdelay $0x5  }
0x241: {  	v5, _, _ =	vpop (xrf0);
	s7 =	spop (v2sf)  }
0x242: {  	v5 =	vxor.u32 $0x80000000, v5;
	s7 =	sxor.u32 $0x80000000, s7  }
0x243: {  	vm0 =	vgt.s32 v5, s7  }
0x244: {  	v5 =	vnsel vm0, s7, v5  }
0x245: {  	v6 =	vxor.u32 $0x80000000, v5  }
0x246: {  	(xrf0) =	vmax.scan.msk.u32 $0xffff, v6;
	_ =	sdelay $0x5  }
0x247: {  	v6, _, _ =	vpop (xrf0)  }
0x248: {  	(v2sf) =	vpush v6, $0xF  }
0x249: {  	vm0 =	vlt.s32 v5, $0x0  }
0x24a: {  	v5 =	vsel vm0, $0x0, v5;
	_ =	sdelay $0x1  }
0x24b: {  	v3 =	vsel vm15, v4, v3  }
0x24c: {  	[tilespmem:s6+$0x400] =	vst v3  }
0x24d: {  	v63 =	vld [tilespmem:$0x700]  }
0x24e: {  	v3 =	vld.idx.msk [tilespmem:v5+s4+$0x0], $0xffff;
	_ =	sdelay $0x4  }
0x24f: {  	v3 =	vsel vm0, v63, v3  }
0x250: {  	[tilespmem:s8+$0x400] =	vst v3  }
0x251: {  	[hbm4b:s23+s29] =	stream.strided.scatter [tilespmem:s30], [sflag:$0x1], $0x100, s30, s29, $0x38;
	[tilespmem:$0x780] =	vst v63  }
0x252: {  	s8 =	spop (v2sf)  }
0x253: {  	_ =	swait.ge [sflag:s31], $0x100  }
0x254: {  	[sflag:s31] =	ssyncset.done $0x0  }
0x255: {  	[sflag:s31] =	ssyncadd.s32 $0xFFFFFF00  }
0x256: {  	[hbm4b:s25+s29] =	stream.strided.scatter [tilespmem:s2], [sflag:$0x1], $0x100, s30, s29, $0x38;
	[tilespmem:$0x780] =	vst v63  }
0x257: {  	s5 =	sadd.s32 $0x1, s5;
	_ =	swait.ge [sflag:s31], $0x100  }
0x258: {  	p0 =	sne.s32 s5, s28;
	[sflag:s31] =	ssyncset.done $0x0  }
.Ltmp8:
0x259: {  	[sflag:s31] =	ssyncadd.s32 $0xFFFFFF00;
	(pc) =	sbr.rel @p0 .LBB2_1-.Ltmp8, $4  }
0x25a: {  	[hbm4b:s26+s29] =	stream.strided.scatter [tilespmem:s3], [sflag:$0x1], $0x100, s30, s29, $0x38;
	[tilespmem:$0x780] =	vst v63  }
0x25b: {  	_ =	swait.ge [sflag:s31], $0x100  }
0x25c: {  	[sflag:s31] =	ssyncset.done $0x0  }
0x25d: {  	vm0 =	vcmask $0x704;
	[sflag:s31] =	ssyncadd.s32 $0xFFFFFF00  }
0x25e: {  	_ =	sfence.sel $0x180000  }
0x25f: {  	[bflag:$0x0] =	sbarrier.arrive $0xFFFF  }
0x260: {  	_ =	strace $0x90000047  }
0x261: {  	s0 =	stileid.u32;
	[bflag:$0x2] =	sbarrier.arrive $0xFFFF  }
0x262: {  	p0 =	sne.s32 s0, $0x0;
	s0 =	rddreg [dreg:$0x3]  }
0x263: {  	s0 =	sadd.s32 @!p0 $0x100000, s0  }
0x264: {  	[sflag:s0] =	ssyncadd.tile.s32 @!p0 $0x1;
	_ =	shalt  }
.Lfunc_end2:
_tile_overlayer_lowered:
.L_overlay_start_2:
0x265: {  	(tag) =	ssettag $0x2  }
0x266: {  	s0 =	rddreg [dreg:$0x0];
	s2 =	stileid.u32  }
0x267: {  	s1 =	rddreg [dreg:$0x1];
	p0 =	sne.s32 s2, $0x0  }
0x268: {  	s3 =	rddreg [dreg:$0x2];
	[bflag:$0x3] =	sbarrier.arrive $0xFFFF;
	s2 =	simm.s32 @!p0 $0x1C01  }
0x269: {  	[timem:s3], [sflag:s2] =	dma.local @!p0 [hbm:s0], s1  }
0x26a: {  	s0 =	simm.s32 @!p0 $0x1  }
0x26b: {  	_ =	swait.ge @!p0 [sflag:s0], s1  }
0x26c: {  	s1 =	ssub.s32 @!p0 $0x0, s1;
	[sflag:s0] =	ssyncset.done @!p0 $0x0  }
0x26d: {  	[sflag:s0] =	ssyncadd.s32 @!p0 s1  }
0x26e: {  	[bflag:$0x3] =	sbarrier.arrive $0xFFFF  }
0x26f: {  	_ =	shalt  }

</sc_bundles>
